<compile_context>
chip_gen: v7x
topology: tpu7x:2x2x1
jax: 0.10.2.dev20260603
libtpu: 0.0.44.dev20260713+nightly
codegen_flags: <defaults>
</compile_context>

<pallas_src>
import functools

import jax
import jax.numpy as jnp
from jax import lax
from jax.experimental import pallas as pl
from jax.experimental.pallas import tpu as pltpu
from jax.experimental.pallas import tpu_sc as plsc

_D = 64
_L = 128
_P = 129
_NBUF = 2


def _build(B, H):
    NW = 32
    nblk = H * (B // _L)
    blk_per_w = nblk // NW
    rblk = B // _L

    mesh = plsc.VectorSubcoreMesh(core_axis_name="c", subcore_axis_name="s")

    @functools.partial(
        pl.kernel,
        mesh=mesh,
        out_type=jax.ShapeDtypeStruct((H, _D // 8, rblk, 8, _L), jnp.float32),
        scratch_types=[
            pltpu.VMEM((_NBUF, _L), jnp.int32),
            pltpu.VMEM((_NBUF, _L, _D), jnp.float32),
            pltpu.VMEM((_NBUF, _D // 8, 8, _P), jnp.float32),
            pltpu.SemaphoreType.DMA((_NBUF,)),
            pltpu.SemaphoreType.DMA((_NBUF,)),
            pltpu.SemaphoreType.DMA((_NBUF,)),
        ],
        compiler_params=pltpu.CompilerParams(
            use_tc_tiling_on_sc=False, needs_layout_passes=False
        ),
    )
    def k(ctx_hbm, table_hbm, out_hbm, idx_v, rows_v, tr_v, sem_i, sem_g, sem_o):
        def ctx_row(j):
            h = lax.div(j, rblk)
            r = lax.rem(j, rblk)
            return ctx_hbm.at[lax.div(h, 8), r, lax.rem(h, 8)]
        wid = lax.axis_index("s") * 2 + lax.axis_index("c")
        blk0 = wid * blk_per_w
        lanes = lax.iota(jnp.int32, 16)
        chi_vecs = [(lanes + 16 * g) // 8 for g in range(_D // 16)]
        clo_vecs = [lax.rem(lanes + 16 * g, 8) for g in range(_D // 16)]

        def out_copies(j, b, start):
            h = lax.div(j, rblk)
            r = lax.rem(j, rblk)
            cp = pltpu.make_async_copy(
                tr_v.at[b, :, :, pl.ds(0, _L)],
                out_hbm.at[h, :, r],
                sem_o.at[b],
            )
            if start:
                cp.start()
            else:
                cp.wait()

        def body(i, carry):
            for b in range(_NBUF):
                j = blk0 + i * _NBUF + b
                pltpu.make_async_copy(
                    table_hbm.at[idx_v.at[b]], rows_v.at[b], sem_g.at[b]
                ).wait()

                @pl.when(i > 0)
                def _wait_prev_out():
                    out_copies(j - _NBUF, b, start=False)

                @pl.when(i * _NBUF + b + _NBUF < blk_per_w)
                def _prefetch_idx():
                    pltpu.async_copy(ctx_row(j + _NBUF), idx_v.at[b], sem_i.at[b])

                def tgrp(rg, carry2):
                    for rl in range(8):
                        rsplat = jnp.full((16,), 8 * rg + rl, dtype=jnp.int32)
                        for g in range(_D // 16):
                            v = rows_v[b, 8 * rg + rl, pl.ds(16 * g, 16)]
                            plsc.store_scatter(
                                tr_v.at[b], [chi_vecs[g], clo_vecs[g], rsplat], v
                            )
                    return carry2

                lax.fori_loop(0, _L // 8, tgrp, 0)

                out_copies(j, b, start=True)

                @pl.when(i * _NBUF + b + _NBUF < blk_per_w)
                def _next_gather():
                    pltpu.make_async_copy(
                        ctx_row(j + _NBUF), idx_v.at[b], sem_i.at[b]
                    ).wait()
                    pltpu.async_copy(
                        table_hbm.at[idx_v.at[b]], rows_v.at[b], sem_g.at[b]
                    )

            return carry

        for b in range(_NBUF):
            pltpu.sync_copy(ctx_row(blk0 + b), idx_v.at[b])
            pltpu.async_copy(table_hbm.at[idx_v.at[b]], rows_v.at[b], sem_g.at[b])

        lax.fori_loop(0, blk_per_w // _NBUF, body, 0)

        for b in range(_NBUF):
            out_copies(blk0 + blk_per_w - _NBUF + b, b, start=False)

    return k


def kernel(context, table):
    B, H = context.shape
    ctx_phys = context.reshape(B // _L, _L, H // 8, 8).transpose(2, 0, 3, 1)
    out5 = _build(B, H)(ctx_phys, table)
    return out5.transpose(2, 4, 0, 1, 3).reshape(B, H, _D)

# --- scband reference (transcript-rebuilt; emitter-appended) ---
"""Pipeline reference for scband-entity-embedding-10608569221501 (READ-ONLY COPY).

The authoritative reference and input builder live on the scoring server;
editing this copy changes nothing except your own understanding.
"""

import jax, jax.numpy as jnp
import numpy as np

REL_SIZE = 1000000
REL_DIM = 64
BATCH = 16384
HIST = 200

def setup_inputs(seed: int = 0) -> dict:
    key = jax.random.key(seed)
    k_idx, k_tab = jax.random.split(key)
    context = jax.random.randint(k_idx, (BATCH, HIST), 0, REL_SIZE, dtype=jnp.int64 if jax.config.jax_enable_x64 else jnp.int32).astype(jnp.int32)
    # Frozen entity embedding table (stands in for torch.load(entity_path) densified sparse tensor)
    table = jax.random.normal(k_tab, (REL_SIZE, REL_DIM), dtype=jnp.float32)
    return {"context": context, "table": table}

def reference(context, table):
    # EntityEmbedding.forward: frozen nn.Embedding lookup
    entity_emb = jnp.take(table, context, axis=0)
    return entity_emb

if __name__ == "__main__":
    import jax
    _d = setup_inputs()
    print(jax.jit(kernel)(*tuple(_d.values())))

</pallas_src>

<mosaic_0001>
#map = affine_map<(d0, d1) -> (0, 0, 0, 0)>
#map1 = affine_map<(d0, d1) -> (0, 0)>
#map2 = affine_map<(d0, d1) -> (0, 0, 0, 0, 0)>
module attributes {stable_mosaic.version = 14 : i64} {
  func.func @k(%arg0: i32, %arg1: i32, %arg2: memref<25x128x8x128xi32, #tpu.memory_space<hbm>>, %arg3: memref<1000000x64xf32, #tpu.memory_space<hbm>>, %arg4: memref<200x8x128x8x128xf32, #tpu.memory_space<hbm>>, %arg5: memref<2x128xi32, #tpu.memory_space<vmem>>, %arg6: memref<2x128x64xf32, #tpu.memory_space<vmem>>, %arg7: memref<2x8x8x129xf32, #tpu.memory_space<vmem>>, %arg8: memref<2x!tpu.dma_semaphore, #tpu.memory_space<semaphore_mem>>, %arg9: memref<2x!tpu.dma_semaphore, #tpu.memory_space<semaphore_mem>>, %arg10: memref<2x!tpu.dma_semaphore, #tpu.memory_space<semaphore_mem>>) attributes {dimension_semantics = [#tpu.dimension_semantics<core_parallel>, #tpu.dimension_semantics<subcore_parallel>], iteration_bounds = array<i64: 2, 16>, scalar_prefetch = 0 : i64, scratch_operands = 6 : i64, tpu.core_type = #tpu.core_type<sc_vector_subcore>, window_params = [{transform_indices = #map}, {transform_indices = #map1}, {transform_indices = #map2}]} {
    %mul3A = arith.constant 2 : i32
    %mul3A_0 = arith.muli %arg1, %mul3A : i32
    %add3A = arith.addi %mul3A_0, %arg0 : i32
    %mul3A_1 = arith.constant 800 : i32
    %mul3A_2 = arith.muli %add3A, %mul3A_1 : i32
    %iota3A = tpu.iota {dimensions = array<i32: 0>} : vector<16xi32>
    %add3A_3 = arith.constant 0 : i32
    %add3A_4 = vector.broadcast %add3A_3 : i32 to vector<16xi32>
    %add3A_5 = arith.addi %iota3A, %add3A_4 : vector<16xi32>
    %jit3A = arith.constant 8 : i32
    %div3A = vector.broadcast %jit3A : i32 to vector<16xi32>
    %div3A_6 = arith.divsi %add3A_5, %div3A : vector<16xi32>
    %sign3A = arith.constant 0 : i32
    %sign3A_7 = vector.broadcast %sign3A : i32 to vector<16xi32>
    %sign3A_8 = arith.cmpi sgt, %add3A_5, %sign3A_7 : vector<16xi32>
    %sign3A_9 = arith.extui %sign3A_8 : vector<16xi1> to vector<16xi32>
    %sign3A_10 = arith.constant 0 : i32
    %sign3A_11 = vector.broadcast %sign3A_10 : i32 to vector<16xi32>
    %sign3A_12 = arith.cmpi slt, %add3A_5, %sign3A_11 : vector<16xi32>
    %sign3A_13 = arith.extui %sign3A_12 : vector<16xi1> to vector<16xi32>
    %sign3A_14 = arith.subi %sign3A_9, %sign3A_13 : vector<16xi32>
    %sign3A_15 = arith.constant 0 : i32
    %sign3A_16 = arith.cmpi sgt, %jit3A, %sign3A_15 : i32
    %sign3A_17 = arith.extui %sign3A_16 : i1 to i32
    %sign3A_18 = arith.constant 0 : i32
    %sign3A_19 = arith.cmpi slt, %jit3A, %sign3A_18 : i32
    %sign3A_20 = arith.extui %sign3A_19 : i1 to i32
    %sign3A_21 = arith.subi %sign3A_17, %sign3A_20 : i32
    %ne3A = vector.broadcast %sign3A_21 : i32 to vector<16xi32>
    %ne3A_22 = arith.cmpi ne, %sign3A_14, %ne3A : vector<16xi32>
    %rem3A = vector.broadcast %jit3A : i32 to vector<16xi32>
    %rem3A_23 = arith.remsi %add3A_5, %rem3A : vector<16xi32>
    %ne3A_24 = arith.constant 0 : i32
    %ne3A_25 = vector.broadcast %ne3A_24 : i32 to vector<16xi32>
    %ne3A_26 = arith.cmpi ne, %rem3A_23, %ne3A_25 : vector<16xi32>
    %and3A = arith.andi %ne3A_22, %ne3A_26 : vector<16xi1>
    %sub3A = arith.constant 1 : i32
    %sub3A_27 = vector.broadcast %sub3A : i32 to vector<16xi32>
    %sub3A_28 = arith.subi %div3A_6, %sub3A_27 : vector<16xi32>
    %select_n3A = arith.select %and3A, %sub3A_28, %div3A_6 : vector<16xi1>, vector<16xi32>
    %add3A_29 = arith.constant 16 : i32
    %add3A_30 = vector.broadcast %add3A_29 : i32 to vector<16xi32>
    %add3A_31 = arith.addi %iota3A, %add3A_30 : vector<16xi32>
    %jit3A_32 = arith.constant 8 : i32
    %div3A_33 = vector.broadcast %jit3A_32 : i32 to vector<16xi32>
    %div3A_34 = arith.divsi %add3A_31, %div3A_33 : vector<16xi32>
    %sign3A_35 = arith.constant 0 : i32
    %sign3A_36 = vector.broadcast %sign3A_35 : i32 to vector<16xi32>
    %sign3A_37 = arith.cmpi sgt, %add3A_31, %sign3A_36 : vector<16xi32>
    %sign3A_38 = arith.extui %sign3A_37 : vector<16xi1> to vector<16xi32>
    %sign3A_39 = arith.constant 0 : i32
    %sign3A_40 = vector.broadcast %sign3A_39 : i32 to vector<16xi32>
    %sign3A_41 = arith.cmpi slt, %add3A_31, %sign3A_40 : vector<16xi32>
    %sign3A_42 = arith.extui %sign3A_41 : vector<16xi1> to vector<16xi32>
    %sign3A_43 = arith.subi %sign3A_38, %sign3A_42 : vector<16xi32>
    %sign3A_44 = arith.constant 0 : i32
    %sign3A_45 = arith.cmpi sgt, %jit3A_32, %sign3A_44 : i32
    %sign3A_46 = arith.extui %sign3A_45 : i1 to i32
    %sign3A_47 = arith.constant 0 : i32
    %sign3A_48 = arith.cmpi slt, %jit3A_32, %sign3A_47 : i32
    %sign3A_49 = arith.extui %sign3A_48 : i1 to i32
    %sign3A_50 = arith.subi %sign3A_46, %sign3A_49 : i32
    %ne3A_51 = vector.broadcast %sign3A_50 : i32 to vector<16xi32>
    %ne3A_52 = arith.cmpi ne, %sign3A_43, %ne3A_51 : vector<16xi32>
    %rem3A_53 = vector.broadcast %jit3A_32 : i32 to vector<16xi32>
    %rem3A_54 = arith.remsi %add3A_31, %rem3A_53 : vector<16xi32>
    %ne3A_55 = arith.constant 0 : i32
    %ne3A_56 = vector.broadcast %ne3A_55 : i32 to vector<16xi32>
    %ne3A_57 = arith.cmpi ne, %rem3A_54, %ne3A_56 : vector<16xi32>
    %and3A_58 = arith.andi %ne3A_52, %ne3A_57 : vector<16xi1>
    %sub3A_59 = arith.constant 1 : i32
    %sub3A_60 = vector.broadcast %sub3A_59 : i32 to vector<16xi32>
    %sub3A_61 = arith.subi %div3A_34, %sub3A_60 : vector<16xi32>
    %select_n3A_62 = arith.select %and3A_58, %sub3A_61, %div3A_34 : vector<16xi1>, vector<16xi32>
    %add3A_63 = arith.constant 32 : i32
    %add3A_64 = vector.broadcast %add3A_63 : i32 to vector<16xi32>
    %add3A_65 = arith.addi %iota3A, %add3A_64 : vector<16xi32>
    %jit3A_66 = arith.constant 8 : i32
    %div3A_67 = vector.broadcast %jit3A_66 : i32 to vector<16xi32>
    %div3A_68 = arith.divsi %add3A_65, %div3A_67 : vector<16xi32>
    %sign3A_69 = arith.constant 0 : i32
    %sign3A_70 = vector.broadcast %sign3A_69 : i32 to vector<16xi32>
    %sign3A_71 = arith.cmpi sgt, %add3A_65, %sign3A_70 : vector<16xi32>
    %sign3A_72 = arith.extui %sign3A_71 : vector<16xi1> to vector<16xi32>
    %sign3A_73 = arith.constant 0 : i32
    %sign3A_74 = vector.broadcast %sign3A_73 : i32 to vector<16xi32>
    %sign3A_75 = arith.cmpi slt, %add3A_65, %sign3A_74 : vector<16xi32>
    %sign3A_76 = arith.extui %sign3A_75 : vector<16xi1> to vector<16xi32>
    %sign3A_77 = arith.subi %sign3A_72, %sign3A_76 : vector<16xi32>
    %sign3A_78 = arith.constant 0 : i32
    %sign3A_79 = arith.cmpi sgt, %jit3A_66, %sign3A_78 : i32
    %sign3A_80 = arith.extui %sign3A_79 : i1 to i32
    %sign3A_81 = arith.constant 0 : i32
    %sign3A_82 = arith.cmpi slt, %jit3A_66, %sign3A_81 : i32
    %sign3A_83 = arith.extui %sign3A_82 : i1 to i32
    %sign3A_84 = arith.subi %sign3A_80, %sign3A_83 : i32
    %ne3A_85 = vector.broadcast %sign3A_84 : i32 to vector<16xi32>
    %ne3A_86 = arith.cmpi ne, %sign3A_77, %ne3A_85 : vector<16xi32>
    %rem3A_87 = vector.broadcast %jit3A_66 : i32 to vector<16xi32>
    %rem3A_88 = arith.remsi %add3A_65, %rem3A_87 : vector<16xi32>
    %ne3A_89 = arith.constant 0 : i32
    %ne3A_90 = vector.broadcast %ne3A_89 : i32 to vector<16xi32>
    %ne3A_91 = arith.cmpi ne, %rem3A_88, %ne3A_90 : vector<16xi32>
    %and3A_92 = arith.andi %ne3A_86, %ne3A_91 : vector<16xi1>
    %sub3A_93 = arith.constant 1 : i32
    %sub3A_94 = vector.broadcast %sub3A_93 : i32 to vector<16xi32>
    %sub3A_95 = arith.subi %div3A_68, %sub3A_94 : vector<16xi32>
    %select_n3A_96 = arith.select %and3A_92, %sub3A_95, %div3A_68 : vector<16xi1>, vector<16xi32>
    %add3A_97 = arith.constant 48 : i32
    %add3A_98 = vector.broadcast %add3A_97 : i32 to vector<16xi32>
    %add3A_99 = arith.addi %iota3A, %add3A_98 : vector<16xi32>
    %jit3A_100 = arith.constant 8 : i32
    %div3A_101 = vector.broadcast %jit3A_100 : i32 to vector<16xi32>
    %div3A_102 = arith.divsi %add3A_99, %div3A_101 : vector<16xi32>
    %sign3A_103 = arith.constant 0 : i32
    %sign3A_104 = vector.broadcast %sign3A_103 : i32 to vector<16xi32>
    %sign3A_105 = arith.cmpi sgt, %add3A_99, %sign3A_104 : vector<16xi32>
    %sign3A_106 = arith.extui %sign3A_105 : vector<16xi1> to vector<16xi32>
    %sign3A_107 = arith.constant 0 : i32
    %sign3A_108 = vector.broadcast %sign3A_107 : i32 to vector<16xi32>
    %sign3A_109 = arith.cmpi slt, %add3A_99, %sign3A_108 : vector<16xi32>
    %sign3A_110 = arith.extui %sign3A_109 : vector<16xi1> to vector<16xi32>
    %sign3A_111 = arith.subi %sign3A_106, %sign3A_110 : vector<16xi32>
    %sign3A_112 = arith.constant 0 : i32
    %sign3A_113 = arith.cmpi sgt, %jit3A_100, %sign3A_112 : i32
    %sign3A_114 = arith.extui %sign3A_113 : i1 to i32
    %sign3A_115 = arith.constant 0 : i32
    %sign3A_116 = arith.cmpi slt, %jit3A_100, %sign3A_115 : i32
    %sign3A_117 = arith.extui %sign3A_116 : i1 to i32
    %sign3A_118 = arith.subi %sign3A_114, %sign3A_117 : i32
    %ne3A_119 = vector.broadcast %sign3A_118 : i32 to vector<16xi32>
    %ne3A_120 = arith.cmpi ne, %sign3A_111, %ne3A_119 : vector<16xi32>
    %rem3A_121 = vector.broadcast %jit3A_100 : i32 to vector<16xi32>
    %rem3A_122 = arith.remsi %add3A_99, %rem3A_121 : vector<16xi32>
    %ne3A_123 = arith.constant 0 : i32
    %ne3A_124 = vector.broadcast %ne3A_123 : i32 to vector<16xi32>
    %ne3A_125 = arith.cmpi ne, %rem3A_122, %ne3A_124 : vector<16xi32>
    %and3A_126 = arith.andi %ne3A_120, %ne3A_125 : vector<16xi1>
    %sub3A_127 = arith.constant 1 : i32
    %sub3A_128 = vector.broadcast %sub3A_127 : i32 to vector<16xi32>
    %sub3A_129 = arith.subi %div3A_102, %sub3A_128 : vector<16xi32>
    %select_n3A_130 = arith.select %and3A_126, %sub3A_129, %div3A_102 : vector<16xi1>, vector<16xi32>
    %add3A_131 = arith.constant 0 : i32
    %add3A_132 = vector.broadcast %add3A_131 : i32 to vector<16xi32>
    %add3A_133 = arith.addi %iota3A, %add3A_132 : vector<16xi32>
    %rem3A_134 = arith.constant 8 : i32
    %rem3A_135 = vector.broadcast %rem3A_134 : i32 to vector<16xi32>
    %rem3A_136 = arith.remsi %add3A_133, %rem3A_135 : vector<16xi32>
    %add3A_137 = arith.constant 16 : i32
    %add3A_138 = vector.broadcast %add3A_137 : i32 to vector<16xi32>
    %add3A_139 = arith.addi %iota3A, %add3A_138 : vector<16xi32>
    %rem3A_140 = arith.constant 8 : i32
    %rem3A_141 = vector.broadcast %rem3A_140 : i32 to vector<16xi32>
    %rem3A_142 = arith.remsi %add3A_139, %rem3A_141 : vector<16xi32>
    %add3A_143 = arith.constant 32 : i32
    %add3A_144 = vector.broadcast %add3A_143 : i32 to vector<16xi32>
    %add3A_145 = arith.addi %iota3A, %add3A_144 : vector<16xi32>
    %rem3A_146 = arith.constant 8 : i32
    %rem3A_147 = vector.broadcast %rem3A_146 : i32 to vector<16xi32>
    %rem3A_148 = arith.remsi %add3A_145, %rem3A_147 : vector<16xi32>
    %add3A_149 = arith.constant 48 : i32
    %add3A_150 = vector.broadcast %add3A_149 : i32 to vector<16xi32>
    %add3A_151 = arith.addi %iota3A, %add3A_150 : vector<16xi32>
    %rem3A_152 = arith.constant 8 : i32
    %rem3A_153 = vector.broadcast %rem3A_152 : i32 to vector<16xi32>
    %rem3A_154 = arith.remsi %add3A_151, %rem3A_153 : vector<16xi32>
    %add3A_155 = arith.constant 0 : i32
    %add3A_156 = arith.addi %mul3A_2, %add3A_155 : i32
    %div3A_157 = arith.constant 128 : i32
    %div3A_158 = arith.divsi %add3A_156, %div3A_157 : i32
    %rem3A_159 = arith.constant 128 : i32
    %rem3A_160 = arith.remsi %add3A_156, %rem3A_159 : i32
    %div3A_161 = arith.constant 8 : i32
    %div3A_162 = arith.divsi %div3A_158, %div3A_161 : i32
    %rem3A_163 = arith.constant 8 : i32
    %rem3A_164 = arith.remsi %div3A_158, %rem3A_163 : i32
    %run_scoped3A = arith.constant 0 : i32
    "tpu.region"() ({
      %run_scoped3A_277 = tpu.sem_alloc : memref<!tpu.dma_semaphore, #tpu.memory_space<semaphore_mem>>
      %dma_start3A_278 = arith.constant 0 : i32
      %dma_start3A_279 = tpu.memref_slice %arg5[%run_scoped3A, %dma_start3A_278] : memref<2x128xi32, #tpu.memory_space<vmem>> -> memref<1x128xi32, #tpu.memory_space<vmem>>
      %dma_start3A_280 = tpu.memref_squeeze %dma_start3A_279 : memref<1x128xi32, #tpu.memory_space<vmem>> -> memref<128xi32, #tpu.memory_space<vmem>>
      %dma_start3A_281 = arith.constant 0 : i32
      %dma_start3A_282 = tpu.memref_slice %arg2[%div3A_162, %rem3A_160, %rem3A_164, %dma_start3A_281] : memref<25x128x8x128xi32, #tpu.memory_space<hbm>> -> memref<1x1x1x128xi32, #tpu.memory_space<hbm>>
      %dma_start3A_283 = tpu.memref_squeeze %dma_start3A_282 : memref<1x1x1x128xi32, #tpu.memory_space<hbm>> -> memref<128xi32, #tpu.memory_space<hbm>>
      %dma_start3A_284 = arith.constant 0 : i32
      %dma_start3A_285 = tpu.memref_slice %arg5[%run_scoped3A, %dma_start3A_284] : memref<2x128xi32, #tpu.memory_space<vmem>> -> memref<1x128xi32, #tpu.memory_space<vmem>>
      %dma_start3A_286 = tpu.memref_squeeze %dma_start3A_285 : memref<1x128xi32, #tpu.memory_space<vmem>> -> memref<128xi32, #tpu.memory_space<vmem>>
      %dma_start3A_287 = arith.constant 0 : i32
      %dma_start3A_288 = tpu.memref_slice %arg2[%div3A_162, %rem3A_160, %rem3A_164, %dma_start3A_287] : memref<25x128x8x128xi32, #tpu.memory_space<hbm>> -> memref<1x1x1x128xi32, #tpu.memory_space<hbm>>
      %dma_start3A_289 = tpu.memref_squeeze %dma_start3A_288 : memref<1x1x1x128xi32, #tpu.memory_space<hbm>> -> memref<128xi32, #tpu.memory_space<hbm>>
      tpu.enqueue_dma source(%dma_start3A_289 : memref<128xi32, #tpu.memory_space<hbm>>) target(%dma_start3A_286 : memref<128xi32, #tpu.memory_space<vmem>>) target_semaphore(%run_scoped3A_277 : memref<!tpu.dma_semaphore, #tpu.memory_space<semaphore_mem>>)
      %dma_wait3A_290 = arith.constant 0 : i32
      %dma_wait3A_291 = tpu.memref_slice %arg5[%run_scoped3A, %dma_wait3A_290] : memref<2x128xi32, #tpu.memory_space<vmem>> -> memref<1x128xi32, #tpu.memory_space<vmem>>
      %dma_wait3A_292 = tpu.memref_squeeze %dma_wait3A_291 : memref<1x128xi32, #tpu.memory_space<vmem>> -> memref<128xi32, #tpu.memory_space<vmem>>
      %dma_wait3A_293 = arith.constant 0 : i32
      %dma_wait3A_294 = tpu.memref_slice %arg2[%div3A_162, %rem3A_160, %rem3A_164, %dma_wait3A_293] : memref<25x128x8x128xi32, #tpu.memory_space<hbm>> -> memref<1x1x1x128xi32, #tpu.memory_space<hbm>>
      %dma_wait3A_295 = tpu.memref_squeeze %dma_wait3A_294 : memref<1x1x1x128xi32, #tpu.memory_space<hbm>> -> memref<128xi32, #tpu.memory_space<hbm>>
      %dma_wait3A_296 = arith.constant 0 : i32
      %dma_wait3A_297 = tpu.memref_slice %arg5[%run_scoped3A, %dma_wait3A_296] : memref<2x128xi32, #tpu.memory_space<vmem>> -> memref<1x128xi32, #tpu.memory_space<vmem>>
      %dma_wait3A_298 = tpu.memref_squeeze %dma_wait3A_297 : memref<1x128xi32, #tpu.memory_space<vmem>> -> memref<128xi32, #tpu.memory_space<vmem>>
      %dma_wait3A_299 = arith.constant 0 : i32
      %dma_wait3A_300 = tpu.memref_slice %arg2[%div3A_162, %rem3A_160, %rem3A_164, %dma_wait3A_299] : memref<25x128x8x128xi32, #tpu.memory_space<hbm>> -> memref<1x1x1x128xi32, #tpu.memory_space<hbm>>
      %dma_wait3A_301 = tpu.memref_squeeze %dma_wait3A_300 : memref<1x1x1x128xi32, #tpu.memory_space<hbm>> -> memref<128xi32, #tpu.memory_space<hbm>>
      tpu.wait_dma2 semaphore(%run_scoped3A_277 : memref<!tpu.dma_semaphore, #tpu.memory_space<semaphore_mem>>) src(%dma_wait3A_301 : memref<128xi32, #tpu.memory_space<hbm>>) dst(%dma_wait3A_298 : memref<128xi32, #tpu.memory_space<vmem>>)
      tpu.yield
    }) : () -> ()
    %dma_start3A = arith.constant 0 : i32
    %dma_start3A_165 = arith.constant 0 : i32
    %dma_start3A_166 = arith.constant 0 : i32
    %dma_start3A_167 = arith.constant 0 : i32
    %dma_start3A_168 = arith.constant 0 : i32
    %dma_start3A_169 = tpu.memref_slice %arg6[%dma_start3A_165, %dma_start3A_167, %dma_start3A_168] : memref<2x128x64xf32, #tpu.memory_space<vmem>> -> memref<1x128x64xf32, #tpu.memory_space<vmem>>
    %dma_start3A_170 = tpu.memref_squeeze %dma_start3A_169 : memref<1x128x64xf32, #tpu.memory_space<vmem>> -> memref<128x64xf32, #tpu.memory_space<vmem>>
    %dma_start3A_171 = arith.constant 0 : i32
    %dma_start3A_172 = tpu.memref_slice %arg5[%dma_start3A, %dma_start3A_171] : memref<2x128xi32, #tpu.memory_space<vmem>> -> memref<1x128xi32, #tpu.memory_space<vmem>>
    %dma_start3A_173 = tpu.memref_squeeze %dma_start3A_172 : memref<1x128xi32, #tpu.memory_space<vmem>> -> memref<128xi32, #tpu.memory_space<vmem>>
    %dma_start3A_174 = arith.constant 0 : i32
    %dma_start3A_175 = arith.constant 0 : i32
    %dma_start3A_176 = tpu.memref_slice %arg3[%dma_start3A_174, %dma_start3A_175] : memref<1000000x64xf32, #tpu.memory_space<hbm>> -> memref<1000000x64xf32, #tpu.memory_space<hbm>>
    %dma_start3A_177 = tpu.memref_slice %arg9[%dma_start3A_166] : memref<2x!tpu.dma_semaphore, #tpu.memory_space<semaphore_mem>> -> memref<1x!tpu.dma_semaphore, #tpu.memory_space<semaphore_mem>>
    %dma_start3A_178 = tpu.memref_squeeze %dma_start3A_177 : memref<1x!tpu.dma_semaphore, #tpu.memory_space<semaphore_mem>> -> memref<!tpu.dma_semaphore, #tpu.memory_space<semaphore_mem>>
    tpu.enqueue_indirect_dma source(%dma_start3A_176 : memref<1000000x64xf32, #tpu.memory_space<hbm>>) target(%dma_start3A_170 : memref<128x64xf32, #tpu.memory_space<vmem>>) offsets(%dma_start3A_173 : memref<128xi32, #tpu.memory_space<vmem>>) semaphore(%dma_start3A_178 : memref<!tpu.dma_semaphore, #tpu.memory_space<semaphore_mem>>)
    %add3A_179 = arith.constant 1 : i32
    %add3A_180 = arith.addi %mul3A_2, %add3A_179 : i32
    %div3A_181 = arith.constant 128 : i32
    %div3A_182 = arith.divsi %add3A_180, %div3A_181 : i32
    %rem3A_183 = arith.constant 128 : i32
    %rem3A_184 = arith.remsi %add3A_180, %rem3A_183 : i32
    %div3A_185 = arith.constant 8 : i32
    %div3A_186 = arith.divsi %div3A_182, %div3A_185 : i32
    %rem3A_187 = arith.constant 8 : i32
    %rem3A_188 = arith.remsi %div3A_182, %rem3A_187 : i32
    %run_scoped3A_189 = arith.constant 1 : i32
    "tpu.region"() ({
      %run_scoped3A_277 = tpu.sem_alloc : memref<!tpu.dma_semaphore, #tpu.memory_space<semaphore_mem>>
      %dma_start3A_278 = arith.constant 0 : i32
      %dma_start3A_279 = tpu.memref_slice %arg5[%run_scoped3A_189, %dma_start3A_278] : memref<2x128xi32, #tpu.memory_space<vmem>> -> memref<1x128xi32, #tpu.memory_space<vmem>>
      %dma_start3A_280 = tpu.memref_squeeze %dma_start3A_279 : memref<1x128xi32, #tpu.memory_space<vmem>> -> memref<128xi32, #tpu.memory_space<vmem>>
      %dma_start3A_281 = arith.constant 0 : i32
      %dma_start3A_282 = tpu.memref_slice %arg2[%div3A_186, %rem3A_184, %rem3A_188, %dma_start3A_281] : memref<25x128x8x128xi32, #tpu.memory_space<hbm>> -> memref<1x1x1x128xi32, #tpu.memory_space<hbm>>
      %dma_start3A_283 = tpu.memref_squeeze %dma_start3A_282 : memref<1x1x1x128xi32, #tpu.memory_space<hbm>> -> memref<128xi32, #tpu.memory_space<hbm>>
      %dma_start3A_284 = arith.constant 0 : i32
      %dma_start3A_285 = tpu.memref_slice %arg5[%run_scoped3A_189, %dma_start3A_284] : memref<2x128xi32, #tpu.memory_space<vmem>> -> memref<1x128xi32, #tpu.memory_space<vmem>>
      %dma_start3A_286 = tpu.memref_squeeze %dma_start3A_285 : memref<1x128xi32, #tpu.memory_space<vmem>> -> memref<128xi32, #tpu.memory_space<vmem>>
      %dma_start3A_287 = arith.constant 0 : i32
      %dma_start3A_288 = tpu.memref_slice %arg2[%div3A_186, %rem3A_184, %rem3A_188, %dma_start3A_287] : memref<25x128x8x128xi32, #tpu.memory_space<hbm>> -> memref<1x1x1x128xi32, #tpu.memory_space<hbm>>
      %dma_start3A_289 = tpu.memref_squeeze %dma_start3A_288 : memref<1x1x1x128xi32, #tpu.memory_space<hbm>> -> memref<128xi32, #tpu.memory_space<hbm>>
      tpu.enqueue_dma source(%dma_start3A_289 : memref<128xi32, #tpu.memory_space<hbm>>) target(%dma_start3A_286 : memref<128xi32, #tpu.memory_space<vmem>>) target_semaphore(%run_scoped3A_277 : memref<!tpu.dma_semaphore, #tpu.memory_space<semaphore_mem>>)
      %dma_wait3A_290 = arith.constant 0 : i32
      %dma_wait3A_291 = tpu.memref_slice %arg5[%run_scoped3A_189, %dma_wait3A_290] : memref<2x128xi32, #tpu.memory_space<vmem>> -> memref<1x128xi32, #tpu.memory_space<vmem>>
      %dma_wait3A_292 = tpu.memref_squeeze %dma_wait3A_291 : memref<1x128xi32, #tpu.memory_space<vmem>> -> memref<128xi32, #tpu.memory_space<vmem>>
      %dma_wait3A_293 = arith.constant 0 : i32
      %dma_wait3A_294 = tpu.memref_slice %arg2[%div3A_186, %rem3A_184, %rem3A_188, %dma_wait3A_293] : memref<25x128x8x128xi32, #tpu.memory_space<hbm>> -> memref<1x1x1x128xi32, #tpu.memory_space<hbm>>
      %dma_wait3A_295 = tpu.memref_squeeze %dma_wait3A_294 : memref<1x1x1x128xi32, #tpu.memory_space<hbm>> -> memref<128xi32, #tpu.memory_space<hbm>>
      %dma_wait3A_296 = arith.constant 0 : i32
      %dma_wait3A_297 = tpu.memref_slice %arg5[%run_scoped3A_189, %dma_wait3A_296] : memref<2x128xi32, #tpu.memory_space<vmem>> -> memref<1x128xi32, #tpu.memory_space<vmem>>
      %dma_wait3A_298 = tpu.memref_squeeze %dma_wait3A_297 : memref<1x128xi32, #tpu.memory_space<vmem>> -> memref<128xi32, #tpu.memory_space<vmem>>
      %dma_wait3A_299 = arith.constant 0 : i32
      %dma_wait3A_300 = tpu.memref_slice %arg2[%div3A_186, %rem3A_184, %rem3A_188, %dma_wait3A_299] : memref<25x128x8x128xi32, #tpu.memory_space<hbm>> -> memref<1x1x1x128xi32, #tpu.memory_space<hbm>>
      %dma_wait3A_301 = tpu.memref_squeeze %dma_wait3A_300 : memref<1x1x1x128xi32, #tpu.memory_space<hbm>> -> memref<128xi32, #tpu.memory_space<hbm>>
      tpu.wait_dma2 semaphore(%run_scoped3A_277 : memref<!tpu.dma_semaphore, #tpu.memory_space<semaphore_mem>>) src(%dma_wait3A_301 : memref<128xi32, #tpu.memory_space<hbm>>) dst(%dma_wait3A_298 : memref<128xi32, #tpu.memory_space<vmem>>)
      tpu.yield
    }) : () -> ()
    %dma_start3A_190 = arith.constant 1 : i32
    %dma_start3A_191 = arith.constant 1 : i32
    %dma_start3A_192 = arith.constant 1 : i32
    %dma_start3A_193 = arith.constant 0 : i32
    %dma_start3A_194 = arith.constant 0 : i32
    %dma_start3A_195 = tpu.memref_slice %arg6[%dma_start3A_191, %dma_start3A_193, %dma_start3A_194] : memref<2x128x64xf32, #tpu.memory_space<vmem>> -> memref<1x128x64xf32, #tpu.memory_space<vmem>>
    %dma_start3A_196 = tpu.memref_squeeze %dma_start3A_195 : memref<1x128x64xf32, #tpu.memory_space<vmem>> -> memref<128x64xf32, #tpu.memory_space<vmem>>
    %dma_start3A_197 = arith.constant 0 : i32
    %dma_start3A_198 = tpu.memref_slice %arg5[%dma_start3A_190, %dma_start3A_197] : memref<2x128xi32, #tpu.memory_space<vmem>> -> memref<1x128xi32, #tpu.memory_space<vmem>>
    %dma_start3A_199 = tpu.memref_squeeze %dma_start3A_198 : memref<1x128xi32, #tpu.memory_space<vmem>> -> memref<128xi32, #tpu.memory_space<vmem>>
    %dma_start3A_200 = arith.constant 0 : i32
    %dma_start3A_201 = arith.constant 0 : i32
    %dma_start3A_202 = tpu.memref_slice %arg3[%dma_start3A_200, %dma_start3A_201] : memref<1000000x64xf32, #tpu.memory_space<hbm>> -> memref<1000000x64xf32, #tpu.memory_space<hbm>>
    %dma_start3A_203 = tpu.memref_slice %arg9[%dma_start3A_192] : memref<2x!tpu.dma_semaphore, #tpu.memory_space<semaphore_mem>> -> memref<1x!tpu.dma_semaphore, #tpu.memory_space<semaphore_mem>>
    %dma_start3A_204 = tpu.memref_squeeze %dma_start3A_203 : memref<1x!tpu.dma_semaphore, #tpu.memory_space<semaphore_mem>> -> memref<!tpu.dma_semaphore, #tpu.memory_space<semaphore_mem>>
    tpu.enqueue_indirect_dma source(%dma_start3A_202 : memref<1000000x64xf32, #tpu.memory_space<hbm>>) target(%dma_start3A_196 : memref<128x64xf32, #tpu.memory_space<vmem>>) offsets(%dma_start3A_199 : memref<128xi32, #tpu.memory_space<vmem>>) semaphore(%dma_start3A_204 : memref<!tpu.dma_semaphore, #tpu.memory_space<semaphore_mem>>)
    %scan3A = arith.constant 0 : i32
    %scan3A_205 = arith.constant 0 : i32
    %scan3A_206 = arith.constant 400 : i32
    %scan3A_207 = arith.addi %scan3A_205, %scan3A_206 : i32
    %scan3A_208 = arith.constant 1 : i32
    scf.for %scan3A_277 = %scan3A_205 to %scan3A_207 step %scan3A_208  : i32 {
      %mul3A_278 = arith.constant 2 : i32
      %mul3A_279 = arith.muli %scan3A_277, %mul3A_278 : i32
      %add3A_280 = arith.addi %mul3A_2, %mul3A_279 : i32
      %add3A_281 = arith.constant 0 : i32
      %add3A_282 = arith.addi %add3A_280, %add3A_281 : i32
      %dma_wait3A_283 = arith.constant 0 : i32
      %dma_wait3A_284 = arith.constant 0 : i32
      %dma_wait3A_285 = arith.constant 0 : i32
      %dma_wait3A_286 = arith.constant 0 : i32
      %dma_wait3A_287 = arith.constant 0 : i32
      %dma_wait3A_288 = tpu.memref_slice %arg6[%dma_wait3A_284, %dma_wait3A_286, %dma_wait3A_287] : memref<2x128x64xf32, #tpu.memory_space<vmem>> -> memref<1x128x64xf32, #tpu.memory_space<vmem>>
      %dma_wait3A_289 = tpu.memref_squeeze %dma_wait3A_288 : memref<1x128x64xf32, #tpu.memory_space<vmem>> -> memref<128x64xf32, #tpu.memory_space<vmem>>
      %dma_wait3A_290 = arith.constant 0 : i32
      %dma_wait3A_291 = tpu.memref_slice %arg5[%dma_wait3A_283, %dma_wait3A_290] : memref<2x128xi32, #tpu.memory_space<vmem>> -> memref<1x128xi32, #tpu.memory_space<vmem>>
      %dma_wait3A_292 = tpu.memref_squeeze %dma_wait3A_291 : memref<1x128xi32, #tpu.memory_space<vmem>> -> memref<128xi32, #tpu.memory_space<vmem>>
      %dma_wait3A_293 = arith.constant 0 : i32
      %dma_wait3A_294 = arith.constant 0 : i32
      %dma_wait3A_295 = tpu.memref_slice %arg3[%dma_wait3A_293, %dma_wait3A_294] : memref<1000000x64xf32, #tpu.memory_space<hbm>> -> memref<1000000x64xf32, #tpu.memory_space<hbm>>
      %dma_wait3A_296 = tpu.memref_slice %arg9[%dma_wait3A_285] : memref<2x!tpu.dma_semaphore, #tpu.memory_space<semaphore_mem>> -> memref<1x!tpu.dma_semaphore, #tpu.memory_space<semaphore_mem>>
      %dma_wait3A_297 = tpu.memref_squeeze %dma_wait3A_296 : memref<1x!tpu.dma_semaphore, #tpu.memory_space<semaphore_mem>> -> memref<!tpu.dma_semaphore, #tpu.memory_space<semaphore_mem>>
      tpu.wait_indirect_dma semaphore(%dma_wait3A_297 : memref<!tpu.dma_semaphore, #tpu.memory_space<semaphore_mem>>) src(%dma_wait3A_295 : memref<1000000x64xf32, #tpu.memory_space<hbm>>) dst(%dma_wait3A_289 : memref<128x64xf32, #tpu.memory_space<vmem>>)
      %gt3A = arith.constant 0 : i32
      %gt3A_298 = arith.cmpi sgt, %scan3A_277, %gt3A : i32
      %convert_element_type3A = arith.extui %gt3A_298 : i1 to i32
      %cond3A = arith.constant 0 : i32
      %cond3A_299 = arith.cmpi ne, %convert_element_type3A, %cond3A : i32
      scf.if %cond3A_299 {
        %sub3A_436 = arith.constant 2 : i32
        %sub3A_437 = arith.subi %add3A_282, %sub3A_436 : i32
        %div3A_438 = arith.constant 128 : i32
        %div3A_439 = arith.divsi %sub3A_437, %div3A_438 : i32
        %rem3A_440 = arith.constant 128 : i32
        %rem3A_441 = arith.remsi %sub3A_437, %rem3A_440 : i32
        %dma_wait3A_442 = arith.constant 0 : i32
        %dma_wait3A_443 = arith.constant 0 : i32
        %dma_wait3A_444 = arith.constant 0 : i32
        %dma_wait3A_445 = arith.constant 0 : i32
        %dma_wait3A_446 = arith.constant 0 : i32
        %dma_wait3A_447 = tpu.memref_slice %arg7[%dma_wait3A_442, %dma_wait3A_444, %dma_wait3A_445, %dma_wait3A_446] : memref<2x8x8x129xf32, #tpu.memory_space<vmem>> -> memref<1x8x8x128xf32, #tpu.memory_space<vmem>>
        %dma_wait3A_448 = tpu.memref_squeeze %dma_wait3A_447 : memref<1x8x8x128xf32, #tpu.memory_space<vmem>> -> memref<8x8x128xf32, #tpu.memory_space<vmem>>
        %dma_wait3A_449 = arith.constant 0 : i32
        %dma_wait3A_450 = arith.constant 0 : i32
        %dma_wait3A_451 = arith.constant 0 : i32
        %dma_wait3A_452 = tpu.memref_slice %arg4[%div3A_439, %dma_wait3A_449, %rem3A_441, %dma_wait3A_450, %dma_wait3A_451] : memref<200x8x128x8x128xf32, #tpu.memory_space<hbm>> -> memref<1x8x1x8x128xf32, #tpu.memory_space<hbm>>
        %dma_wait3A_453 = tpu.memref_squeeze %dma_wait3A_452 : memref<1x8x1x8x128xf32, #tpu.memory_space<hbm>> -> memref<8x8x128xf32, #tpu.memory_space<hbm>>
        %dma_wait3A_454 = tpu.memref_slice %arg10[%dma_wait3A_443] : memref<2x!tpu.dma_semaphore, #tpu.memory_space<semaphore_mem>> -> memref<1x!tpu.dma_semaphore, #tpu.memory_space<semaphore_mem>>
        %dma_wait3A_455 = tpu.memref_squeeze %dma_wait3A_454 : memref<1x!tpu.dma_semaphore, #tpu.memory_space<semaphore_mem>> -> memref<!tpu.dma_semaphore, #tpu.memory_space<semaphore_mem>>
        %dma_wait3A_456 = arith.constant 0 : i32
        %dma_wait3A_457 = arith.constant 0 : i32
        %dma_wait3A_458 = arith.constant 0 : i32
        %dma_wait3A_459 = tpu.memref_slice %arg4[%div3A_439, %dma_wait3A_456, %rem3A_441, %dma_wait3A_457, %dma_wait3A_458] : memref<200x8x128x8x128xf32, #tpu.memory_space<hbm>> -> memref<1x8x1x8x128xf32, #tpu.memory_space<hbm>>
        %dma_wait3A_460 = tpu.memref_squeeze %dma_wait3A_459 : memref<1x8x1x8x128xf32, #tpu.memory_space<hbm>> -> memref<8x8x128xf32, #tpu.memory_space<hbm>>
        %dma_wait3A_461 = arith.constant 0 : i32
        %dma_wait3A_462 = arith.constant 0 : i32
        %dma_wait3A_463 = arith.constant 0 : i32
        %dma_wait3A_464 = tpu.memref_slice %arg7[%dma_wait3A_442, %dma_wait3A_461, %dma_wait3A_462, %dma_wait3A_463] : memref<2x8x8x129xf32, #tpu.memory_space<vmem>> -> memref<1x8x8x128xf32, #tpu.memory_space<vmem>>
        %dma_wait3A_465 = tpu.memref_squeeze %dma_wait3A_464 : memref<1x8x8x128xf32, #tpu.memory_space<vmem>> -> memref<8x8x128xf32, #tpu.memory_space<vmem>>
        tpu.wait_dma2 semaphore(%dma_wait3A_455 : memref<!tpu.dma_semaphore, #tpu.memory_space<semaphore_mem>>) src(%dma_wait3A_465 : memref<8x8x128xf32, #tpu.memory_space<vmem>>) dst(%dma_wait3A_460 : memref<8x8x128xf32, #tpu.memory_space<hbm>>)
      } else {
      }
      %mul3A_300 = arith.constant 2 : i32
      %mul3A_301 = arith.muli %scan3A_277, %mul3A_300 : i32
      %add3A_302 = arith.constant 0 : i32
      %add3A_303 = arith.addi %mul3A_301, %add3A_302 : i32
      %add3A_304 = arith.constant 2 : i32
      %add3A_305 = arith.addi %add3A_303, %add3A_304 : i32
      %lt3A = arith.constant 800 : i32
      %lt3A_306 = arith.cmpi slt, %add3A_305, %lt3A : i32
      %convert_element_type3A_307 = arith.extui %lt3A_306 : i1 to i32
      %cond3A_308 = arith.constant 0 : i32
      %cond3A_309 = arith.cmpi ne, %convert_element_type3A_307, %cond3A_308 : i32
      scf.if %cond3A_309 {
        %add3A_436 = arith.constant 2 : i32
        %add3A_437 = arith.addi %add3A_282, %add3A_436 : i32
        %div3A_438 = arith.constant 128 : i32
        %div3A_439 = arith.divsi %add3A_437, %div3A_438 : i32
        %rem3A_440 = arith.constant 128 : i32
        %rem3A_441 = arith.remsi %add3A_437, %rem3A_440 : i32
        %div3A_442 = arith.constant 8 : i32
        %div3A_443 = arith.divsi %div3A_439, %div3A_442 : i32
        %rem3A_444 = arith.constant 8 : i32
        %rem3A_445 = arith.remsi %div3A_439, %rem3A_444 : i32
        %dma_start3A_446 = arith.constant 0 : i32
        %dma_start3A_447 = arith.constant 0 : i32
        %dma_start3A_448 = arith.constant 0 : i32
        %dma_start3A_449 = tpu.memref_slice %arg5[%dma_start3A_446, %dma_start3A_448] : memref<2x128xi32, #tpu.memory_space<vmem>> -> memref<1x128xi32, #tpu.memory_space<vmem>>
        %dma_start3A_450 = tpu.memref_squeeze %dma_start3A_449 : memref<1x128xi32, #tpu.memory_space<vmem>> -> memref<128xi32, #tpu.memory_space<vmem>>
        %dma_start3A_451 = arith.constant 0 : i32
        %dma_start3A_452 = tpu.memref_slice %arg2[%div3A_443, %rem3A_441, %rem3A_445, %dma_start3A_451] : memref<25x128x8x128xi32, #tpu.memory_space<hbm>> -> memref<1x1x1x128xi32, #tpu.memory_space<hbm>>
        %dma_start3A_453 = tpu.memref_squeeze %dma_start3A_452 : memref<1x1x1x128xi32, #tpu.memory_space<hbm>> -> memref<128xi32, #tpu.memory_space<hbm>>
        %dma_start3A_454 = tpu.memref_slice %arg8[%dma_start3A_447] : memref<2x!tpu.dma_semaphore, #tpu.memory_space<semaphore_mem>> -> memref<1x!tpu.dma_semaphore, #tpu.memory_space<semaphore_mem>>
        %dma_start3A_455 = tpu.memref_squeeze %dma_start3A_454 : memref<1x!tpu.dma_semaphore, #tpu.memory_space<semaphore_mem>> -> memref<!tpu.dma_semaphore, #tpu.memory_space<semaphore_mem>>
        %dma_start3A_456 = arith.constant 0 : i32
        %dma_start3A_457 = tpu.memref_slice %arg5[%dma_start3A_446, %dma_start3A_456] : memref<2x128xi32, #tpu.memory_space<vmem>> -> memref<1x128xi32, #tpu.memory_space<vmem>>
        %dma_start3A_458 = tpu.memref_squeeze %dma_start3A_457 : memref<1x128xi32, #tpu.memory_space<vmem>> -> memref<128xi32, #tpu.memory_space<vmem>>
        %dma_start3A_459 = arith.constant 0 : i32
        %dma_start3A_460 = tpu.memref_slice %arg2[%div3A_443, %rem3A_441, %rem3A_445, %dma_start3A_459] : memref<25x128x8x128xi32, #tpu.memory_space<hbm>> -> memref<1x1x1x128xi32, #tpu.memory_space<hbm>>
        %dma_start3A_461 = tpu.memref_squeeze %dma_start3A_460 : memref<1x1x1x128xi32, #tpu.memory_space<hbm>> -> memref<128xi32, #tpu.memory_space<hbm>>
        tpu.enqueue_dma source(%dma_start3A_461 : memref<128xi32, #tpu.memory_space<hbm>>) target(%dma_start3A_458 : memref<128xi32, #tpu.memory_space<vmem>>) target_semaphore(%dma_start3A_455 : memref<!tpu.dma_semaphore, #tpu.memory_space<semaphore_mem>>)
      } else {
      }
      %scan3A_310 = arith.constant 0 : i32
      %scan3A_311 = arith.constant 0 : i32
      %scan3A_312 = arith.constant 16 : i32
      %scan3A_313 = arith.addi %scan3A_311, %scan3A_312 : i32
      %scan3A_314 = arith.constant 1 : i32
      scf.for %scan3A_436 = %scan3A_311 to %scan3A_313 step %scan3A_314  : i32 {
        %mul3A_437 = arith.constant 8 : i32
        %mul3A_438 = arith.muli %mul3A_437, %scan3A_436 : i32
        %add3A_439 = arith.constant 0 : i32
        %add3A_440 = arith.addi %mul3A_438, %add3A_439 : i32
        %broadcast_in_dim3A = vector.broadcast %add3A_440 : i32 to vector<16xi32>
        %mul3A_441 = arith.constant 8 : i32
        %mul3A_442 = arith.muli %mul3A_441, %scan3A_436 : i32
        %add3A_443 = arith.constant 0 : i32
        %add3A_444 = arith.addi %mul3A_442, %add3A_443 : i32
        %get3A = arith.constant 0 : i32
        %get3A_445 = arith.index_cast %get3A : i32 to index
        %get3A_446 = arith.index_cast %add3A_444 : i32 to index
        %get3A_447 = arith.constant 0 : index
        %get3A_448 = tpu.vector_load %arg6[%get3A_445, %get3A_446, %get3A_447] {strides = array<i32>} : memref<2x128x64xf32, #tpu.memory_space<vmem>>, vector<16xf32>,
        %scatter3A = arith.constant 0 : i32
        %scatter3A_449 = arith.constant 0 : i32
        %scatter3A_450 = arith.constant 0 : i32
        %scatter3A_451 = arith.constant 0 : i32
        %scatter3A_452 = tpu.memref_slice %arg7[%scatter3A, %scatter3A_449, %scatter3A_450, %scatter3A_451] : memref<2x8x8x129xf32, #tpu.memory_space<vmem>> -> memref<1x8x8x129xf32, #tpu.memory_space<vmem>>
        %scatter3A_453 = tpu.memref_squeeze %scatter3A_452 : memref<1x8x8x129xf32, #tpu.memory_space<vmem>> -> memref<8x8x129xf32, #tpu.memory_space<vmem>>
        tpu.vector_store_idx %scatter3A_453[%select_n3A, %rem3A_136, %broadcast_in_dim3A], %get3A_448 : memref<8x8x129xf32, #tpu.memory_space<vmem>>[vector<16xi32>, vector<16xi32>, vector<16xi32>], vector<16xf32>,
        %mul3A_454 = arith.constant 8 : i32
        %mul3A_455 = arith.muli %mul3A_454, %scan3A_436 : i32
        %add3A_456 = arith.constant 0 : i32
        %add3A_457 = arith.addi %mul3A_455, %add3A_456 : i32
        %get3A_458 = arith.constant 0 : i32
        %get3A_459 = arith.index_cast %get3A_458 : i32 to index
        %get3A_460 = arith.index_cast %add3A_457 : i32 to index
        %get3A_461 = arith.constant 16 : index
        %get3A_462 = tpu.vector_load %arg6[%get3A_459, %get3A_460, %get3A_461] {strides = array<i32>} : memref<2x128x64xf32, #tpu.memory_space<vmem>>, vector<16xf32>,
        %scatter3A_463 = arith.constant 0 : i32
        %scatter3A_464 = arith.constant 0 : i32
        %scatter3A_465 = arith.constant 0 : i32
        %scatter3A_466 = arith.constant 0 : i32
        %scatter3A_467 = tpu.memref_slice %arg7[%scatter3A_463, %scatter3A_464, %scatter3A_465, %scatter3A_466] : memref<2x8x8x129xf32, #tpu.memory_space<vmem>> -> memref<1x8x8x129xf32, #tpu.memory_space<vmem>>
        %scatter3A_468 = tpu.memref_squeeze %scatter3A_467 : memref<1x8x8x129xf32, #tpu.memory_space<vmem>> -> memref<8x8x129xf32, #tpu.memory_space<vmem>>
        tpu.vector_store_idx %scatter3A_468[%select_n3A_62, %rem3A_142, %broadcast_in_dim3A], %get3A_462 : memref<8x8x129xf32, #tpu.memory_space<vmem>>[vector<16xi32>, vector<16xi32>, vector<16xi32>], vector<16xf32>,
        %mul3A_469 = arith.constant 8 : i32
        %mul3A_470 = arith.muli %mul3A_469, %scan3A_436 : i32
        %add3A_471 = arith.constant 0 : i32
        %add3A_472 = arith.addi %mul3A_470, %add3A_471 : i32
        %get3A_473 = arith.constant 0 : i32
        %get3A_474 = arith.index_cast %get3A_473 : i32 to index
        %get3A_475 = arith.index_cast %add3A_472 : i32 to index
        %get3A_476 = arith.constant 32 : index
        %get3A_477 = tpu.vector_load %arg6[%get3A_474, %get3A_475, %get3A_476] {strides = array<i32>} : memref<2x128x64xf32, #tpu.memory_space<vmem>>, vector<16xf32>,
        %scatter3A_478 = arith.constant 0 : i32
        %scatter3A_479 = arith.constant 0 : i32
        %scatter3A_480 = arith.constant 0 : i32
        %scatter3A_481 = arith.constant 0 : i32
        %scatter3A_482 = tpu.memref_slice %arg7[%scatter3A_478, %scatter3A_479, %scatter3A_480, %scatter3A_481] : memref<2x8x8x129xf32, #tpu.memory_space<vmem>> -> memref<1x8x8x129xf32, #tpu.memory_space<vmem>>
        %scatter3A_483 = tpu.memref_squeeze %scatter3A_482 : memref<1x8x8x129xf32, #tpu.memory_space<vmem>> -> memref<8x8x129xf32, #tpu.memory_space<vmem>>
        tpu.vector_store_idx %scatter3A_483[%select_n3A_96, %rem3A_148, %broadcast_in_dim3A], %get3A_477 : memref<8x8x129xf32, #tpu.memory_space<vmem>>[vector<16xi32>, vector<16xi32>, vector<16xi32>], vector<16xf32>,
        %mul3A_484 = arith.constant 8 : i32
        %mul3A_485 = arith.muli %mul3A_484, %scan3A_436 : i32
        %add3A_486 = arith.constant 0 : i32
        %add3A_487 = arith.addi %mul3A_485, %add3A_486 : i32
        %get3A_488 = arith.constant 0 : i32
        %get3A_489 = arith.index_cast %get3A_488 : i32 to index
        %get3A_490 = arith.index_cast %add3A_487 : i32 to index
        %get3A_491 = arith.constant 48 : index
        %get3A_492 = tpu.vector_load %arg6[%get3A_489, %get3A_490, %get3A_491] {strides = array<i32>} : memref<2x128x64xf32, #tpu.memory_space<vmem>>, vector<16xf32>,
        %scatter3A_493 = arith.constant 0 : i32
        %scatter3A_494 = arith.constant 0 : i32
        %scatter3A_495 = arith.constant 0 : i32
        %scatter3A_496 = arith.constant 0 : i32
        %scatter3A_497 = tpu.memref_slice %arg7[%scatter3A_493, %scatter3A_494, %scatter3A_495, %scatter3A_496] : memref<2x8x8x129xf32, #tpu.memory_space<vmem>> -> memref<1x8x8x129xf32, #tpu.memory_space<vmem>>
        %scatter3A_498 = tpu.memref_squeeze %scatter3A_497 : memref<1x8x8x129xf32, #tpu.memory_space<vmem>> -> memref<8x8x129xf32, #tpu.memory_space<vmem>>
        tpu.vector_store_idx %scatter3A_498[%select_n3A_130, %rem3A_154, %broadcast_in_dim3A], %get3A_492 : memref<8x8x129xf32, #tpu.memory_space<vmem>>[vector<16xi32>, vector<16xi32>, vector<16xi32>], vector<16xf32>,
        %mul3A_499 = arith.constant 8 : i32
        %mul3A_500 = arith.muli %mul3A_499, %scan3A_436 : i32
        %add3A_501 = arith.constant 1 : i32
        %add3A_502 = arith.addi %mul3A_500, %add3A_501 : i32
        %broadcast_in_dim3A_503 = vector.broadcast %add3A_502 : i32 to vector<16xi32>
        %mul3A_504 = arith.constant 8 : i32
        %mul3A_505 = arith.muli %mul3A_504, %scan3A_436 : i32
        %add3A_506 = arith.constant 1 : i32
        %add3A_507 = arith.addi %mul3A_505, %add3A_506 : i32
        %get3A_508 = arith.constant 0 : i32
        %get3A_509 = arith.index_cast %get3A_508 : i32 to index
        %get3A_510 = arith.index_cast %add3A_507 : i32 to index
        %get3A_511 = arith.constant 0 : index
        %get3A_512 = tpu.vector_load %arg6[%get3A_509, %get3A_510, %get3A_511] {strides = array<i32>} : memref<2x128x64xf32, #tpu.memory_space<vmem>>, vector<16xf32>,
        %scatter3A_513 = arith.constant 0 : i32
        %scatter3A_514 = arith.constant 0 : i32
        %scatter3A_515 = arith.constant 0 : i32
        %scatter3A_516 = arith.constant 0 : i32
        %scatter3A_517 = tpu.memref_slice %arg7[%scatter3A_513, %scatter3A_514, %scatter3A_515, %scatter3A_516] : memref<2x8x8x129xf32, #tpu.memory_space<vmem>> -> memref<1x8x8x129xf32, #tpu.memory_space<vmem>>
        %scatter3A_518 = tpu.memref_squeeze %scatter3A_517 : memref<1x8x8x129xf32, #tpu.memory_space<vmem>> -> memref<8x8x129xf32, #tpu.memory_space<vmem>>
        tpu.vector_store_idx %scatter3A_518[%select_n3A, %rem3A_136, %broadcast_in_dim3A_503], %get3A_512 : memref<8x8x129xf32, #tpu.memory_space<vmem>>[vector<16xi32>, vector<16xi32>, vector<16xi32>], vector<16xf32>,
        %mul3A_519 = arith.constant 8 : i32
        %mul3A_520 = arith.muli %mul3A_519, %scan3A_436 : i32
        %add3A_521 = arith.constant 1 : i32
        %add3A_522 = arith.addi %mul3A_520, %add3A_521 : i32
        %get3A_523 = arith.constant 0 : i32
        %get3A_524 = arith.index_cast %get3A_523 : i32 to index
        %get3A_525 = arith.index_cast %add3A_522 : i32 to index
        %get3A_526 = arith.constant 16 : index
        %get3A_527 = tpu.vector_load %arg6[%get3A_524, %get3A_525, %get3A_526] {strides = array<i32>} : memref<2x128x64xf32, #tpu.memory_space<vmem>>, vector<16xf32>,
        %scatter3A_528 = arith.constant 0 : i32
        %scatter3A_529 = arith.constant 0 : i32
        %scatter3A_530 = arith.constant 0 : i32
        %scatter3A_531 = arith.constant 0 : i32
        %scatter3A_532 = tpu.memref_slice %arg7[%scatter3A_528, %scatter3A_529, %scatter3A_530, %scatter3A_531] : memref<2x8x8x129xf32, #tpu.memory_space<vmem>> -> memref<1x8x8x129xf32, #tpu.memory_space<vmem>>
        %scatter3A_533 = tpu.memref_squeeze %scatter3A_532 : memref<1x8x8x129xf32, #tpu.memory_space<vmem>> -> memref<8x8x129xf32, #tpu.memory_space<vmem>>
        tpu.vector_store_idx %scatter3A_533[%select_n3A_62, %rem3A_142, %broadcast_in_dim3A_503], %get3A_527 : memref<8x8x129xf32, #tpu.memory_space<vmem>>[vector<16xi32>, vector<16xi32>, vector<16xi32>], vector<16xf32>,
        %mul3A_534 = arith.constant 8 : i32
        %mul3A_535 = arith.muli %mul3A_534, %scan3A_436 : i32
        %add3A_536 = arith.constant 1 : i32
        %add3A_537 = arith.addi %mul3A_535, %add3A_536 : i32
        %get3A_538 = arith.constant 0 : i32
        %get3A_539 = arith.index_cast %get3A_538 : i32 to index
        %get3A_540 = arith.index_cast %add3A_537 : i32 to index
        %get3A_541 = arith.constant 32 : index
        %get3A_542 = tpu.vector_load %arg6[%get3A_539, %get3A_540, %get3A_541] {strides = array<i32>} : memref<2x128x64xf32, #tpu.memory_space<vmem>>, vector<16xf32>,
        %scatter3A_543 = arith.constant 0 : i32
        %scatter3A_544 = arith.constant 0 : i32
        %scatter3A_545 = arith.constant 0 : i32
        %scatter3A_546 = arith.constant 0 : i32
        %scatter3A_547 = tpu.memref_slice %arg7[%scatter3A_543, %scatter3A_544, %scatter3A_545, %scatter3A_546] : memref<2x8x8x129xf32, #tpu.memory_space<vmem>> -> memref<1x8x8x129xf32, #tpu.memory_space<vmem>>
        %scatter3A_548 = tpu.memref_squeeze %scatter3A_547 : memref<1x8x8x129xf32, #tpu.memory_space<vmem>> -> memref<8x8x129xf32, #tpu.memory_space<vmem>>
        tpu.vector_store_idx %scatter3A_548[%select_n3A_96, %rem3A_148, %broadcast_in_dim3A_503], %get3A_542 : memref<8x8x129xf32, #tpu.memory_space<vmem>>[vector<16xi32>, vector<16xi32>, vector<16xi32>], vector<16xf32>,
        %mul3A_549 = arith.constant 8 : i32
        %mul3A_550 = arith.muli %mul3A_549, %scan3A_436 : i32
        %add3A_551 = arith.constant 1 : i32
        %add3A_552 = arith.addi %mul3A_550, %add3A_551 : i32
        %get3A_553 = arith.constant 0 : i32
        %get3A_554 = arith.index_cast %get3A_553 : i32 to index
        %get3A_555 = arith.index_cast %add3A_552 : i32 to index
        %get3A_556 = arith.constant 48 : index
        %get3A_557 = tpu.vector_load %arg6[%get3A_554, %get3A_555, %get3A_556] {strides = array<i32>} : memref<2x128x64xf32, #tpu.memory_space<vmem>>, vector<16xf32>,
        %scatter3A_558 = arith.constant 0 : i32
        %scatter3A_559 = arith.constant 0 : i32
        %scatter3A_560 = arith.constant 0 : i32
        %scatter3A_561 = arith.constant 0 : i32
        %scatter3A_562 = tpu.memref_slice %arg7[%scatter3A_558, %scatter3A_559, %scatter3A_560, %scatter3A_561] : memref<2x8x8x129xf32, #tpu.memory_space<vmem>> -> memref<1x8x8x129xf32, #tpu.memory_space<vmem>>
        %scatter3A_563 = tpu.memref_squeeze %scatter3A_562 : memref<1x8x8x129xf32, #tpu.memory_space<vmem>> -> memref<8x8x129xf32, #tpu.memory_space<vmem>>
        tpu.vector_store_idx %scatter3A_563[%select_n3A_130, %rem3A_154, %broadcast_in_dim3A_503], %get3A_557 : memref<8x8x129xf32, #tpu.memory_space<vmem>>[vector<16xi32>, vector<16xi32>, vector<16xi32>], vector<16xf32>,
        %mul3A_564 = arith.constant 8 : i32
        %mul3A_565 = arith.muli %mul3A_564, %scan3A_436 : i32
        %add3A_566 = arith.constant 2 : i32
        %add3A_567 = arith.addi %mul3A_565, %add3A_566 : i32
        %broadcast_in_dim3A_568 = vector.broadcast %add3A_567 : i32 to vector<16xi32>
        %mul3A_569 = arith.constant 8 : i32
        %mul3A_570 = arith.muli %mul3A_569, %scan3A_436 : i32
        %add3A_571 = arith.constant 2 : i32
        %add3A_572 = arith.addi %mul3A_570, %add3A_571 : i32
        %get3A_573 = arith.constant 0 : i32
        %get3A_574 = arith.index_cast %get3A_573 : i32 to index
        %get3A_575 = arith.index_cast %add3A_572 : i32 to index
        %get3A_576 = arith.constant 0 : index
        %get3A_577 = tpu.vector_load %arg6[%get3A_574, %get3A_575, %get3A_576] {strides = array<i32>} : memref<2x128x64xf32, #tpu.memory_space<vmem>>, vector<16xf32>,
        %scatter3A_578 = arith.constant 0 : i32
        %scatter3A_579 = arith.constant 0 : i32
        %scatter3A_580 = arith.constant 0 : i32
        %scatter3A_581 = arith.constant 0 : i32
        %scatter3A_582 = tpu.memref_slice %arg7[%scatter3A_578, %scatter3A_579, %scatter3A_580, %scatter3A_581] : memref<2x8x8x129xf32, #tpu.memory_space<vmem>> -> memref<1x8x8x129xf32, #tpu.memory_space<vmem>>
        %scatter3A_583 = tpu.memref_squeeze %scatter3A_582 : memref<1x8x8x129xf32, #tpu.memory_space<vmem>> -> memref<8x8x129xf32, #tpu.memory_space<vmem>>
        tpu.vector_store_idx %scatter3A_583[%select_n3A, %rem3A_136, %broadcast_in_dim3A_568], %get3A_577 : memref<8x8x129xf32, #tpu.memory_space<vmem>>[vector<16xi32>, vector<16xi32>, vector<16xi32>], vector<16xf32>,
        %mul3A_584 = arith.constant 8 : i32
        %mul3A_585 = arith.muli %mul3A_584, %scan3A_436 : i32
        %add3A_586 = arith.constant 2 : i32
        %add3A_587 = arith.addi %mul3A_585, %add3A_586 : i32
        %get3A_588 = arith.constant 0 : i32
        %get3A_589 = arith.index_cast %get3A_588 : i32 to index
        %get3A_590 = arith.index_cast %add3A_587 : i32 to index
        %get3A_591 = arith.constant 16 : index
        %get3A_592 = tpu.vector_load %arg6[%get3A_589, %get3A_590, %get3A_591] {strides = array<i32>} : memref<2x128x64xf32, #tpu.memory_space<vmem>>, vector<16xf32>,
        %scatter3A_593 = arith.constant 0 : i32
        %scatter3A_594 = arith.constant 0 : i32
        %scatter3A_595 = arith.constant 0 : i32
        %scatter3A_596 = arith.constant 0 : i32
        %scatter3A_597 = tpu.memref_slice %arg7[%scatter3A_593, %scatter3A_594, %scatter3A_595, %scatter3A_596] : memref<2x8x8x129xf32, #tpu.memory_space<vmem>> -> memref<1x8x8x129xf32, #tpu.memory_space<vmem>>
        %scatter3A_598 = tpu.memref_squeeze %scatter3A_597 : memref<1x8x8x129xf32, #tpu.memory_space<vmem>> -> memref<8x8x129xf32, #tpu.memory_space<vmem>>
        tpu.vector_store_idx %scatter3A_598[%select_n3A_62, %rem3A_142, %broadcast_in_dim3A_568], %get3A_592 : memref<8x8x129xf32, #tpu.memory_space<vmem>>[vector<16xi32>, vector<16xi32>, vector<16xi32>], vector<16xf32>,
        %mul3A_599 = arith.constant 8 : i32
        %mul3A_600 = arith.muli %mul3A_599, %scan3A_436 : i32
        %add3A_601 = arith.constant 2 : i32
        %add3A_602 = arith.addi %mul3A_600, %add3A_601 : i32
        %get3A_603 = arith.constant 0 : i32
        %get3A_604 = arith.index_cast %get3A_603 : i32 to index
        %get3A_605 = arith.index_cast %add3A_602 : i32 to index
        %get3A_606 = arith.constant 32 : index
        %get3A_607 = tpu.vector_load %arg6[%get3A_604, %get3A_605, %get3A_606] {strides = array<i32>} : memref<2x128x64xf32, #tpu.memory_space<vmem>>, vector<16xf32>,
        %scatter3A_608 = arith.constant 0 : i32
        %scatter3A_609 = arith.constant 0 : i32
        %scatter3A_610 = arith.constant 0 : i32
        %scatter3A_611 = arith.constant 0 : i32
        %scatter3A_612 = tpu.memref_slice %arg7[%scatter3A_608, %scatter3A_609, %scatter3A_610, %scatter3A_611] : memref<2x8x8x129xf32, #tpu.memory_space<vmem>> -> memref<1x8x8x129xf32, #tpu.memory_space<vmem>>
        %scatter3A_613 = tpu.memref_squeeze %scatter3A_612 : memref<1x8x8x129xf32, #tpu.memory_space<vmem>> -> memref<8x8x129xf32, #tpu.memory_space<vmem>>
        tpu.vector_store_idx %scatter3A_613[%select_n3A_96, %rem3A_148, %broadcast_in_dim3A_568], %get3A_607 : memref<8x8x129xf32, #tpu.memory_space<vmem>>[vector<16xi32>, vector<16xi32>, vector<16xi32>], vector<16xf32>,
        %mul3A_614 = arith.constant 8 : i32
        %mul3A_615 = arith.muli %mul3A_614, %scan3A_436 : i32
        %add3A_616 = arith.constant 2 : i32
        %add3A_617 = arith.addi %mul3A_615, %add3A_616 : i32
        %get3A_618 = arith.constant 0 : i32
        %get3A_619 = arith.index_cast %get3A_618 : i32 to index
        %get3A_620 = arith.index_cast %add3A_617 : i32 to index
        %get3A_621 = arith.constant 48 : index
        %get3A_622 = tpu.vector_load %arg6[%get3A_619, %get3A_620, %get3A_621] {strides = array<i32>} : memref<2x128x64xf32, #tpu.memory_space<vmem>>, vector<16xf32>,
        %scatter3A_623 = arith.constant 0 : i32
        %scatter3A_624 = arith.constant 0 : i32
        %scatter3A_625 = arith.constant 0 : i32
        %scatter3A_626 = arith.constant 0 : i32
        %scatter3A_627 = tpu.memref_slice %arg7[%scatter3A_623, %scatter3A_624, %scatter3A_625, %scatter3A_626] : memref<2x8x8x129xf32, #tpu.memory_space<vmem>> -> memref<1x8x8x129xf32, #tpu.memory_space<vmem>>
        %scatter3A_628 = tpu.memref_squeeze %scatter3A_627 : memref<1x8x8x129xf32, #tpu.memory_space<vmem>> -> memref<8x8x129xf32, #tpu.memory_space<vmem>>
        tpu.vector_store_idx %scatter3A_628[%select_n3A_130, %rem3A_154, %broadcast_in_dim3A_568], %get3A_622 : memref<8x8x129xf32, #tpu.memory_space<vmem>>[vector<16xi32>, vector<16xi32>, vector<16xi32>], vector<16xf32>,
        %mul3A_629 = arith.constant 8 : i32
        %mul3A_630 = arith.muli %mul3A_629, %scan3A_436 : i32
        %add3A_631 = arith.constant 3 : i32
        %add3A_632 = arith.addi %mul3A_630, %add3A_631 : i32
        %broadcast_in_dim3A_633 = vector.broadcast %add3A_632 : i32 to vector<16xi32>
        %mul3A_634 = arith.constant 8 : i32
        %mul3A_635 = arith.muli %mul3A_634, %scan3A_436 : i32
        %add3A_636 = arith.constant 3 : i32
        %add3A_637 = arith.addi %mul3A_635, %add3A_636 : i32
        %get3A_638 = arith.constant 0 : i32
        %get3A_639 = arith.index_cast %get3A_638 : i32 to index
        %get3A_640 = arith.index_cast %add3A_637 : i32 to index
        %get3A_641 = arith.constant 0 : index
        %get3A_642 = tpu.vector_load %arg6[%get3A_639, %get3A_640, %get3A_641] {strides = array<i32>} : memref<2x128x64xf32, #tpu.memory_space<vmem>>, vector<16xf32>,
        %scatter3A_643 = arith.constant 0 : i32
        %scatter3A_644 = arith.constant 0 : i32
        %scatter3A_645 = arith.constant 0 : i32
        %scatter3A_646 = arith.constant 0 : i32
        %scatter3A_647 = tpu.memref_slice %arg7[%scatter3A_643, %scatter3A_644, %scatter3A_645, %scatter3A_646] : memref<2x8x8x129xf32, #tpu.memory_space<vmem>> -> memref<1x8x8x129xf32, #tpu.memory_space<vmem>>
        %scatter3A_648 = tpu.memref_squeeze %scatter3A_647 : memref<1x8x8x129xf32, #tpu.memory_space<vmem>> -> memref<8x8x129xf32, #tpu.memory_space<vmem>>
        tpu.vector_store_idx %scatter3A_648[%select_n3A, %rem3A_136, %broadcast_in_dim3A_633], %get3A_642 : memref<8x8x129xf32, #tpu.memory_space<vmem>>[vector<16xi32>, vector<16xi32>, vector<16xi32>], vector<16xf32>,
        %mul3A_649 = arith.constant 8 : i32
        %mul3A_650 = arith.muli %mul3A_649, %scan3A_436 : i32
        %add3A_651 = arith.constant 3 : i32
        %add3A_652 = arith.addi %mul3A_650, %add3A_651 : i32
        %get3A_653 = arith.constant 0 : i32
        %get3A_654 = arith.index_cast %get3A_653 : i32 to index
        %get3A_655 = arith.index_cast %add3A_652 : i32 to index
        %get3A_656 = arith.constant 16 : index
        %get3A_657 = tpu.vector_load %arg6[%get3A_654, %get3A_655, %get3A_656] {strides = array<i32>} : memref<2x128x64xf32, #tpu.memory_space<vmem>>, vector<16xf32>,
        %scatter3A_658 = arith.constant 0 : i32
        %scatter3A_659 = arith.constant 0 : i32
        %scatter3A_660 = arith.constant 0 : i32
        %scatter3A_661 = arith.constant 0 : i32
        %scatter3A_662 = tpu.memref_slice %arg7[%scatter3A_658, %scatter3A_659, %scatter3A_660, %scatter3A_661] : memref<2x8x8x129xf32, #tpu.memory_space<vmem>> -> memref<1x8x8x129xf32, #tpu.memory_space<vmem>>
        %scatter3A_663 = tpu.memref_squeeze %scatter3A_662 : memref<1x8x8x129xf32, #tpu.memory_space<vmem>> -> memref<8x8x129xf32, #tpu.memory_space<vmem>>
        tpu.vector_store_idx %scatter3A_663[%select_n3A_62, %rem3A_142, %broadcast_in_dim3A_633], %get3A_657 : memref<8x8x129xf32, #tpu.memory_space<vmem>>[vector<16xi32>, vector<16xi32>, vector<16xi32>], vector<16xf32>,
        %mul3A_664 = arith.constant 8 : i32
        %mul3A_665 = arith.muli %mul3A_664, %scan3A_436 : i32
        %add3A_666 = arith.constant 3 : i32
        %add3A_667 = arith.addi %mul3A_665, %add3A_666 : i32
        %get3A_668 = arith.constant 0 : i32
        %get3A_669 = arith.index_cast %get3A_668 : i32 to index
        %get3A_670 = arith.index_cast %add3A_667 : i32 to index
        %get3A_671 = arith.constant 32 : index
        %get3A_672 = tpu.vector_load %arg6[%get3A_669, %get3A_670, %get3A_671] {strides = array<i32>} : memref<2x128x64xf32, #tpu.memory_space<vmem>>, vector<16xf32>,
        %scatter3A_673 = arith.constant 0 : i32
        %scatter3A_674 = arith.constant 0 : i32
        %scatter3A_675 = arith.constant 0 : i32
        %scatter3A_676 = arith.constant 0 : i32
        %scatter3A_677 = tpu.memref_slice %arg7[%scatter3A_673, %scatter3A_674, %scatter3A_675, %scatter3A_676] : memref<2x8x8x129xf32, #tpu.memory_space<vmem>> -> memref<1x8x8x129xf32, #tpu.memory_space<vmem>>
        %scatter3A_678 = tpu.memref_squeeze %scatter3A_677 : memref<1x8x8x129xf32, #tpu.memory_space<vmem>> -> memref<8x8x129xf32, #tpu.memory_space<vmem>>
        tpu.vector_store_idx %scatter3A_678[%select_n3A_96, %rem3A_148, %broadcast_in_dim3A_633], %get3A_672 : memref<8x8x129xf32, #tpu.memory_space<vmem>>[vector<16xi32>, vector<16xi32>, vector<16xi32>], vector<16xf32>,
        %mul3A_679 = arith.constant 8 : i32
        %mul3A_680 = arith.muli %mul3A_679, %scan3A_436 : i32
        %add3A_681 = arith.constant 3 : i32
        %add3A_682 = arith.addi %mul3A_680, %add3A_681 : i32
        %get3A_683 = arith.constant 0 : i32
        %get3A_684 = arith.index_cast %get3A_683 : i32 to index
        %get3A_685 = arith.index_cast %add3A_682 : i32 to index
        %get3A_686 = arith.constant 48 : index
        %get3A_687 = tpu.vector_load %arg6[%get3A_684, %get3A_685, %get3A_686] {strides = array<i32>} : memref<2x128x64xf32, #tpu.memory_space<vmem>>, vector<16xf32>,
        %scatter3A_688 = arith.constant 0 : i32
        %scatter3A_689 = arith.constant 0 : i32
        %scatter3A_690 = arith.constant 0 : i32
        %scatter3A_691 = arith.constant 0 : i32
        %scatter3A_692 = tpu.memref_slice %arg7[%scatter3A_688, %scatter3A_689, %scatter3A_690, %scatter3A_691] : memref<2x8x8x129xf32, #tpu.memory_space<vmem>> -> memref<1x8x8x129xf32, #tpu.memory_space<vmem>>
        %scatter3A_693 = tpu.memref_squeeze %scatter3A_692 : memref<1x8x8x129xf32, #tpu.memory_space<vmem>> -> memref<8x8x129xf32, #tpu.memory_space<vmem>>
        tpu.vector_store_idx %scatter3A_693[%select_n3A_130, %rem3A_154, %broadcast_in_dim3A_633], %get3A_687 : memref<8x8x129xf32, #tpu.memory_space<vmem>>[vector<16xi32>, vector<16xi32>, vector<16xi32>], vector<16xf32>,
        %mul3A_694 = arith.constant 8 : i32
        %mul3A_695 = arith.muli %mul3A_694, %scan3A_436 : i32
        %add3A_696 = arith.constant 4 : i32
        %add3A_697 = arith.addi %mul3A_695, %add3A_696 : i32
        %broadcast_in_dim3A_698 = vector.broadcast %add3A_697 : i32 to vector<16xi32>
        %mul3A_699 = arith.constant 8 : i32
        %mul3A_700 = arith.muli %mul3A_699, %scan3A_436 : i32
        %add3A_701 = arith.constant 4 : i32
        %add3A_702 = arith.addi %mul3A_700, %add3A_701 : i32
        %get3A_703 = arith.constant 0 : i32
        %get3A_704 = arith.index_cast %get3A_703 : i32 to index
        %get3A_705 = arith.index_cast %add3A_702 : i32 to index
        %get3A_706 = arith.constant 0 : index
        %get3A_707 = tpu.vector_load %arg6[%get3A_704, %get3A_705, %get3A_706] {strides = array<i32>} : memref<2x128x64xf32, #tpu.memory_space<vmem>>, vector<16xf32>,
        %scatter3A_708 = arith.constant 0 : i32
        %scatter3A_709 = arith.constant 0 : i32
        %scatter3A_710 = arith.constant 0 : i32
        %scatter3A_711 = arith.constant 0 : i32
        %scatter3A_712 = tpu.memref_slice %arg7[%scatter3A_708, %scatter3A_709, %scatter3A_710, %scatter3A_711] : memref<2x8x8x129xf32, #tpu.memory_space<vmem>> -> memref<1x8x8x129xf32, #tpu.memory_space<vmem>>
        %scatter3A_713 = tpu.memref_squeeze %scatter3A_712 : memref<1x8x8x129xf32, #tpu.memory_space<vmem>> -> memref<8x8x129xf32, #tpu.memory_space<vmem>>
        tpu.vector_store_idx %scatter3A_713[%select_n3A, %rem3A_136, %broadcast_in_dim3A_698], %get3A_707 : memref<8x8x129xf32, #tpu.memory_space<vmem>>[vector<16xi32>, vector<16xi32>, vector<16xi32>], vector<16xf32>,
        %mul3A_714 = arith.constant 8 : i32
        %mul3A_715 = arith.muli %mul3A_714, %scan3A_436 : i32
        %add3A_716 = arith.constant 4 : i32
        %add3A_717 = arith.addi %mul3A_715, %add3A_716 : i32
        %get3A_718 = arith.constant 0 : i32
        %get3A_719 = arith.index_cast %get3A_718 : i32 to index
        %get3A_720 = arith.index_cast %add3A_717 : i32 to index
        %get3A_721 = arith.constant 16 : index
        %get3A_722 = tpu.vector_load %arg6[%get3A_719, %get3A_720, %get3A_721] {strides = array<i32>} : memref<2x128x64xf32, #tpu.memory_space<vmem>>, vector<16xf32>,
        %scatter3A_723 = arith.constant 0 : i32
        %scatter3A_724 = arith.constant 0 : i32
        %scatter3A_725 = arith.constant 0 : i32
        %scatter3A_726 = arith.constant 0 : i32
        %scatter3A_727 = tpu.memref_slice %arg7[%scatter3A_723, %scatter3A_724, %scatter3A_725, %scatter3A_726] : memref<2x8x8x129xf32, #tpu.memory_space<vmem>> -> memref<1x8x8x129xf32, #tpu.memory_space<vmem>>
        %scatter3A_728 = tpu.memref_squeeze %scatter3A_727 : memref<1x8x8x129xf32, #tpu.memory_space<vmem>> -> memref<8x8x129xf32, #tpu.memory_space<vmem>>
        tpu.vector_store_idx %scatter3A_728[%select_n3A_62, %rem3A_142, %broadcast_in_dim3A_698], %get3A_722 : memref<8x8x129xf32, #tpu.memory_space<vmem>>[vector<16xi32>, vector<16xi32>, vector<16xi32>], vector<16xf32>,
        %mul3A_729 = arith.constant 8 : i32
        %mul3A_730 = arith.muli %mul3A_729, %scan3A_436 : i32
        %add3A_731 = arith.constant 4 : i32
        %add3A_732 = arith.addi %mul3A_730, %add3A_731 : i32
        %get3A_733 = arith.constant 0 : i32
        %get3A_734 = arith.index_cast %get3A_733 : i32 to index
        %get3A_735 = arith.index_cast %add3A_732 : i32 to index
        %get3A_736 = arith.constant 32 : index
        %get3A_737 = tpu.vector_load %arg6[%get3A_734, %get3A_735, %get3A_736] {strides = array<i32>} : memref<2x128x64xf32, #tpu.memory_space<vmem>>, vector<16xf32>,
        %scatter3A_738 = arith.constant 0 : i32
        %scatter3A_739 = arith.constant 0 : i32
        %scatter3A_740 = arith.constant 0 : i32
        %scatter3A_741 = arith.constant 0 : i32
        %scatter3A_742 = tpu.memref_slice %arg7[%scatter3A_738, %scatter3A_739, %scatter3A_740, %scatter3A_741] : memref<2x8x8x129xf32, #tpu.memory_space<vmem>> -> memref<1x8x8x129xf32, #tpu.memory_space<vmem>>
        %scatter3A_743 = tpu.memref_squeeze %scatter3A_742 : memref<1x8x8x129xf32, #tpu.memory_space<vmem>> -> memref<8x8x129xf32, #tpu.memory_space<vmem>>
        tpu.vector_store_idx %scatter3A_743[%select_n3A_96, %rem3A_148, %broadcast_in_dim3A_698], %get3A_737 : memref<8x8x129xf32, #tpu.memory_space<vmem>>[vector<16xi32>, vector<16xi32>, vector<16xi32>], vector<16xf32>,
        %mul3A_744 = arith.constant 8 : i32
        %mul3A_745 = arith.muli %mul3A_744, %scan3A_436 : i32
        %add3A_746 = arith.constant 4 : i32
        %add3A_747 = arith.addi %mul3A_745, %add3A_746 : i32
        %get3A_748 = arith.constant 0 : i32
        %get3A_749 = arith.index_cast %get3A_748 : i32 to index
        %get3A_750 = arith.index_cast %add3A_747 : i32 to index
        %get3A_751 = arith.constant 48 : index
        %get3A_752 = tpu.vector_load %arg6[%get3A_749, %get3A_750, %get3A_751] {strides = array<i32>} : memref<2x128x64xf32, #tpu.memory_space<vmem>>, vector<16xf32>,
        %scatter3A_753 = arith.constant 0 : i32
        %scatter3A_754 = arith.constant 0 : i32
        %scatter3A_755 = arith.constant 0 : i32
        %scatter3A_756 = arith.constant 0 : i32
        %scatter3A_757 = tpu.memref_slice %arg7[%scatter3A_753, %scatter3A_754, %scatter3A_755, %scatter3A_756] : memref<2x8x8x129xf32, #tpu.memory_space<vmem>> -> memref<1x8x8x129xf32, #tpu.memory_space<vmem>>
        %scatter3A_758 = tpu.memref_squeeze %scatter3A_757 : memref<1x8x8x129xf32, #tpu.memory_space<vmem>> -> memref<8x8x129xf32, #tpu.memory_space<vmem>>
        tpu.vector_store_idx %scatter3A_758[%select_n3A_130, %rem3A_154, %broadcast_in_dim3A_698], %get3A_752 : memref<8x8x129xf32, #tpu.memory_space<vmem>>[vector<16xi32>, vector<16xi32>, vector<16xi32>], vector<16xf32>,
        %mul3A_759 = arith.constant 8 : i32
        %mul3A_760 = arith.muli %mul3A_759, %scan3A_436 : i32
        %add3A_761 = arith.constant 5 : i32
        %add3A_762 = arith.addi %mul3A_760, %add3A_761 : i32
        %broadcast_in_dim3A_763 = vector.broadcast %add3A_762 : i32 to vector<16xi32>
        %mul3A_764 = arith.constant 8 : i32
        %mul3A_765 = arith.muli %mul3A_764, %scan3A_436 : i32
        %add3A_766 = arith.constant 5 : i32
        %add3A_767 = arith.addi %mul3A_765, %add3A_766 : i32
        %get3A_768 = arith.constant 0 : i32
        %get3A_769 = arith.index_cast %get3A_768 : i32 to index
        %get3A_770 = arith.index_cast %add3A_767 : i32 to index
        %get3A_771 = arith.constant 0 : index
        %get3A_772 = tpu.vector_load %arg6[%get3A_769, %get3A_770, %get3A_771] {strides = array<i32>} : memref<2x128x64xf32, #tpu.memory_space<vmem>>, vector<16xf32>,
        %scatter3A_773 = arith.constant 0 : i32
        %scatter3A_774 = arith.constant 0 : i32
        %scatter3A_775 = arith.constant 0 : i32
        %scatter3A_776 = arith.constant 0 : i32
        %scatter3A_777 = tpu.memref_slice %arg7[%scatter3A_773, %scatter3A_774, %scatter3A_775, %scatter3A_776] : memref<2x8x8x129xf32, #tpu.memory_space<vmem>> -> memref<1x8x8x129xf32, #tpu.memory_space<vmem>>
        %scatter3A_778 = tpu.memref_squeeze %scatter3A_777 : memref<1x8x8x129xf32, #tpu.memory_space<vmem>> -> memref<8x8x129xf32, #tpu.memory_space<vmem>>
        tpu.vector_store_idx %scatter3A_778[%select_n3A, %rem3A_136, %broadcast_in_dim3A_763], %get3A_772 : memref<8x8x129xf32, #tpu.memory_space<vmem>>[vector<16xi32>, vector<16xi32>, vector<16xi32>], vector<16xf32>,
        %mul3A_779 = arith.constant 8 : i32
        %mul3A_780 = arith.muli %mul3A_779, %scan3A_436 : i32
        %add3A_781 = arith.constant 5 : i32
        %add3A_782 = arith.addi %mul3A_780, %add3A_781 : i32
        %get3A_783 = arith.constant 0 : i32
        %get3A_784 = arith.index_cast %get3A_783 : i32 to index
        %get3A_785 = arith.index_cast %add3A_782 : i32 to index
        %get3A_786 = arith.constant 16 : index
        %get3A_787 = tpu.vector_load %arg6[%get3A_784, %get3A_785, %get3A_786] {strides = array<i32>} : memref<2x128x64xf32, #tpu.memory_space<vmem>>, vector<16xf32>,
        %scatter3A_788 = arith.constant 0 : i32
        %scatter3A_789 = arith.constant 0 : i32
        %scatter3A_790 = arith.constant 0 : i32
        %scatter3A_791 = arith.constant 0 : i32
        %scatter3A_792 = tpu.memref_slice %arg7[%scatter3A_788, %scatter3A_789, %scatter3A_790, %scatter3A_791] : memref<2x8x8x129xf32, #tpu.memory_space<vmem>> -> memref<1x8x8x129xf32, #tpu.memory_space<vmem>>
        %scatter3A_793 = tpu.memref_squeeze %scatter3A_792 : memref<1x8x8x129xf32, #tpu.memory_space<vmem>> -> memref<8x8x129xf32, #tpu.memory_space<vmem>>
        tpu.vector_store_idx %scatter3A_793[%select_n3A_62, %rem3A_142, %broadcast_in_dim3A_763], %get3A_787 : memref<8x8x129xf32, #tpu.memory_space<vmem>>[vector<16xi32>, vector<16xi32>, vector<16xi32>], vector<16xf32>,
        %mul3A_794 = arith.constant 8 : i32
        %mul3A_795 = arith.muli %mul3A_794, %scan3A_436 : i32
        %add3A_796 = arith.constant 5 : i32
        %add3A_797 = arith.addi %mul3A_795, %add3A_796 : i32
        %get3A_798 = arith.constant 0 : i32
        %get3A_799 = arith.index_cast %get3A_798 : i32 to index
        %get3A_800 = arith.index_cast %add3A_797 : i32 to index
        %get3A_801 = arith.constant 32 : index
        %get3A_802 = tpu.vector_load %arg6[%get3A_799, %get3A_800, %get3A_801] {strides = array<i32>} : memref<2x128x64xf32, #tpu.memory_space<vmem>>, vector<16xf32>,
        %scatter3A_803 = arith.constant 0 : i32
        %scatter3A_804 = arith.constant 0 : i32
        %scatter3A_805 = arith.constant 0 : i32
        %scatter3A_806 = arith.constant 0 : i32
        %scatter3A_807 = tpu.memref_slice %arg7[%scatter3A_803, %scatter3A_804, %scatter3A_805, %scatter3A_806] : memref<2x8x8x129xf32, #tpu.memory_space<vmem>> -> memref<1x8x8x129xf32, #tpu.memory_space<vmem>>
        %scatter3A_808 = tpu.memref_squeeze %scatter3A_807 : memref<1x8x8x129xf32, #tpu.memory_space<vmem>> -> memref<8x8x129xf32, #tpu.memory_space<vmem>>
        tpu.vector_store_idx %scatter3A_808[%select_n3A_96, %rem3A_148, %broadcast_in_dim3A_763], %get3A_802 : memref<8x8x129xf32, #tpu.memory_space<vmem>>[vector<16xi32>, vector<16xi32>, vector<16xi32>], vector<16xf32>,
        %mul3A_809 = arith.constant 8 : i32
        %mul3A_810 = arith.muli %mul3A_809, %scan3A_436 : i32
        %add3A_811 = arith.constant 5 : i32
        %add3A_812 = arith.addi %mul3A_810, %add3A_811 : i32
        %get3A_813 = arith.constant 0 : i32
        %get3A_814 = arith.index_cast %get3A_813 : i32 to index
        %get3A_815 = arith.index_cast %add3A_812 : i32 to index
        %get3A_816 = arith.constant 48 : index
        %get3A_817 = tpu.vector_load %arg6[%get3A_814, %get3A_815, %get3A_816] {strides = array<i32>} : memref<2x128x64xf32, #tpu.memory_space<vmem>>, vector<16xf32>,
        %scatter3A_818 = arith.constant 0 : i32
        %scatter3A_819 = arith.constant 0 : i32
        %scatter3A_820 = arith.constant 0 : i32
        %scatter3A_821 = arith.constant 0 : i32
        %scatter3A_822 = tpu.memref_slice %arg7[%scatter3A_818, %scatter3A_819, %scatter3A_820, %scatter3A_821] : memref<2x8x8x129xf32, #tpu.memory_space<vmem>> -> memref<1x8x8x129xf32, #tpu.memory_space<vmem>>
        %scatter3A_823 = tpu.memref_squeeze %scatter3A_822 : memref<1x8x8x129xf32, #tpu.memory_space<vmem>> -> memref<8x8x129xf32, #tpu.memory_space<vmem>>
        tpu.vector_store_idx %scatter3A_823[%select_n3A_130, %rem3A_154, %broadcast_in_dim3A_763], %get3A_817 : memref<8x8x129xf32, #tpu.memory_space<vmem>>[vector<16xi32>, vector<16xi32>, vector<16xi32>], vector<16xf32>,
        %mul3A_824 = arith.constant 8 : i32
        %mul3A_825 = arith.muli %mul3A_824, %scan3A_436 : i32
        %add3A_826 = arith.constant 6 : i32
        %add3A_827 = arith.addi %mul3A_825, %add3A_826 : i32
        %broadcast_in_dim3A_828 = vector.broadcast %add3A_827 : i32 to vector<16xi32>
        %mul3A_829 = arith.constant 8 : i32
        %mul3A_830 = arith.muli %mul3A_829, %scan3A_436 : i32
        %add3A_831 = arith.constant 6 : i32
        %add3A_832 = arith.addi %mul3A_830, %add3A_831 : i32
        %get3A_833 = arith.constant 0 : i32
        %get3A_834 = arith.index_cast %get3A_833 : i32 to index
        %get3A_835 = arith.index_cast %add3A_832 : i32 to index
        %get3A_836 = arith.constant 0 : index
        %get3A_837 = tpu.vector_load %arg6[%get3A_834, %get3A_835, %get3A_836] {strides = array<i32>} : memref<2x128x64xf32, #tpu.memory_space<vmem>>, vector<16xf32>,
        %scatter3A_838 = arith.constant 0 : i32
        %scatter3A_839 = arith.constant 0 : i32
        %scatter3A_840 = arith.constant 0 : i32
        %scatter3A_841 = arith.constant 0 : i32
        %scatter3A_842 = tpu.memref_slice %arg7[%scatter3A_838, %scatter3A_839, %scatter3A_840, %scatter3A_841] : memref<2x8x8x129xf32, #tpu.memory_space<vmem>> -> memref<1x8x8x129xf32, #tpu.memory_space<vmem>>
        %scatter3A_843 = tpu.memref_squeeze %scatter3A_842 : memref<1x8x8x129xf32, #tpu.memory_space<vmem>> -> memref<8x8x129xf32, #tpu.memory_space<vmem>>
        tpu.vector_store_idx %scatter3A_843[%select_n3A, %rem3A_136, %broadcast_in_dim3A_828], %get3A_837 : memref<8x8x129xf32, #tpu.memory_space<vmem>>[vector<16xi32>, vector<16xi32>, vector<16xi32>], vector<16xf32>,
        %mul3A_844 = arith.constant 8 : i32
        %mul3A_845 = arith.muli %mul3A_844, %scan3A_436 : i32
        %add3A_846 = arith.constant 6 : i32
        %add3A_847 = arith.addi %mul3A_845, %add3A_846 : i32
        %get3A_848 = arith.constant 0 : i32
        %get3A_849 = arith.index_cast %get3A_848 : i32 to index
        %get3A_850 = arith.index_cast %add3A_847 : i32 to index
        %get3A_851 = arith.constant 16 : index
        %get3A_852 = tpu.vector_load %arg6[%get3A_849, %get3A_850, %get3A_851] {strides = array<i32>} : memref<2x128x64xf32, #tpu.memory_space<vmem>>, vector<16xf32>,
        %scatter3A_853 = arith.constant 0 : i32
        %scatter3A_854 = arith.constant 0 : i32
        %scatter3A_855 = arith.constant 0 : i32
        %scatter3A_856 = arith.constant 0 : i32
        %scatter3A_857 = tpu.memref_slice %arg7[%scatter3A_853, %scatter3A_854, %scatter3A_855, %scatter3A_856] : memref<2x8x8x129xf32, #tpu.memory_space<vmem>> -> memref<1x8x8x129xf32, #tpu.memory_space<vmem>>
        %scatter3A_858 = tpu.memref_squeeze %scatter3A_857 : memref<1x8x8x129xf32, #tpu.memory_space<vmem>> -> memref<8x8x129xf32, #tpu.memory_space<vmem>>
        tpu.vector_store_idx %scatter3A_858[%select_n3A_62, %rem3A_142, %broadcast_in_dim3A_828], %get3A_852 : memref<8x8x129xf32, #tpu.memory_space<vmem>>[vector<16xi32>, vector<16xi32>, vector<16xi32>], vector<16xf32>,
        %mul3A_859 = arith.constant 8 : i32
        %mul3A_860 = arith.muli %mul3A_859, %scan3A_436 : i32
        %add3A_861 = arith.constant 6 : i32
        %add3A_862 = arith.addi %mul3A_860, %add3A_861 : i32
        %get3A_863 = arith.constant 0 : i32
        %get3A_864 = arith.index_cast %get3A_863 : i32 to index
        %get3A_865 = arith.index_cast %add3A_862 : i32 to index
        %get3A_866 = arith.constant 32 : index
        %get3A_867 = tpu.vector_load %arg6[%get3A_864, %get3A_865, %get3A_866] {strides = array<i32>} : memref<2x128x64xf32, #tpu.memory_space<vmem>>, vector<16xf32>,
        %scatter3A_868 = arith.constant 0 : i32
        %scatter3A_869 = arith.constant 0 : i32
        %scatter3A_870 = arith.constant 0 : i32
        %scatter3A_871 = arith.constant 0 : i32
        %scatter3A_872 = tpu.memref_slice %arg7[%scatter3A_868, %scatter3A_869, %scatter3A_870, %scatter3A_871] : memref<2x8x8x129xf32, #tpu.memory_space<vmem>> -> memref<1x8x8x129xf32, #tpu.memory_space<vmem>>
        %scatter3A_873 = tpu.memref_squeeze %scatter3A_872 : memref<1x8x8x129xf32, #tpu.memory_space<vmem>> -> memref<8x8x129xf32, #tpu.memory_space<vmem>>
        tpu.vector_store_idx %scatter3A_873[%select_n3A_96, %rem3A_148, %broadcast_in_dim3A_828], %get3A_867 : memref<8x8x129xf32, #tpu.memory_space<vmem>>[vector<16xi32>, vector<16xi32>, vector<16xi32>], vector<16xf32>,
        %mul3A_874 = arith.constant 8 : i32
        %mul3A_875 = arith.muli %mul3A_874, %scan3A_436 : i32
        %add3A_876 = arith.constant 6 : i32
        %add3A_877 = arith.addi %mul3A_875, %add3A_876 : i32
        %get3A_878 = arith.constant 0 : i32
        %get3A_879 = arith.index_cast %get3A_878 : i32 to index
        %get3A_880 = arith.index_cast %add3A_877 : i32 to index
        %get3A_881 = arith.constant 48 : index
        %get3A_882 = tpu.vector_load %arg6[%get3A_879, %get3A_880, %get3A_881] {strides = array<i32>} : memref<2x128x64xf32, #tpu.memory_space<vmem>>, vector<16xf32>,
        %scatter3A_883 = arith.constant 0 : i32
        %scatter3A_884 = arith.constant 0 : i32
        %scatter3A_885 = arith.constant 0 : i32
        %scatter3A_886 = arith.constant 0 : i32
        %scatter3A_887 = tpu.memref_slice %arg7[%scatter3A_883, %scatter3A_884, %scatter3A_885, %scatter3A_886] : memref<2x8x8x129xf32, #tpu.memory_space<vmem>> -> memref<1x8x8x129xf32, #tpu.memory_space<vmem>>
        %scatter3A_888 = tpu.memref_squeeze %scatter3A_887 : memref<1x8x8x129xf32, #tpu.memory_space<vmem>> -> memref<8x8x129xf32, #tpu.memory_space<vmem>>
        tpu.vector_store_idx %scatter3A_888[%select_n3A_130, %rem3A_154, %broadcast_in_dim3A_828], %get3A_882 : memref<8x8x129xf32, #tpu.memory_space<vmem>>[vector<16xi32>, vector<16xi32>, vector<16xi32>], vector<16xf32>,
        %mul3A_889 = arith.constant 8 : i32
        %mul3A_890 = arith.muli %mul3A_889, %scan3A_436 : i32
        %add3A_891 = arith.constant 7 : i32
        %add3A_892 = arith.addi %mul3A_890, %add3A_891 : i32
        %broadcast_in_dim3A_893 = vector.broadcast %add3A_892 : i32 to vector<16xi32>
        %mul3A_894 = arith.constant 8 : i32
        %mul3A_895 = arith.muli %mul3A_894, %scan3A_436 : i32
        %add3A_896 = arith.constant 7 : i32
        %add3A_897 = arith.addi %mul3A_895, %add3A_896 : i32
        %get3A_898 = arith.constant 0 : i32
        %get3A_899 = arith.index_cast %get3A_898 : i32 to index
        %get3A_900 = arith.index_cast %add3A_897 : i32 to index
        %get3A_901 = arith.constant 0 : index
        %get3A_902 = tpu.vector_load %arg6[%get3A_899, %get3A_900, %get3A_901] {strides = array<i32>} : memref<2x128x64xf32, #tpu.memory_space<vmem>>, vector<16xf32>,
        %scatter3A_903 = arith.constant 0 : i32
        %scatter3A_904 = arith.constant 0 : i32
        %scatter3A_905 = arith.constant 0 : i32
        %scatter3A_906 = arith.constant 0 : i32
        %scatter3A_907 = tpu.memref_slice %arg7[%scatter3A_903, %scatter3A_904, %scatter3A_905, %scatter3A_906] : memref<2x8x8x129xf32, #tpu.memory_space<vmem>> -> memref<1x8x8x129xf32, #tpu.memory_space<vmem>>
        %scatter3A_908 = tpu.memref_squeeze %scatter3A_907 : memref<1x8x8x129xf32, #tpu.memory_space<vmem>> -> memref<8x8x129xf32, #tpu.memory_space<vmem>>
        tpu.vector_store_idx %scatter3A_908[%select_n3A, %rem3A_136, %broadcast_in_dim3A_893], %get3A_902 : memref<8x8x129xf32, #tpu.memory_space<vmem>>[vector<16xi32>, vector<16xi32>, vector<16xi32>], vector<16xf32>,
        %mul3A_909 = arith.constant 8 : i32
        %mul3A_910 = arith.muli %mul3A_909, %scan3A_436 : i32
        %add3A_911 = arith.constant 7 : i32
        %add3A_912 = arith.addi %mul3A_910, %add3A_911 : i32
        %get3A_913 = arith.constant 0 : i32
        %get3A_914 = arith.index_cast %get3A_913 : i32 to index
        %get3A_915 = arith.index_cast %add3A_912 : i32 to index
        %get3A_916 = arith.constant 16 : index
        %get3A_917 = tpu.vector_load %arg6[%get3A_914, %get3A_915, %get3A_916] {strides = array<i32>} : memref<2x128x64xf32, #tpu.memory_space<vmem>>, vector<16xf32>,
        %scatter3A_918 = arith.constant 0 : i32
        %scatter3A_919 = arith.constant 0 : i32
        %scatter3A_920 = arith.constant 0 : i32
        %scatter3A_921 = arith.constant 0 : i32
        %scatter3A_922 = tpu.memref_slice %arg7[%scatter3A_918, %scatter3A_919, %scatter3A_920, %scatter3A_921] : memref<2x8x8x129xf32, #tpu.memory_space<vmem>> -> memref<1x8x8x129xf32, #tpu.memory_space<vmem>>
        %scatter3A_923 = tpu.memref_squeeze %scatter3A_922 : memref<1x8x8x129xf32, #tpu.memory_space<vmem>> -> memref<8x8x129xf32, #tpu.memory_space<vmem>>
        tpu.vector_store_idx %scatter3A_923[%select_n3A_62, %rem3A_142, %broadcast_in_dim3A_893], %get3A_917 : memref<8x8x129xf32, #tpu.memory_space<vmem>>[vector<16xi32>, vector<16xi32>, vector<16xi32>], vector<16xf32>,
        %mul3A_924 = arith.constant 8 : i32
        %mul3A_925 = arith.muli %mul3A_924, %scan3A_436 : i32
        %add3A_926 = arith.constant 7 : i32
        %add3A_927 = arith.addi %mul3A_925, %add3A_926 : i32
        %get3A_928 = arith.constant 0 : i32
        %get3A_929 = arith.index_cast %get3A_928 : i32 to index
        %get3A_930 = arith.index_cast %add3A_927 : i32 to index
        %get3A_931 = arith.constant 32 : index
        %get3A_932 = tpu.vector_load %arg6[%get3A_929, %get3A_930, %get3A_931] {strides = array<i32>} : memref<2x128x64xf32, #tpu.memory_space<vmem>>, vector<16xf32>,
        %scatter3A_933 = arith.constant 0 : i32
        %scatter3A_934 = arith.constant 0 : i32
        %scatter3A_935 = arith.constant 0 : i32
        %scatter3A_936 = arith.constant 0 : i32
        %scatter3A_937 = tpu.memref_slice %arg7[%scatter3A_933, %scatter3A_934, %scatter3A_935, %scatter3A_936] : memref<2x8x8x129xf32, #tpu.memory_space<vmem>> -> memref<1x8x8x129xf32, #tpu.memory_space<vmem>>
        %scatter3A_938 = tpu.memref_squeeze %scatter3A_937 : memref<1x8x8x129xf32, #tpu.memory_space<vmem>> -> memref<8x8x129xf32, #tpu.memory_space<vmem>>
        tpu.vector_store_idx %scatter3A_938[%select_n3A_96, %rem3A_148, %broadcast_in_dim3A_893], %get3A_932 : memref<8x8x129xf32, #tpu.memory_space<vmem>>[vector<16xi32>, vector<16xi32>, vector<16xi32>], vector<16xf32>,
        %mul3A_939 = arith.constant 8 : i32
        %mul3A_940 = arith.muli %mul3A_939, %scan3A_436 : i32
        %add3A_941 = arith.constant 7 : i32
        %add3A_942 = arith.addi %mul3A_940, %add3A_941 : i32
        %get3A_943 = arith.constant 0 : i32
        %get3A_944 = arith.index_cast %get3A_943 : i32 to index
        %get3A_945 = arith.index_cast %add3A_942 : i32 to index
        %get3A_946 = arith.constant 48 : index
        %get3A_947 = tpu.vector_load %arg6[%get3A_944, %get3A_945, %get3A_946] {strides = array<i32>} : memref<2x128x64xf32, #tpu.memory_space<vmem>>, vector<16xf32>,
        %scatter3A_948 = arith.constant 0 : i32
        %scatter3A_949 = arith.constant 0 : i32
        %scatter3A_950 = arith.constant 0 : i32
        %scatter3A_951 = arith.constant 0 : i32
        %scatter3A_952 = tpu.memref_slice %arg7[%scatter3A_948, %scatter3A_949, %scatter3A_950, %scatter3A_951] : memref<2x8x8x129xf32, #tpu.memory_space<vmem>> -> memref<1x8x8x129xf32, #tpu.memory_space<vmem>>
        %scatter3A_953 = tpu.memref_squeeze %scatter3A_952 : memref<1x8x8x129xf32, #tpu.memory_space<vmem>> -> memref<8x8x129xf32, #tpu.memory_space<vmem>>
        tpu.vector_store_idx %scatter3A_953[%select_n3A_130, %rem3A_154, %broadcast_in_dim3A_893], %get3A_947 : memref<8x8x129xf32, #tpu.memory_space<vmem>>[vector<16xi32>, vector<16xi32>, vector<16xi32>], vector<16xf32>,
      }
      %scan3A_315 = arith.constant 16 : i32
      %div3A_316 = arith.constant 128 : i32
      %div3A_317 = arith.divsi %add3A_282, %div3A_316 : i32
      %rem3A_318 = arith.constant 128 : i32
      %rem3A_319 = arith.remsi %add3A_282, %rem3A_318 : i32
      %dma_start3A_320 = arith.constant 0 : i32
      %dma_start3A_321 = arith.constant 0 : i32
      %dma_start3A_322 = arith.constant 0 : i32
      %dma_start3A_323 = arith.constant 0 : i32
      %dma_start3A_324 = arith.constant 0 : i32
      %dma_start3A_325 = tpu.memref_slice %arg7[%dma_start3A_320, %dma_start3A_322, %dma_start3A_323, %dma_start3A_324] : memref<2x8x8x129xf32, #tpu.memory_space<vmem>> -> memref<1x8x8x128xf32, #tpu.memory_space<vmem>>
      %dma_start3A_326 = tpu.memref_squeeze %dma_start3A_325 : memref<1x8x8x128xf32, #tpu.memory_space<vmem>> -> memref<8x8x128xf32, #tpu.memory_space<vmem>>
      %dma_start3A_327 = arith.constant 0 : i32
      %dma_start3A_328 = arith.constant 0 : i32
      %dma_start3A_329 = arith.constant 0 : i32
      %dma_start3A_330 = tpu.memref_slice %arg4[%div3A_317, %dma_start3A_327, %rem3A_319, %dma_start3A_328, %dma_start3A_329] : memref<200x8x128x8x128xf32, #tpu.memory_space<hbm>> -> memref<1x8x1x8x128xf32, #tpu.memory_space<hbm>>
      %dma_start3A_331 = tpu.memref_squeeze %dma_start3A_330 : memref<1x8x1x8x128xf32, #tpu.memory_space<hbm>> -> memref<8x8x128xf32, #tpu.memory_space<hbm>>
      %dma_start3A_332 = tpu.memref_slice %arg10[%dma_start3A_321] : memref<2x!tpu.dma_semaphore, #tpu.memory_space<semaphore_mem>> -> memref<1x!tpu.dma_semaphore, #tpu.memory_space<semaphore_mem>>
      %dma_start3A_333 = tpu.memref_squeeze %dma_start3A_332 : memref<1x!tpu.dma_semaphore, #tpu.memory_space<semaphore_mem>> -> memref<!tpu.dma_semaphore, #tpu.memory_space<semaphore_mem>>
      %dma_start3A_334 = arith.constant 0 : i32
      %dma_start3A_335 = arith.constant 0 : i32
      %dma_start3A_336 = arith.constant 0 : i32
      %dma_start3A_337 = tpu.memref_slice %arg4[%div3A_317, %dma_start3A_334, %rem3A_319, %dma_start3A_335, %dma_start3A_336] : memref<200x8x128x8x128xf32, #tpu.memory_space<hbm>> -> memref<1x8x1x8x128xf32, #tpu.memory_space<hbm>>
      %dma_start3A_338 = tpu.memref_squeeze %dma_start3A_337 : memref<1x8x1x8x128xf32, #tpu.memory_space<hbm>> -> memref<8x8x128xf32, #tpu.memory_space<hbm>>
      %dma_start3A_339 = arith.constant 0 : i32
      %dma_start3A_340 = arith.constant 0 : i32
      %dma_start3A_341 = arith.constant 0 : i32
      %dma_start3A_342 = tpu.memref_slice %arg7[%dma_start3A_320, %dma_start3A_339, %dma_start3A_340, %dma_start3A_341] : memref<2x8x8x129xf32, #tpu.memory_space<vmem>> -> memref<1x8x8x128xf32, #tpu.memory_space<vmem>>
      %dma_start3A_343 = tpu.memref_squeeze %dma_start3A_342 : memref<1x8x8x128xf32, #tpu.memory_space<vmem>> -> memref<8x8x128xf32, #tpu.memory_space<vmem>>
      tpu.enqueue_dma source(%dma_start3A_343 : memref<8x8x128xf32, #tpu.memory_space<vmem>>) target(%dma_start3A_338 : memref<8x8x128xf32, #tpu.memory_space<hbm>>) target_semaphore(%dma_start3A_333 : memref<!tpu.dma_semaphore, #tpu.memory_space<semaphore_mem>>)
      %mul3A_344 = arith.constant 2 : i32
      %mul3A_345 = arith.muli %scan3A_277, %mul3A_344 : i32
      %add3A_346 = arith.constant 0 : i32
      %add3A_347 = arith.addi %mul3A_345, %add3A_346 : i32
      %add3A_348 = arith.constant 2 : i32
      %add3A_349 = arith.addi %add3A_347, %add3A_348 : i32
      %lt3A_350 = arith.constant 800 : i32
      %lt3A_351 = arith.cmpi slt, %add3A_349, %lt3A_350 : i32
      %convert_element_type3A_352 = arith.extui %lt3A_351 : i1 to i32
      %cond3A_353 = arith.constant 0 : i32
      %cond3A_354 = arith.cmpi ne, %convert_element_type3A_352, %cond3A_353 : i32
      scf.if %cond3A_354 {
        %add3A_436 = arith.constant 2 : i32
        %add3A_437 = arith.addi %add3A_282, %add3A_436 : i32
        %div3A_438 = arith.constant 128 : i32
        %div3A_439 = arith.divsi %add3A_437, %div3A_438 : i32
        %rem3A_440 = arith.constant 128 : i32
        %rem3A_441 = arith.remsi %add3A_437, %rem3A_440 : i32
        %div3A_442 = arith.constant 8 : i32
        %div3A_443 = arith.divsi %div3A_439, %div3A_442 : i32
        %rem3A_444 = arith.constant 8 : i32
        %rem3A_445 = arith.remsi %div3A_439, %rem3A_444 : i32
        %dma_wait3A_446 = arith.constant 0 : i32
        %dma_wait3A_447 = arith.constant 0 : i32
        %dma_wait3A_448 = arith.constant 0 : i32
        %dma_wait3A_449 = tpu.memref_slice %arg5[%dma_wait3A_446, %dma_wait3A_448] : memref<2x128xi32, #tpu.memory_space<vmem>> -> memref<1x128xi32, #tpu.memory_space<vmem>>
        %dma_wait3A_450 = tpu.memref_squeeze %dma_wait3A_449 : memref<1x128xi32, #tpu.memory_space<vmem>> -> memref<128xi32, #tpu.memory_space<vmem>>
        %dma_wait3A_451 = arith.constant 0 : i32
        %dma_wait3A_452 = tpu.memref_slice %arg2[%div3A_443, %rem3A_441, %rem3A_445, %dma_wait3A_451] : memref<25x128x8x128xi32, #tpu.memory_space<hbm>> -> memref<1x1x1x128xi32, #tpu.memory_space<hbm>>
        %dma_wait3A_453 = tpu.memref_squeeze %dma_wait3A_452 : memref<1x1x1x128xi32, #tpu.memory_space<hbm>> -> memref<128xi32, #tpu.memory_space<hbm>>
        %dma_wait3A_454 = tpu.memref_slice %arg8[%dma_wait3A_447] : memref<2x!tpu.dma_semaphore, #tpu.memory_space<semaphore_mem>> -> memref<1x!tpu.dma_semaphore, #tpu.memory_space<semaphore_mem>>
        %dma_wait3A_455 = tpu.memref_squeeze %dma_wait3A_454 : memref<1x!tpu.dma_semaphore, #tpu.memory_space<semaphore_mem>> -> memref<!tpu.dma_semaphore, #tpu.memory_space<semaphore_mem>>
        %dma_wait3A_456 = arith.constant 0 : i32
        %dma_wait3A_457 = tpu.memref_slice %arg5[%dma_wait3A_446, %dma_wait3A_456] : memref<2x128xi32, #tpu.memory_space<vmem>> -> memref<1x128xi32, #tpu.memory_space<vmem>>
        %dma_wait3A_458 = tpu.memref_squeeze %dma_wait3A_457 : memref<1x128xi32, #tpu.memory_space<vmem>> -> memref<128xi32, #tpu.memory_space<vmem>>
        %dma_wait3A_459 = arith.constant 0 : i32
        %dma_wait3A_460 = tpu.memref_slice %arg2[%div3A_443, %rem3A_441, %rem3A_445, %dma_wait3A_459] : memref<25x128x8x128xi32, #tpu.memory_space<hbm>> -> memref<1x1x1x128xi32, #tpu.memory_space<hbm>>
        %dma_wait3A_461 = tpu.memref_squeeze %dma_wait3A_460 : memref<1x1x1x128xi32, #tpu.memory_space<hbm>> -> memref<128xi32, #tpu.memory_space<hbm>>
        tpu.wait_dma2 semaphore(%dma_wait3A_455 : memref<!tpu.dma_semaphore, #tpu.memory_space<semaphore_mem>>) src(%dma_wait3A_461 : memref<128xi32, #tpu.memory_space<hbm>>) dst(%dma_wait3A_458 : memref<128xi32, #tpu.memory_space<vmem>>)
        %dma_start3A_462 = arith.constant 0 : i32
        %dma_start3A_463 = arith.constant 0 : i32
        %dma_start3A_464 = arith.constant 0 : i32
        %dma_start3A_465 = arith.constant 0 : i32
        %dma_start3A_466 = arith.constant 0 : i32
        %dma_start3A_467 = tpu.memref_slice %arg6[%dma_start3A_463, %dma_start3A_465, %dma_start3A_466] : memref<2x128x64xf32, #tpu.memory_space<vmem>> -> memref<1x128x64xf32, #tpu.memory_space<vmem>>
        %dma_start3A_468 = tpu.memref_squeeze %dma_start3A_467 : memref<1x128x64xf32, #tpu.memory_space<vmem>> -> memref<128x64xf32, #tpu.memory_space<vmem>>
        %dma_start3A_469 = arith.constant 0 : i32
        %dma_start3A_470 = tpu.memref_slice %arg5[%dma_start3A_462, %dma_start3A_469] : memref<2x128xi32, #tpu.memory_space<vmem>> -> memref<1x128xi32, #tpu.memory_space<vmem>>
        %dma_start3A_471 = tpu.memref_squeeze %dma_start3A_470 : memref<1x128xi32, #tpu.memory_space<vmem>> -> memref<128xi32, #tpu.memory_space<vmem>>
        %dma_start3A_472 = arith.constant 0 : i32
        %dma_start3A_473 = arith.constant 0 : i32
        %dma_start3A_474 = tpu.memref_slice %arg3[%dma_start3A_472, %dma_start3A_473] : memref<1000000x64xf32, #tpu.memory_space<hbm>> -> memref<1000000x64xf32, #tpu.memory_space<hbm>>
        %dma_start3A_475 = tpu.memref_slice %arg9[%dma_start3A_464] : memref<2x!tpu.dma_semaphore, #tpu.memory_space<semaphore_mem>> -> memref<1x!tpu.dma_semaphore, #tpu.memory_space<semaphore_mem>>
        %dma_start3A_476 = tpu.memref_squeeze %dma_start3A_475 : memref<1x!tpu.dma_semaphore, #tpu.memory_space<semaphore_mem>> -> memref<!tpu.dma_semaphore, #tpu.memory_space<semaphore_mem>>
        tpu.enqueue_indirect_dma source(%dma_start3A_474 : memref<1000000x64xf32, #tpu.memory_space<hbm>>) target(%dma_start3A_468 : memref<128x64xf32, #tpu.memory_space<vmem>>) offsets(%dma_start3A_471 : memref<128xi32, #tpu.memory_space<vmem>>) semaphore(%dma_start3A_476 : memref<!tpu.dma_semaphore, #tpu.memory_space<semaphore_mem>>)
      } else {
      }
      %mul3A_355 = arith.constant 2 : i32
      %mul3A_356 = arith.muli %scan3A_277, %mul3A_355 : i32
      %add3A_357 = arith.addi %mul3A_2, %mul3A_356 : i32
      %add3A_358 = arith.constant 1 : i32
      %add3A_359 = arith.addi %add3A_357, %add3A_358 : i32
      %dma_wait3A_360 = arith.constant 1 : i32
      %dma_wait3A_361 = arith.constant 1 : i32
      %dma_wait3A_362 = arith.constant 1 : i32
      %dma_wait3A_363 = arith.constant 0 : i32
      %dma_wait3A_364 = arith.constant 0 : i32
      %dma_wait3A_365 = tpu.memref_slice %arg6[%dma_wait3A_361, %dma_wait3A_363, %dma_wait3A_364] : memref<2x128x64xf32, #tpu.memory_space<vmem>> -> memref<1x128x64xf32, #tpu.memory_space<vmem>>
      %dma_wait3A_366 = tpu.memref_squeeze %dma_wait3A_365 : memref<1x128x64xf32, #tpu.memory_space<vmem>> -> memref<128x64xf32, #tpu.memory_space<vmem>>
      %dma_wait3A_367 = arith.constant 0 : i32
      %dma_wait3A_368 = tpu.memref_slice %arg5[%dma_wait3A_360, %dma_wait3A_367] : memref<2x128xi32, #tpu.memory_space<vmem>> -> memref<1x128xi32, #tpu.memory_space<vmem>>
      %dma_wait3A_369 = tpu.memref_squeeze %dma_wait3A_368 : memref<1x128xi32, #tpu.memory_space<vmem>> -> memref<128xi32, #tpu.memory_space<vmem>>
      %dma_wait3A_370 = arith.constant 0 : i32
      %dma_wait3A_371 = arith.constant 0 : i32
      %dma_wait3A_372 = tpu.memref_slice %arg3[%dma_wait3A_370, %dma_wait3A_371] : memref<1000000x64xf32, #tpu.memory_space<hbm>> -> memref<1000000x64xf32, #tpu.memory_space<hbm>>
      %dma_wait3A_373 = tpu.memref_slice %arg9[%dma_wait3A_362] : memref<2x!tpu.dma_semaphore, #tpu.memory_space<semaphore_mem>> -> memref<1x!tpu.dma_semaphore, #tpu.memory_space<semaphore_mem>>
      %dma_wait3A_374 = tpu.memref_squeeze %dma_wait3A_373 : memref<1x!tpu.dma_semaphore, #tpu.memory_space<semaphore_mem>> -> memref<!tpu.dma_semaphore, #tpu.memory_space<semaphore_mem>>
      tpu.wait_indirect_dma semaphore(%dma_wait3A_374 : memref<!tpu.dma_semaphore, #tpu.memory_space<semaphore_mem>>) src(%dma_wait3A_372 : memref<1000000x64xf32, #tpu.memory_space<hbm>>) dst(%dma_wait3A_366 : memref<128x64xf32, #tpu.memory_space<vmem>>)
      %gt3A_375 = arith.constant 0 : i32
      %gt3A_376 = arith.cmpi sgt, %scan3A_277, %gt3A_375 : i32
      %convert_element_type3A_377 = arith.extui %gt3A_376 : i1 to i32
      %cond3A_378 = arith.constant 0 : i32
      %cond3A_379 = arith.cmpi ne, %convert_element_type3A_377, %cond3A_378 : i32
      scf.if %cond3A_379 {
        %sub3A_436 = arith.constant 2 : i32
        %sub3A_437 = arith.subi %add3A_359, %sub3A_436 : i32
        %div3A_438 = arith.constant 128 : i32
        %div3A_439 = arith.divsi %sub3A_437, %div3A_438 : i32
        %rem3A_440 = arith.constant 128 : i32
        %rem3A_441 = arith.remsi %sub3A_437, %rem3A_440 : i32
        %dma_wait3A_442 = arith.constant 1 : i32
        %dma_wait3A_443 = arith.constant 1 : i32
        %dma_wait3A_444 = arith.constant 0 : i32
        %dma_wait3A_445 = arith.constant 0 : i32
        %dma_wait3A_446 = arith.constant 0 : i32
        %dma_wait3A_447 = tpu.memref_slice %arg7[%dma_wait3A_442, %dma_wait3A_444, %dma_wait3A_445, %dma_wait3A_446] : memref<2x8x8x129xf32, #tpu.memory_space<vmem>> -> memref<1x8x8x128xf32, #tpu.memory_space<vmem>>
        %dma_wait3A_448 = tpu.memref_squeeze %dma_wait3A_447 : memref<1x8x8x128xf32, #tpu.memory_space<vmem>> -> memref<8x8x128xf32, #tpu.memory_space<vmem>>
        %dma_wait3A_449 = arith.constant 0 : i32
        %dma_wait3A_450 = arith.constant 0 : i32
        %dma_wait3A_451 = arith.constant 0 : i32
        %dma_wait3A_452 = tpu.memref_slice %arg4[%div3A_439, %dma_wait3A_449, %rem3A_441, %dma_wait3A_450, %dma_wait3A_451] : memref<200x8x128x8x128xf32, #tpu.memory_space<hbm>> -> memref<1x8x1x8x128xf32, #tpu.memory_space<hbm>>
        %dma_wait3A_453 = tpu.memref_squeeze %dma_wait3A_452 : memref<1x8x1x8x128xf32, #tpu.memory_space<hbm>> -> memref<8x8x128xf32, #tpu.memory_space<hbm>>
        %dma_wait3A_454 = tpu.memref_slice %arg10[%dma_wait3A_443] : memref<2x!tpu.dma_semaphore, #tpu.memory_space<semaphore_mem>> -> memref<1x!tpu.dma_semaphore, #tpu.memory_space<semaphore_mem>>
        %dma_wait3A_455 = tpu.memref_squeeze %dma_wait3A_454 : memref<1x!tpu.dma_semaphore, #tpu.memory_space<semaphore_mem>> -> memref<!tpu.dma_semaphore, #tpu.memory_space<semaphore_mem>>
        %dma_wait3A_456 = arith.constant 0 : i32
        %dma_wait3A_457 = arith.constant 0 : i32
        %dma_wait3A_458 = arith.constant 0 : i32
        %dma_wait3A_459 = tpu.memref_slice %arg4[%div3A_439, %dma_wait3A_456, %rem3A_441, %dma_wait3A_457, %dma_wait3A_458] : memref<200x8x128x8x128xf32, #tpu.memory_space<hbm>> -> memref<1x8x1x8x128xf32, #tpu.memory_space<hbm>>
        %dma_wait3A_460 = tpu.memref_squeeze %dma_wait3A_459 : memref<1x8x1x8x128xf32, #tpu.memory_space<hbm>> -> memref<8x8x128xf32, #tpu.memory_space<hbm>>
        %dma_wait3A_461 = arith.constant 0 : i32
        %dma_wait3A_462 = arith.constant 0 : i32
        %dma_wait3A_463 = arith.constant 0 : i32
        %dma_wait3A_464 = tpu.memref_slice %arg7[%dma_wait3A_442, %dma_wait3A_461, %dma_wait3A_462, %dma_wait3A_463] : memref<2x8x8x129xf32, #tpu.memory_space<vmem>> -> memref<1x8x8x128xf32, #tpu.memory_space<vmem>>
        %dma_wait3A_465 = tpu.memref_squeeze %dma_wait3A_464 : memref<1x8x8x128xf32, #tpu.memory_space<vmem>> -> memref<8x8x128xf32, #tpu.memory_space<vmem>>
        tpu.wait_dma2 semaphore(%dma_wait3A_455 : memref<!tpu.dma_semaphore, #tpu.memory_space<semaphore_mem>>) src(%dma_wait3A_465 : memref<8x8x128xf32, #tpu.memory_space<vmem>>) dst(%dma_wait3A_460 : memref<8x8x128xf32, #tpu.memory_space<hbm>>)
      } else {
      }
      %mul3A_380 = arith.constant 2 : i32
      %mul3A_381 = arith.muli %scan3A_277, %mul3A_380 : i32
      %add3A_382 = arith.constant 1 : i32
      %add3A_383 = arith.addi %mul3A_381, %add3A_382 : i32
      %add3A_384 = arith.constant 2 : i32
      %add3A_385 = arith.addi %add3A_383, %add3A_384 : i32
      %lt3A_386 = arith.constant 800 : i32
      %lt3A_387 = arith.cmpi slt, %add3A_385, %lt3A_386 : i32
      %convert_element_type3A_388 = arith.extui %lt3A_387 : i1 to i32
      %cond3A_389 = arith.constant 0 : i32
      %cond3A_390 = arith.cmpi ne, %convert_element_type3A_388, %cond3A_389 : i32
      scf.if %cond3A_390 {
        %add3A_436 = arith.constant 2 : i32
        %add3A_437 = arith.addi %add3A_359, %add3A_436 : i32
        %div3A_438 = arith.constant 128 : i32
        %div3A_439 = arith.divsi %add3A_437, %div3A_438 : i32
        %rem3A_440 = arith.constant 128 : i32
        %rem3A_441 = arith.remsi %add3A_437, %rem3A_440 : i32
        %div3A_442 = arith.constant 8 : i32
        %div3A_443 = arith.divsi %div3A_439, %div3A_442 : i32
        %rem3A_444 = arith.constant 8 : i32
        %rem3A_445 = arith.remsi %div3A_439, %rem3A_444 : i32
        %dma_start3A_446 = arith.constant 1 : i32
        %dma_start3A_447 = arith.constant 1 : i32
        %dma_start3A_448 = arith.constant 0 : i32
        %dma_start3A_449 = tpu.memref_slice %arg5[%dma_start3A_446, %dma_start3A_448] : memref<2x128xi32, #tpu.memory_space<vmem>> -> memref<1x128xi32, #tpu.memory_space<vmem>>
        %dma_start3A_450 = tpu.memref_squeeze %dma_start3A_449 : memref<1x128xi32, #tpu.memory_space<vmem>> -> memref<128xi32, #tpu.memory_space<vmem>>
        %dma_start3A_451 = arith.constant 0 : i32
        %dma_start3A_452 = tpu.memref_slice %arg2[%div3A_443, %rem3A_441, %rem3A_445, %dma_start3A_451] : memref<25x128x8x128xi32, #tpu.memory_space<hbm>> -> memref<1x1x1x128xi32, #tpu.memory_space<hbm>>
        %dma_start3A_453 = tpu.memref_squeeze %dma_start3A_452 : memref<1x1x1x128xi32, #tpu.memory_space<hbm>> -> memref<128xi32, #tpu.memory_space<hbm>>
        %dma_start3A_454 = tpu.memref_slice %arg8[%dma_start3A_447] : memref<2x!tpu.dma_semaphore, #tpu.memory_space<semaphore_mem>> -> memref<1x!tpu.dma_semaphore, #tpu.memory_space<semaphore_mem>>
        %dma_start3A_455 = tpu.memref_squeeze %dma_start3A_454 : memref<1x!tpu.dma_semaphore, #tpu.memory_space<semaphore_mem>> -> memref<!tpu.dma_semaphore, #tpu.memory_space<semaphore_mem>>
        %dma_start3A_456 = arith.constant 0 : i32
        %dma_start3A_457 = tpu.memref_slice %arg5[%dma_start3A_446, %dma_start3A_456] : memref<2x128xi32, #tpu.memory_space<vmem>> -> memref<1x128xi32, #tpu.memory_space<vmem>>
        %dma_start3A_458 = tpu.memref_squeeze %dma_start3A_457 : memref<1x128xi32, #tpu.memory_space<vmem>> -> memref<128xi32, #tpu.memory_space<vmem>>
        %dma_start3A_459 = arith.constant 0 : i32
        %dma_start3A_460 = tpu.memref_slice %arg2[%div3A_443, %rem3A_441, %rem3A_445, %dma_start3A_459] : memref<25x128x8x128xi32, #tpu.memory_space<hbm>> -> memref<1x1x1x128xi32, #tpu.memory_space<hbm>>
        %dma_start3A_461 = tpu.memref_squeeze %dma_start3A_460 : memref<1x1x1x128xi32, #tpu.memory_space<hbm>> -> memref<128xi32, #tpu.memory_space<hbm>>
        tpu.enqueue_dma source(%dma_start3A_461 : memref<128xi32, #tpu.memory_space<hbm>>) target(%dma_start3A_458 : memref<128xi32, #tpu.memory_space<vmem>>) target_semaphore(%dma_start3A_455 : memref<!tpu.dma_semaphore, #tpu.memory_space<semaphore_mem>>)
      } else {
      }
      %scan3A_391 = arith.constant 0 : i32
      %scan3A_392 = arith.constant 0 : i32
      %scan3A_393 = arith.constant 16 : i32
      %scan3A_394 = arith.addi %scan3A_392, %scan3A_393 : i32
      %scan3A_395 = arith.constant 1 : i32
      scf.for %scan3A_436 = %scan3A_392 to %scan3A_394 step %scan3A_395  : i32 {
        %mul3A_437 = arith.constant 8 : i32
        %mul3A_438 = arith.muli %mul3A_437, %scan3A_436 : i32
        %add3A_439 = arith.constant 0 : i32
        %add3A_440 = arith.addi %mul3A_438, %add3A_439 : i32
        %broadcast_in_dim3A = vector.broadcast %add3A_440 : i32 to vector<16xi32>
        %mul3A_441 = arith.constant 8 : i32
        %mul3A_442 = arith.muli %mul3A_441, %scan3A_436 : i32
        %add3A_443 = arith.constant 0 : i32
        %add3A_444 = arith.addi %mul3A_442, %add3A_443 : i32
        %get3A = arith.constant 1 : i32
        %get3A_445 = arith.index_cast %get3A : i32 to index
        %get3A_446 = arith.index_cast %add3A_444 : i32 to index
        %get3A_447 = arith.constant 0 : index
        %get3A_448 = tpu.vector_load %arg6[%get3A_445, %get3A_446, %get3A_447] {strides = array<i32>} : memref<2x128x64xf32, #tpu.memory_space<vmem>>, vector<16xf32>,
        %scatter3A = arith.constant 1 : i32
        %scatter3A_449 = arith.constant 0 : i32
        %scatter3A_450 = arith.constant 0 : i32
        %scatter3A_451 = arith.constant 0 : i32
        %scatter3A_452 = tpu.memref_slice %arg7[%scatter3A, %scatter3A_449, %scatter3A_450, %scatter3A_451] : memref<2x8x8x129xf32, #tpu.memory_space<vmem>> -> memref<1x8x8x129xf32, #tpu.memory_space<vmem>>
        %scatter3A_453 = tpu.memref_squeeze %scatter3A_452 : memref<1x8x8x129xf32, #tpu.memory_space<vmem>> -> memref<8x8x129xf32, #tpu.memory_space<vmem>>
        tpu.vector_store_idx %scatter3A_453[%select_n3A, %rem3A_136, %broadcast_in_dim3A], %get3A_448 : memref<8x8x129xf32, #tpu.memory_space<vmem>>[vector<16xi32>, vector<16xi32>, vector<16xi32>], vector<16xf32>,
        %mul3A_454 = arith.constant 8 : i32
        %mul3A_455 = arith.muli %mul3A_454, %scan3A_436 : i32
        %add3A_456 = arith.constant 0 : i32
        %add3A_457 = arith.addi %mul3A_455, %add3A_456 : i32
        %get3A_458 = arith.constant 1 : i32
        %get3A_459 = arith.index_cast %get3A_458 : i32 to index
        %get3A_460 = arith.index_cast %add3A_457 : i32 to index
        %get3A_461 = arith.constant 16 : index
        %get3A_462 = tpu.vector_load %arg6[%get3A_459, %get3A_460, %get3A_461] {strides = array<i32>} : memref<2x128x64xf32, #tpu.memory_space<vmem>>, vector<16xf32>,
        %scatter3A_463 = arith.constant 1 : i32
        %scatter3A_464 = arith.constant 0 : i32
        %scatter3A_465 = arith.constant 0 : i32
        %scatter3A_466 = arith.constant 0 : i32
        %scatter3A_467 = tpu.memref_slice %arg7[%scatter3A_463, %scatter3A_464, %scatter3A_465, %scatter3A_466] : memref<2x8x8x129xf32, #tpu.memory_space<vmem>> -> memref<1x8x8x129xf32, #tpu.memory_space<vmem>>
        %scatter3A_468 = tpu.memref_squeeze %scatter3A_467 : memref<1x8x8x129xf32, #tpu.memory_space<vmem>> -> memref<8x8x129xf32, #tpu.memory_space<vmem>>
        tpu.vector_store_idx %scatter3A_468[%select_n3A_62, %rem3A_142, %broadcast_in_dim3A], %get3A_462 : memref<8x8x129xf32, #tpu.memory_space<vmem>>[vector<16xi32>, vector<16xi32>, vector<16xi32>], vector<16xf32>,
        %mul3A_469 = arith.constant 8 : i32
        %mul3A_470 = arith.muli %mul3A_469, %scan3A_436 : i32
        %add3A_471 = arith.constant 0 : i32
        %add3A_472 = arith.addi %mul3A_470, %add3A_471 : i32
        %get3A_473 = arith.constant 1 : i32
        %get3A_474 = arith.index_cast %get3A_473 : i32 to index
        %get3A_475 = arith.index_cast %add3A_472 : i32 to index
        %get3A_476 = arith.constant 32 : index
        %get3A_477 = tpu.vector_load %arg6[%get3A_474, %get3A_475, %get3A_476] {strides = array<i32>} : memref<2x128x64xf32, #tpu.memory_space<vmem>>, vector<16xf32>,
        %scatter3A_478 = arith.constant 1 : i32
        %scatter3A_479 = arith.constant 0 : i32
        %scatter3A_480 = arith.constant 0 : i32
        %scatter3A_481 = arith.constant 0 : i32
        %scatter3A_482 = tpu.memref_slice %arg7[%scatter3A_478, %scatter3A_479, %scatter3A_480, %scatter3A_481] : memref<2x8x8x129xf32, #tpu.memory_space<vmem>> -> memref<1x8x8x129xf32, #tpu.memory_space<vmem>>
        %scatter3A_483 = tpu.memref_squeeze %scatter3A_482 : memref<1x8x8x129xf32, #tpu.memory_space<vmem>> -> memref<8x8x129xf32, #tpu.memory_space<vmem>>
        tpu.vector_store_idx %scatter3A_483[%select_n3A_96, %rem3A_148, %broadcast_in_dim3A], %get3A_477 : memref<8x8x129xf32, #tpu.memory_space<vmem>>[vector<16xi32>, vector<16xi32>, vector<16xi32>], vector<16xf32>,
        %mul3A_484 = arith.constant 8 : i32
        %mul3A_485 = arith.muli %mul3A_484, %scan3A_436 : i32
        %add3A_486 = arith.constant 0 : i32
        %add3A_487 = arith.addi %mul3A_485, %add3A_486 : i32
        %get3A_488 = arith.constant 1 : i32
        %get3A_489 = arith.index_cast %get3A_488 : i32 to index
        %get3A_490 = arith.index_cast %add3A_487 : i32 to index
        %get3A_491 = arith.constant 48 : index
        %get3A_492 = tpu.vector_load %arg6[%get3A_489, %get3A_490, %get3A_491] {strides = array<i32>} : memref<2x128x64xf32, #tpu.memory_space<vmem>>, vector<16xf32>,
        %scatter3A_493 = arith.constant 1 : i32
        %scatter3A_494 = arith.constant 0 : i32
        %scatter3A_495 = arith.constant 0 : i32
        %scatter3A_496 = arith.constant 0 : i32
        %scatter3A_497 = tpu.memref_slice %arg7[%scatter3A_493, %scatter3A_494, %scatter3A_495, %scatter3A_496] : memref<2x8x8x129xf32, #tpu.memory_space<vmem>> -> memref<1x8x8x129xf32, #tpu.memory_space<vmem>>
        %scatter3A_498 = tpu.memref_squeeze %scatter3A_497 : memref<1x8x8x129xf32, #tpu.memory_space<vmem>> -> memref<8x8x129xf32, #tpu.memory_space<vmem>>
        tpu.vector_store_idx %scatter3A_498[%select_n3A_130, %rem3A_154, %broadcast_in_dim3A], %get3A_492 : memref<8x8x129xf32, #tpu.memory_space<vmem>>[vector<16xi32>, vector<16xi32>, vector<16xi32>], vector<16xf32>,
        %mul3A_499 = arith.constant 8 : i32
        %mul3A_500 = arith.muli %mul3A_499, %scan3A_436 : i32
        %add3A_501 = arith.constant 1 : i32
        %add3A_502 = arith.addi %mul3A_500, %add3A_501 : i32
        %broadcast_in_dim3A_503 = vector.broadcast %add3A_502 : i32 to vector<16xi32>
        %mul3A_504 = arith.constant 8 : i32
        %mul3A_505 = arith.muli %mul3A_504, %scan3A_436 : i32
        %add3A_506 = arith.constant 1 : i32
        %add3A_507 = arith.addi %mul3A_505, %add3A_506 : i32
        %get3A_508 = arith.constant 1 : i32
        %get3A_509 = arith.index_cast %get3A_508 : i32 to index
        %get3A_510 = arith.index_cast %add3A_507 : i32 to index
        %get3A_511 = arith.constant 0 : index
        %get3A_512 = tpu.vector_load %arg6[%get3A_509, %get3A_510, %get3A_511] {strides = array<i32>} : memref<2x128x64xf32, #tpu.memory_space<vmem>>, vector<16xf32>,
        %scatter3A_513 = arith.constant 1 : i32
        %scatter3A_514 = arith.constant 0 : i32
        %scatter3A_515 = arith.constant 0 : i32
        %scatter3A_516 = arith.constant 0 : i32
        %scatter3A_517 = tpu.memref_slice %arg7[%scatter3A_513, %scatter3A_514, %scatter3A_515, %scatter3A_516] : memref<2x8x8x129xf32, #tpu.memory_space<vmem>> -> memref<1x8x8x129xf32, #tpu.memory_space<vmem>>
        %scatter3A_518 = tpu.memref_squeeze %scatter3A_517 : memref<1x8x8x129xf32, #tpu.memory_space<vmem>> -> memref<8x8x129xf32, #tpu.memory_space<vmem>>
        tpu.vector_store_idx %scatter3A_518[%select_n3A, %rem3A_136, %broadcast_in_dim3A_503], %get3A_512 : memref<8x8x129xf32, #tpu.memory_space<vmem>>[vector<16xi32>, vector<16xi32>, vector<16xi32>], vector<16xf32>,
        %mul3A_519 = arith.constant 8 : i32
        %mul3A_520 = arith.muli %mul3A_519, %scan3A_436 : i32
        %add3A_521 = arith.constant 1 : i32
        %add3A_522 = arith.addi %mul3A_520, %add3A_521 : i32
        %get3A_523 = arith.constant 1 : i32
        %get3A_524 = arith.index_cast %get3A_523 : i32 to index
        %get3A_525 = arith.index_cast %add3A_522 : i32 to index
        %get3A_526 = arith.constant 16 : index
        %get3A_527 = tpu.vector_load %arg6[%get3A_524, %get3A_525, %get3A_526] {strides = array<i32>} : memref<2x128x64xf32, #tpu.memory_space<vmem>>, vector<16xf32>,
        %scatter3A_528 = arith.constant 1 : i32
        %scatter3A_529 = arith.constant 0 : i32
        %scatter3A_530 = arith.constant 0 : i32
        %scatter3A_531 = arith.constant 0 : i32
        %scatter3A_532 = tpu.memref_slice %arg7[%scatter3A_528, %scatter3A_529, %scatter3A_530, %scatter3A_531] : memref<2x8x8x129xf32, #tpu.memory_space<vmem>> -> memref<1x8x8x129xf32, #tpu.memory_space<vmem>>
        %scatter3A_533 = tpu.memref_squeeze %scatter3A_532 : memref<1x8x8x129xf32, #tpu.memory_space<vmem>> -> memref<8x8x129xf32, #tpu.memory_space<vmem>>
        tpu.vector_store_idx %scatter3A_533[%select_n3A_62, %rem3A_142, %broadcast_in_dim3A_503], %get3A_527 : memref<8x8x129xf32, #tpu.memory_space<vmem>>[vector<16xi32>, vector<16xi32>, vector<16xi32>], vector<16xf32>,
        %mul3A_534 = arith.constant 8 : i32
        %mul3A_535 = arith.muli %mul3A_534, %scan3A_436 : i32
        %add3A_536 = arith.constant 1 : i32
        %add3A_537 = arith.addi %mul3A_535, %add3A_536 : i32
        %get3A_538 = arith.constant 1 : i32
        %get3A_539 = arith.index_cast %get3A_538 : i32 to index
        %get3A_540 = arith.index_cast %add3A_537 : i32 to index
        %get3A_541 = arith.constant 32 : index
        %get3A_542 = tpu.vector_load %arg6[%get3A_539, %get3A_540, %get3A_541] {strides = array<i32>} : memref<2x128x64xf32, #tpu.memory_space<vmem>>, vector<16xf32>,
        %scatter3A_543 = arith.constant 1 : i32
        %scatter3A_544 = arith.constant 0 : i32
        %scatter3A_545 = arith.constant 0 : i32
        %scatter3A_546 = arith.constant 0 : i32
        %scatter3A_547 = tpu.memref_slice %arg7[%scatter3A_543, %scatter3A_544, %scatter3A_545, %scatter3A_546] : memref<2x8x8x129xf32, #tpu.memory_space<vmem>> -> memref<1x8x8x129xf32, #tpu.memory_space<vmem>>
        %scatter3A_548 = tpu.memref_squeeze %scatter3A_547 : memref<1x8x8x129xf32, #tpu.memory_space<vmem>> -> memref<8x8x129xf32, #tpu.memory_space<vmem>>
        tpu.vector_store_idx %scatter3A_548[%select_n3A_96, %rem3A_148, %broadcast_in_dim3A_503], %get3A_542 : memref<8x8x129xf32, #tpu.memory_space<vmem>>[vector<16xi32>, vector<16xi32>, vector<16xi32>], vector<16xf32>,
        %mul3A_549 = arith.constant 8 : i32
        %mul3A_550 = arith.muli %mul3A_549, %scan3A_436 : i32
        %add3A_551 = arith.constant 1 : i32
        %add3A_552 = arith.addi %mul3A_550, %add3A_551 : i32
        %get3A_553 = arith.constant 1 : i32
        %get3A_554 = arith.index_cast %get3A_553 : i32 to index
        %get3A_555 = arith.index_cast %add3A_552 : i32 to index
        %get3A_556 = arith.constant 48 : index
        %get3A_557 = tpu.vector_load %arg6[%get3A_554, %get3A_555, %get3A_556] {strides = array<i32>} : memref<2x128x64xf32, #tpu.memory_space<vmem>>, vector<16xf32>,
        %scatter3A_558 = arith.constant 1 : i32
        %scatter3A_559 = arith.constant 0 : i32
        %scatter3A_560 = arith.constant 0 : i32
        %scatter3A_561 = arith.constant 0 : i32
        %scatter3A_562 = tpu.memref_slice %arg7[%scatter3A_558, %scatter3A_559, %scatter3A_560, %scatter3A_561] : memref<2x8x8x129xf32, #tpu.memory_space<vmem>> -> memref<1x8x8x129xf32, #tpu.memory_space<vmem>>
        %scatter3A_563 = tpu.memref_squeeze %scatter3A_562 : memref<1x8x8x129xf32, #tpu.memory_space<vmem>> -> memref<8x8x129xf32, #tpu.memory_space<vmem>>
        tpu.vector_store_idx %scatter3A_563[%select_n3A_130, %rem3A_154, %broadcast_in_dim3A_503], %get3A_557 : memref<8x8x129xf32, #tpu.memory_space<vmem>>[vector<16xi32>, vector<16xi32>, vector<16xi32>], vector<16xf32>,
        %mul3A_564 = arith.constant 8 : i32
        %mul3A_565 = arith.muli %mul3A_564, %scan3A_436 : i32
        %add3A_566 = arith.constant 2 : i32
        %add3A_567 = arith.addi %mul3A_565, %add3A_566 : i32
        %broadcast_in_dim3A_568 = vector.broadcast %add3A_567 : i32 to vector<16xi32>
        %mul3A_569 = arith.constant 8 : i32
        %mul3A_570 = arith.muli %mul3A_569, %scan3A_436 : i32
        %add3A_571 = arith.constant 2 : i32
        %add3A_572 = arith.addi %mul3A_570, %add3A_571 : i32
        %get3A_573 = arith.constant 1 : i32
        %get3A_574 = arith.index_cast %get3A_573 : i32 to index
        %get3A_575 = arith.index_cast %add3A_572 : i32 to index
        %get3A_576 = arith.constant 0 : index
        %get3A_577 = tpu.vector_load %arg6[%get3A_574, %get3A_575, %get3A_576] {strides = array<i32>} : memref<2x128x64xf32, #tpu.memory_space<vmem>>, vector<16xf32>,
        %scatter3A_578 = arith.constant 1 : i32
        %scatter3A_579 = arith.constant 0 : i32
        %scatter3A_580 = arith.constant 0 : i32
        %scatter3A_581 = arith.constant 0 : i32
        %scatter3A_582 = tpu.memref_slice %arg7[%scatter3A_578, %scatter3A_579, %scatter3A_580, %scatter3A_581] : memref<2x8x8x129xf32, #tpu.memory_space<vmem>> -> memref<1x8x8x129xf32, #tpu.memory_space<vmem>>
        %scatter3A_583 = tpu.memref_squeeze %scatter3A_582 : memref<1x8x8x129xf32, #tpu.memory_space<vmem>> -> memref<8x8x129xf32, #tpu.memory_space<vmem>>
        tpu.vector_store_idx %scatter3A_583[%select_n3A, %rem3A_136, %broadcast_in_dim3A_568], %get3A_577 : memref<8x8x129xf32, #tpu.memory_space<vmem>>[vector<16xi32>, vector<16xi32>, vector<16xi32>], vector<16xf32>,
        %mul3A_584 = arith.constant 8 : i32
        %mul3A_585 = arith.muli %mul3A_584, %scan3A_436 : i32
        %add3A_586 = arith.constant 2 : i32
        %add3A_587 = arith.addi %mul3A_585, %add3A_586 : i32
        %get3A_588 = arith.constant 1 : i32
        %get3A_589 = arith.index_cast %get3A_588 : i32 to index
        %get3A_590 = arith.index_cast %add3A_587 : i32 to index
        %get3A_591 = arith.constant 16 : index
        %get3A_592 = tpu.vector_load %arg6[%get3A_589, %get3A_590, %get3A_591] {strides = array<i32>} : memref<2x128x64xf32, #tpu.memory_space<vmem>>, vector<16xf32>,
        %scatter3A_593 = arith.constant 1 : i32
        %scatter3A_594 = arith.constant 0 : i32
        %scatter3A_595 = arith.constant 0 : i32
        %scatter3A_596 = arith.constant 0 : i32
        %scatter3A_597 = tpu.memref_slice %arg7[%scatter3A_593, %scatter3A_594, %scatter3A_595, %scatter3A_596] : memref<2x8x8x129xf32, #tpu.memory_space<vmem>> -> memref<1x8x8x129xf32, #tpu.memory_space<vmem>>
        %scatter3A_598 = tpu.memref_squeeze %scatter3A_597 : memref<1x8x8x129xf32, #tpu.memory_space<vmem>> -> memref<8x8x129xf32, #tpu.memory_space<vmem>>
        tpu.vector_store_idx %scatter3A_598[%select_n3A_62, %rem3A_142, %broadcast_in_dim3A_568], %get3A_592 : memref<8x8x129xf32, #tpu.memory_space<vmem>>[vector<16xi32>, vector<16xi32>, vector<16xi32>], vector<16xf32>,
        %mul3A_599 = arith.constant 8 : i32
        %mul3A_600 = arith.muli %mul3A_599, %scan3A_436 : i32
        %add3A_601 = arith.constant 2 : i32
        %add3A_602 = arith.addi %mul3A_600, %add3A_601 : i32
        %get3A_603 = arith.constant 1 : i32
        %get3A_604 = arith.index_cast %get3A_603 : i32 to index
        %get3A_605 = arith.index_cast %add3A_602 : i32 to index
        %get3A_606 = arith.constant 32 : index
        %get3A_607 = tpu.vector_load %arg6[%get3A_604, %get3A_605, %get3A_606] {strides = array<i32>} : memref<2x128x64xf32, #tpu.memory_space<vmem>>, vector<16xf32>,
        %scatter3A_608 = arith.constant 1 : i32
        %scatter3A_609 = arith.constant 0 : i32
        %scatter3A_610 = arith.constant 0 : i32
        %scatter3A_611 = arith.constant 0 : i32
        %scatter3A_612 = tpu.memref_slice %arg7[%scatter3A_608, %scatter3A_609, %scatter3A_610, %scatter3A_611] : memref<2x8x8x129xf32, #tpu.memory_space<vmem>> -> memref<1x8x8x129xf32, #tpu.memory_space<vmem>>
        %scatter3A_613 = tpu.memref_squeeze %scatter3A_612 : memref<1x8x8x129xf32, #tpu.memory_space<vmem>> -> memref<8x8x129xf32, #tpu.memory_space<vmem>>
        tpu.vector_store_idx %scatter3A_613[%select_n3A_96, %rem3A_148, %broadcast_in_dim3A_568], %get3A_607 : memref<8x8x129xf32, #tpu.memory_space<vmem>>[vector<16xi32>, vector<16xi32>, vector<16xi32>], vector<16xf32>,
        %mul3A_614 = arith.constant 8 : i32
        %mul3A_615 = arith.muli %mul3A_614, %scan3A_436 : i32
        %add3A_616 = arith.constant 2 : i32
        %add3A_617 = arith.addi %mul3A_615, %add3A_616 : i32
        %get3A_618 = arith.constant 1 : i32
        %get3A_619 = arith.index_cast %get3A_618 : i32 to index
        %get3A_620 = arith.index_cast %add3A_617 : i32 to index
        %get3A_621 = arith.constant 48 : index
        %get3A_622 = tpu.vector_load %arg6[%get3A_619, %get3A_620, %get3A_621] {strides = array<i32>} : memref<2x128x64xf32, #tpu.memory_space<vmem>>, vector<16xf32>,
        %scatter3A_623 = arith.constant 1 : i32
        %scatter3A_624 = arith.constant 0 : i32
        %scatter3A_625 = arith.constant 0 : i32
        %scatter3A_626 = arith.constant 0 : i32
        %scatter3A_627 = tpu.memref_slice %arg7[%scatter3A_623, %scatter3A_624, %scatter3A_625, %scatter3A_626] : memref<2x8x8x129xf32, #tpu.memory_space<vmem>> -> memref<1x8x8x129xf32, #tpu.memory_space<vmem>>
        %scatter3A_628 = tpu.memref_squeeze %scatter3A_627 : memref<1x8x8x129xf32, #tpu.memory_space<vmem>> -> memref<8x8x129xf32, #tpu.memory_space<vmem>>
        tpu.vector_store_idx %scatter3A_628[%select_n3A_130, %rem3A_154, %broadcast_in_dim3A_568], %get3A_622 : memref<8x8x129xf32, #tpu.memory_space<vmem>>[vector<16xi32>, vector<16xi32>, vector<16xi32>], vector<16xf32>,
        %mul3A_629 = arith.constant 8 : i32
        %mul3A_630 = arith.muli %mul3A_629, %scan3A_436 : i32
        %add3A_631 = arith.constant 3 : i32
        %add3A_632 = arith.addi %mul3A_630, %add3A_631 : i32
        %broadcast_in_dim3A_633 = vector.broadcast %add3A_632 : i32 to vector<16xi32>
        %mul3A_634 = arith.constant 8 : i32
        %mul3A_635 = arith.muli %mul3A_634, %scan3A_436 : i32
        %add3A_636 = arith.constant 3 : i32
        %add3A_637 = arith.addi %mul3A_635, %add3A_636 : i32
        %get3A_638 = arith.constant 1 : i32
        %get3A_639 = arith.index_cast %get3A_638 : i32 to index
        %get3A_640 = arith.index_cast %add3A_637 : i32 to index
        %get3A_641 = arith.constant 0 : index
        %get3A_642 = tpu.vector_load %arg6[%get3A_639, %get3A_640, %get3A_641] {strides = array<i32>} : memref<2x128x64xf32, #tpu.memory_space<vmem>>, vector<16xf32>,
        %scatter3A_643 = arith.constant 1 : i32
        %scatter3A_644 = arith.constant 0 : i32
        %scatter3A_645 = arith.constant 0 : i32
        %scatter3A_646 = arith.constant 0 : i32
        %scatter3A_647 = tpu.memref_slice %arg7[%scatter3A_643, %scatter3A_644, %scatter3A_645, %scatter3A_646] : memref<2x8x8x129xf32, #tpu.memory_space<vmem>> -> memref<1x8x8x129xf32, #tpu.memory_space<vmem>>
        %scatter3A_648 = tpu.memref_squeeze %scatter3A_647 : memref<1x8x8x129xf32, #tpu.memory_space<vmem>> -> memref<8x8x129xf32, #tpu.memory_space<vmem>>
        tpu.vector_store_idx %scatter3A_648[%select_n3A, %rem3A_136, %broadcast_in_dim3A_633], %get3A_642 : memref<8x8x129xf32, #tpu.memory_space<vmem>>[vector<16xi32>, vector<16xi32>, vector<16xi32>], vector<16xf32>,
        %mul3A_649 = arith.constant 8 : i32
        %mul3A_650 = arith.muli %mul3A_649, %scan3A_436 : i32
        %add3A_651 = arith.constant 3 : i32
        %add3A_652 = arith.addi %mul3A_650, %add3A_651 : i32
        %get3A_653 = arith.constant 1 : i32
        %get3A_654 = arith.index_cast %get3A_653 : i32 to index
        %get3A_655 = arith.index_cast %add3A_652 : i32 to index
        %get3A_656 = arith.constant 16 : index
        %get3A_657 = tpu.vector_load %arg6[%get3A_654, %get3A_655, %get3A_656] {strides = array<i32>} : memref<2x128x64xf32, #tpu.memory_space<vmem>>, vector<16xf32>,
        %scatter3A_658 = arith.constant 1 : i32
        %scatter3A_659 = arith.constant 0 : i32
        %scatter3A_660 = arith.constant 0 : i32
        %scatter3A_661 = arith.constant 0 : i32
        %scatter3A_662 = tpu.memref_slice %arg7[%scatter3A_658, %scatter3A_659, %scatter3A_660, %scatter3A_661] : memref<2x8x8x129xf32, #tpu.memory_space<vmem>> -> memref<1x8x8x129xf32, #tpu.memory_space<vmem>>
        %scatter3A_663 = tpu.memref_squeeze %scatter3A_662 : memref<1x8x8x129xf32, #tpu.memory_space<vmem>> -> memref<8x8x129xf32, #tpu.memory_space<vmem>>
        tpu.vector_store_idx %scatter3A_663[%select_n3A_62, %rem3A_142, %broadcast_in_dim3A_633], %get3A_657 : memref<8x8x129xf32, #tpu.memory_space<vmem>>[vector<16xi32>, vector<16xi32>, vector<16xi32>], vector<16xf32>,
        %mul3A_664 = arith.constant 8 : i32
        %mul3A_665 = arith.muli %mul3A_664, %scan3A_436 : i32
        %add3A_666 = arith.constant 3 : i32
        %add3A_667 = arith.addi %mul3A_665, %add3A_666 : i32
        %get3A_668 = arith.constant 1 : i32
        %get3A_669 = arith.index_cast %get3A_668 : i32 to index
        %get3A_670 = arith.index_cast %add3A_667 : i32 to index
        %get3A_671 = arith.constant 32 : index
        %get3A_672 = tpu.vector_load %arg6[%get3A_669, %get3A_670, %get3A_671] {strides = array<i32>} : memref<2x128x64xf32, #tpu.memory_space<vmem>>, vector<16xf32>,
        %scatter3A_673 = arith.constant 1 : i32
        %scatter3A_674 = arith.constant 0 : i32
        %scatter3A_675 = arith.constant 0 : i32
        %scatter3A_676 = arith.constant 0 : i32
        %scatter3A_677 = tpu.memref_slice %arg7[%scatter3A_673, %scatter3A_674, %scatter3A_675, %scatter3A_676] : memref<2x8x8x129xf32, #tpu.memory_space<vmem>> -> memref<1x8x8x129xf32, #tpu.memory_space<vmem>>
        %scatter3A_678 = tpu.memref_squeeze %scatter3A_677 : memref<1x8x8x129xf32, #tpu.memory_space<vmem>> -> memref<8x8x129xf32, #tpu.memory_space<vmem>>
        tpu.vector_store_idx %scatter3A_678[%select_n3A_96, %rem3A_148, %broadcast_in_dim3A_633], %get3A_672 : memref<8x8x129xf32, #tpu.memory_space<vmem>>[vector<16xi32>, vector<16xi32>, vector<16xi32>], vector<16xf32>,
        %mul3A_679 = arith.constant 8 : i32
        %mul3A_680 = arith.muli %mul3A_679, %scan3A_436 : i32
        %add3A_681 = arith.constant 3 : i32
        %add3A_682 = arith.addi %mul3A_680, %add3A_681 : i32
        %get3A_683 = arith.constant 1 : i32
        %get3A_684 = arith.index_cast %get3A_683 : i32 to index
        %get3A_685 = arith.index_cast %add3A_682 : i32 to index
        %get3A_686 = arith.constant 48 : index
        %get3A_687 = tpu.vector_load %arg6[%get3A_684, %get3A_685, %get3A_686] {strides = array<i32>} : memref<2x128x64xf32, #tpu.memory_space<vmem>>, vector<16xf32>,
        %scatter3A_688 = arith.constant 1 : i32
        %scatter3A_689 = arith.constant 0 : i32
        %scatter3A_690 = arith.constant 0 : i32
        %scatter3A_691 = arith.constant 0 : i32
        %scatter3A_692 = tpu.memref_slice %arg7[%scatter3A_688, %scatter3A_689, %scatter3A_690, %scatter3A_691] : memref<2x8x8x129xf32, #tpu.memory_space<vmem>> -> memref<1x8x8x129xf32, #tpu.memory_space<vmem>>
        %scatter3A_693 = tpu.memref_squeeze %scatter3A_692 : memref<1x8x8x129xf32, #tpu.memory_space<vmem>> -> memref<8x8x129xf32, #tpu.memory_space<vmem>>
        tpu.vector_store_idx %scatter3A_693[%select_n3A_130, %rem3A_154, %broadcast_in_dim3A_633], %get3A_687 : memref<8x8x129xf32, #tpu.memory_space<vmem>>[vector<16xi32>, vector<16xi32>, vector<16xi32>], vector<16xf32>,
        %mul3A_694 = arith.constant 8 : i32
        %mul3A_695 = arith.muli %mul3A_694, %scan3A_436 : i32
        %add3A_696 = arith.constant 4 : i32
        %add3A_697 = arith.addi %mul3A_695, %add3A_696 : i32
        %broadcast_in_dim3A_698 = vector.broadcast %add3A_697 : i32 to vector<16xi32>
        %mul3A_699 = arith.constant 8 : i32
        %mul3A_700 = arith.muli %mul3A_699, %scan3A_436 : i32
        %add3A_701 = arith.constant 4 : i32
        %add3A_702 = arith.addi %mul3A_700, %add3A_701 : i32
        %get3A_703 = arith.constant 1 : i32
        %get3A_704 = arith.index_cast %get3A_703 : i32 to index
        %get3A_705 = arith.index_cast %add3A_702 : i32 to index
        %get3A_706 = arith.constant 0 : index
        %get3A_707 = tpu.vector_load %arg6[%get3A_704, %get3A_705, %get3A_706] {strides = array<i32>} : memref<2x128x64xf32, #tpu.memory_space<vmem>>, vector<16xf32>,
        %scatter3A_708 = arith.constant 1 : i32
        %scatter3A_709 = arith.constant 0 : i32
        %scatter3A_710 = arith.constant 0 : i32
        %scatter3A_711 = arith.constant 0 : i32
        %scatter3A_712 = tpu.memref_slice %arg7[%scatter3A_708, %scatter3A_709, %scatter3A_710, %scatter3A_711] : memref<2x8x8x129xf32, #tpu.memory_space<vmem>> -> memref<1x8x8x129xf32, #tpu.memory_space<vmem>>
        %scatter3A_713 = tpu.memref_squeeze %scatter3A_712 : memref<1x8x8x129xf32, #tpu.memory_space<vmem>> -> memref<8x8x129xf32, #tpu.memory_space<vmem>>
        tpu.vector_store_idx %scatter3A_713[%select_n3A, %rem3A_136, %broadcast_in_dim3A_698], %get3A_707 : memref<8x8x129xf32, #tpu.memory_space<vmem>>[vector<16xi32>, vector<16xi32>, vector<16xi32>], vector<16xf32>,
        %mul3A_714 = arith.constant 8 : i32
        %mul3A_715 = arith.muli %mul3A_714, %scan3A_436 : i32
        %add3A_716 = arith.constant 4 : i32
        %add3A_717 = arith.addi %mul3A_715, %add3A_716 : i32
        %get3A_718 = arith.constant 1 : i32
        %get3A_719 = arith.index_cast %get3A_718 : i32 to index
        %get3A_720 = arith.index_cast %add3A_717 : i32 to index
        %get3A_721 = arith.constant 16 : index
        %get3A_722 = tpu.vector_load %arg6[%get3A_719, %get3A_720, %get3A_721] {strides = array<i32>} : memref<2x128x64xf32, #tpu.memory_space<vmem>>, vector<16xf32>,
        %scatter3A_723 = arith.constant 1 : i32
        %scatter3A_724 = arith.constant 0 : i32
        %scatter3A_725 = arith.constant 0 : i32
        %scatter3A_726 = arith.constant 0 : i32
        %scatter3A_727 = tpu.memref_slice %arg7[%scatter3A_723, %scatter3A_724, %scatter3A_725, %scatter3A_726] : memref<2x8x8x129xf32, #tpu.memory_space<vmem>> -> memref<1x8x8x129xf32, #tpu.memory_space<vmem>>
        %scatter3A_728 = tpu.memref_squeeze %scatter3A_727 : memref<1x8x8x129xf32, #tpu.memory_space<vmem>> -> memref<8x8x129xf32, #tpu.memory_space<vmem>>
        tpu.vector_store_idx %scatter3A_728[%select_n3A_62, %rem3A_142, %broadcast_in_dim3A_698], %get3A_722 : memref<8x8x129xf32, #tpu.memory_space<vmem>>[vector<16xi32>, vector<16xi32>, vector<16xi32>], vector<16xf32>,
        %mul3A_729 = arith.constant 8 : i32
        %mul3A_730 = arith.muli %mul3A_729, %scan3A_436 : i32
        %add3A_731 = arith.constant 4 : i32
        %add3A_732 = arith.addi %mul3A_730, %add3A_731 : i32
        %get3A_733 = arith.constant 1 : i32
        %get3A_734 = arith.index_cast %get3A_733 : i32 to index
        %get3A_735 = arith.index_cast %add3A_732 : i32 to index
        %get3A_736 = arith.constant 32 : index
        %get3A_737 = tpu.vector_load %arg6[%get3A_734, %get3A_735, %get3A_736] {strides = array<i32>} : memref<2x128x64xf32, #tpu.memory_space<vmem>>, vector<16xf32>,
        %scatter3A_738 = arith.constant 1 : i32
        %scatter3A_739 = arith.constant 0 : i32
        %scatter3A_740 = arith.constant 0 : i32
        %scatter3A_741 = arith.constant 0 : i32
        %scatter3A_742 = tpu.memref_slice %arg7[%scatter3A_738, %scatter3A_739, %scatter3A_740, %scatter3A_741] : memref<2x8x8x129xf32, #tpu.memory_space<vmem>> -> memref<1x8x8x129xf32, #tpu.memory_space<vmem>>
        %scatter3A_743 = tpu.memref_squeeze %scatter3A_742 : memref<1x8x8x129xf32, #tpu.memory_space<vmem>> -> memref<8x8x129xf32, #tpu.memory_space<vmem>>
        tpu.vector_store_idx %scatter3A_743[%select_n3A_96, %rem3A_148, %broadcast_in_dim3A_698], %get3A_737 : memref<8x8x129xf32, #tpu.memory_space<vmem>>[vector<16xi32>, vector<16xi32>, vector<16xi32>], vector<16xf32>,
        %mul3A_744 = arith.constant 8 : i32
        %mul3A_745 = arith.muli %mul3A_744, %scan3A_436 : i32
        %add3A_746 = arith.constant 4 : i32
        %add3A_747 = arith.addi %mul3A_745, %add3A_746 : i32
        %get3A_748 = arith.constant 1 : i32
        %get3A_749 = arith.index_cast %get3A_748 : i32 to index
        %get3A_750 = arith.index_cast %add3A_747 : i32 to index
        %get3A_751 = arith.constant 48 : index
        %get3A_752 = tpu.vector_load %arg6[%get3A_749, %get3A_750, %get3A_751] {strides = array<i32>} : memref<2x128x64xf32, #tpu.memory_space<vmem>>, vector<16xf32>,
        %scatter3A_753 = arith.constant 1 : i32
        %scatter3A_754 = arith.constant 0 : i32
        %scatter3A_755 = arith.constant 0 : i32
        %scatter3A_756 = arith.constant 0 : i32
        %scatter3A_757 = tpu.memref_slice %arg7[%scatter3A_753, %scatter3A_754, %scatter3A_755, %scatter3A_756] : memref<2x8x8x129xf32, #tpu.memory_space<vmem>> -> memref<1x8x8x129xf32, #tpu.memory_space<vmem>>
        %scatter3A_758 = tpu.memref_squeeze %scatter3A_757 : memref<1x8x8x129xf32, #tpu.memory_space<vmem>> -> memref<8x8x129xf32, #tpu.memory_space<vmem>>
        tpu.vector_store_idx %scatter3A_758[%select_n3A_130, %rem3A_154, %broadcast_in_dim3A_698], %get3A_752 : memref<8x8x129xf32, #tpu.memory_space<vmem>>[vector<16xi32>, vector<16xi32>, vector<16xi32>], vector<16xf32>,
        %mul3A_759 = arith.constant 8 : i32
        %mul3A_760 = arith.muli %mul3A_759, %scan3A_436 : i32
        %add3A_761 = arith.constant 5 : i32
        %add3A_762 = arith.addi %mul3A_760, %add3A_761 : i32
        %broadcast_in_dim3A_763 = vector.broadcast %add3A_762 : i32 to vector<16xi32>
        %mul3A_764 = arith.constant 8 : i32
        %mul3A_765 = arith.muli %mul3A_764, %scan3A_436 : i32
        %add3A_766 = arith.constant 5 : i32
        %add3A_767 = arith.addi %mul3A_765, %add3A_766 : i32
        %get3A_768 = arith.constant 1 : i32
        %get3A_769 = arith.index_cast %get3A_768 : i32 to index
        %get3A_770 = arith.index_cast %add3A_767 : i32 to index
        %get3A_771 = arith.constant 0 : index
        %get3A_772 = tpu.vector_load %arg6[%get3A_769, %get3A_770, %get3A_771] {strides = array<i32>} : memref<2x128x64xf32, #tpu.memory_space<vmem>>, vector<16xf32>,
        %scatter3A_773 = arith.constant 1 : i32
        %scatter3A_774 = arith.constant 0 : i32
        %scatter3A_775 = arith.constant 0 : i32
        %scatter3A_776 = arith.constant 0 : i32
        %scatter3A_777 = tpu.memref_slice %arg7[%scatter3A_773, %scatter3A_774, %scatter3A_775, %scatter3A_776] : memref<2x8x8x129xf32, #tpu.memory_space<vmem>> -> memref<1x8x8x129xf32, #tpu.memory_space<vmem>>
        %scatter3A_778 = tpu.memref_squeeze %scatter3A_777 : memref<1x8x8x129xf32, #tpu.memory_space<vmem>> -> memref<8x8x129xf32, #tpu.memory_space<vmem>>
        tpu.vector_store_idx %scatter3A_778[%select_n3A, %rem3A_136, %broadcast_in_dim3A_763], %get3A_772 : memref<8x8x129xf32, #tpu.memory_space<vmem>>[vector<16xi32>, vector<16xi32>, vector<16xi32>], vector<16xf32>,
        %mul3A_779 = arith.constant 8 : i32
        %mul3A_780 = arith.muli %mul3A_779, %scan3A_436 : i32
        %add3A_781 = arith.constant 5 : i32
        %add3A_782 = arith.addi %mul3A_780, %add3A_781 : i32
        %get3A_783 = arith.constant 1 : i32
        %get3A_784 = arith.index_cast %get3A_783 : i32 to index
        %get3A_785 = arith.index_cast %add3A_782 : i32 to index
        %get3A_786 = arith.constant 16 : index
        %get3A_787 = tpu.vector_load %arg6[%get3A_784, %get3A_785, %get3A_786] {strides = array<i32>} : memref<2x128x64xf32, #tpu.memory_space<vmem>>, vector<16xf32>,
        %scatter3A_788 = arith.constant 1 : i32
        %scatter3A_789 = arith.constant 0 : i32
        %scatter3A_790 = arith.constant 0 : i32
        %scatter3A_791 = arith.constant 0 : i32
        %scatter3A_792 = tpu.memref_slice %arg7[%scatter3A_788, %scatter3A_789, %scatter3A_790, %scatter3A_791] : memref<2x8x8x129xf32, #tpu.memory_space<vmem>> -> memref<1x8x8x129xf32, #tpu.memory_space<vmem>>
        %scatter3A_793 = tpu.memref_squeeze %scatter3A_792 : memref<1x8x8x129xf32, #tpu.memory_space<vmem>> -> memref<8x8x129xf32, #tpu.memory_space<vmem>>
        tpu.vector_store_idx %scatter3A_793[%select_n3A_62, %rem3A_142, %broadcast_in_dim3A_763], %get3A_787 : memref<8x8x129xf32, #tpu.memory_space<vmem>>[vector<16xi32>, vector<16xi32>, vector<16xi32>], vector<16xf32>,
        %mul3A_794 = arith.constant 8 : i32
        %mul3A_795 = arith.muli %mul3A_794, %scan3A_436 : i32
        %add3A_796 = arith.constant 5 : i32
        %add3A_797 = arith.addi %mul3A_795, %add3A_796 : i32
        %get3A_798 = arith.constant 1 : i32
        %get3A_799 = arith.index_cast %get3A_798 : i32 to index
        %get3A_800 = arith.index_cast %add3A_797 : i32 to index
        %get3A_801 = arith.constant 32 : index
        %get3A_802 = tpu.vector_load %arg6[%get3A_799, %get3A_800, %get3A_801] {strides = array<i32>} : memref<2x128x64xf32, #tpu.memory_space<vmem>>, vector<16xf32>,
        %scatter3A_803 = arith.constant 1 : i32
        %scatter3A_804 = arith.constant 0 : i32
        %scatter3A_805 = arith.constant 0 : i32
        %scatter3A_806 = arith.constant 0 : i32
        %scatter3A_807 = tpu.memref_slice %arg7[%scatter3A_803, %scatter3A_804, %scatter3A_805, %scatter3A_806] : memref<2x8x8x129xf32, #tpu.memory_space<vmem>> -> memref<1x8x8x129xf32, #tpu.memory_space<vmem>>
        %scatter3A_808 = tpu.memref_squeeze %scatter3A_807 : memref<1x8x8x129xf32, #tpu.memory_space<vmem>> -> memref<8x8x129xf32, #tpu.memory_space<vmem>>
        tpu.vector_store_idx %scatter3A_808[%select_n3A_96, %rem3A_148, %broadcast_in_dim3A_763], %get3A_802 : memref<8x8x129xf32, #tpu.memory_space<vmem>>[vector<16xi32>, vector<16xi32>, vector<16xi32>], vector<16xf32>,
        %mul3A_809 = arith.constant 8 : i32
        %mul3A_810 = arith.muli %mul3A_809, %scan3A_436 : i32
        %add3A_811 = arith.constant 5 : i32
        %add3A_812 = arith.addi %mul3A_810, %add3A_811 : i32
        %get3A_813 = arith.constant 1 : i32
        %get3A_814 = arith.index_cast %get3A_813 : i32 to index
        %get3A_815 = arith.index_cast %add3A_812 : i32 to index
        %get3A_816 = arith.constant 48 : index
        %get3A_817 = tpu.vector_load %arg6[%get3A_814, %get3A_815, %get3A_816] {strides = array<i32>} : memref<2x128x64xf32, #tpu.memory_space<vmem>>, vector<16xf32>,
        %scatter3A_818 = arith.constant 1 : i32
        %scatter3A_819 = arith.constant 0 : i32
        %scatter3A_820 = arith.constant 0 : i32
        %scatter3A_821 = arith.constant 0 : i32
        %scatter3A_822 = tpu.memref_slice %arg7[%scatter3A_818, %scatter3A_819, %scatter3A_820, %scatter3A_821] : memref<2x8x8x129xf32, #tpu.memory_space<vmem>> -> memref<1x8x8x129xf32, #tpu.memory_space<vmem>>
        %scatter3A_823 = tpu.memref_squeeze %scatter3A_822 : memref<1x8x8x129xf32, #tpu.memory_space<vmem>> -> memref<8x8x129xf32, #tpu.memory_space<vmem>>
        tpu.vector_store_idx %scatter3A_823[%select_n3A_130, %rem3A_154, %broadcast_in_dim3A_763], %get3A_817 : memref<8x8x129xf32, #tpu.memory_space<vmem>>[vector<16xi32>, vector<16xi32>, vector<16xi32>], vector<16xf32>,
        %mul3A_824 = arith.constant 8 : i32
        %mul3A_825 = arith.muli %mul3A_824, %scan3A_436 : i32
        %add3A_826 = arith.constant 6 : i32
        %add3A_827 = arith.addi %mul3A_825, %add3A_826 : i32
        %broadcast_in_dim3A_828 = vector.broadcast %add3A_827 : i32 to vector<16xi32>
        %mul3A_829 = arith.constant 8 : i32
        %mul3A_830 = arith.muli %mul3A_829, %scan3A_436 : i32
        %add3A_831 = arith.constant 6 : i32
        %add3A_832 = arith.addi %mul3A_830, %add3A_831 : i32
        %get3A_833 = arith.constant 1 : i32
        %get3A_834 = arith.index_cast %get3A_833 : i32 to index
        %get3A_835 = arith.index_cast %add3A_832 : i32 to index
        %get3A_836 = arith.constant 0 : index
        %get3A_837 = tpu.vector_load %arg6[%get3A_834, %get3A_835, %get3A_836] {strides = array<i32>} : memref<2x128x64xf32, #tpu.memory_space<vmem>>, vector<16xf32>,
        %scatter3A_838 = arith.constant 1 : i32
        %scatter3A_839 = arith.constant 0 : i32
        %scatter3A_840 = arith.constant 0 : i32
        %scatter3A_841 = arith.constant 0 : i32
        %scatter3A_842 = tpu.memref_slice %arg7[%scatter3A_838, %scatter3A_839, %scatter3A_840, %scatter3A_841] : memref<2x8x8x129xf32, #tpu.memory_space<vmem>> -> memref<1x8x8x129xf32, #tpu.memory_space<vmem>>
        %scatter3A_843 = tpu.memref_squeeze %scatter3A_842 : memref<1x8x8x129xf32, #tpu.memory_space<vmem>> -> memref<8x8x129xf32, #tpu.memory_space<vmem>>
        tpu.vector_store_idx %scatter3A_843[%select_n3A, %rem3A_136, %broadcast_in_dim3A_828], %get3A_837 : memref<8x8x129xf32, #tpu.memory_space<vmem>>[vector<16xi32>, vector<16xi32>, vector<16xi32>], vector<16xf32>,
        %mul3A_844 = arith.constant 8 : i32
        %mul3A_845 = arith.muli %mul3A_844, %scan3A_436 : i32
        %add3A_846 = arith.constant 6 : i32
        %add3A_847 = arith.addi %mul3A_845, %add3A_846 : i32
        %get3A_848 = arith.constant 1 : i32
        %get3A_849 = arith.index_cast %get3A_848 : i32 to index
        %get3A_850 = arith.index_cast %add3A_847 : i32 to index
        %get3A_851 = arith.constant 16 : index
        %get3A_852 = tpu.vector_load %arg6[%get3A_849, %get3A_850, %get3A_851] {strides = array<i32>} : memref<2x128x64xf32, #tpu.memory_space<vmem>>, vector<16xf32>,
        %scatter3A_853 = arith.constant 1 : i32
        %scatter3A_854 = arith.constant 0 : i32
        %scatter3A_855 = arith.constant 0 : i32
        %scatter3A_856 = arith.constant 0 : i32
        %scatter3A_857 = tpu.memref_slice %arg7[%scatter3A_853, %scatter3A_854, %scatter3A_855, %scatter3A_856] : memref<2x8x8x129xf32, #tpu.memory_space<vmem>> -> memref<1x8x8x129xf32, #tpu.memory_space<vmem>>
        %scatter3A_858 = tpu.memref_squeeze %scatter3A_857 : memref<1x8x8x129xf32, #tpu.memory_space<vmem>> -> memref<8x8x129xf32, #tpu.memory_space<vmem>>
        tpu.vector_store_idx %scatter3A_858[%select_n3A_62, %rem3A_142, %broadcast_in_dim3A_828], %get3A_852 : memref<8x8x129xf32, #tpu.memory_space<vmem>>[vector<16xi32>, vector<16xi32>, vector<16xi32>], vector<16xf32>,
        %mul3A_859 = arith.constant 8 : i32
        %mul3A_860 = arith.muli %mul3A_859, %scan3A_436 : i32
        %add3A_861 = arith.constant 6 : i32
        %add3A_862 = arith.addi %mul3A_860, %add3A_861 : i32
        %get3A_863 = arith.constant 1 : i32
        %get3A_864 = arith.index_cast %get3A_863 : i32 to index
        %get3A_865 = arith.index_cast %add3A_862 : i32 to index
        %get3A_866 = arith.constant 32 : index
        %get3A_867 = tpu.vector_load %arg6[%get3A_864, %get3A_865, %get3A_866] {strides = array<i32>} : memref<2x128x64xf32, #tpu.memory_space<vmem>>, vector<16xf32>,
        %scatter3A_868 = arith.constant 1 : i32
        %scatter3A_869 = arith.constant 0 : i32
        %scatter3A_870 = arith.constant 0 : i32
        %scatter3A_871 = arith.constant 0 : i32
        %scatter3A_872 = tpu.memref_slice %arg7[%scatter3A_868, %scatter3A_869, %scatter3A_870, %scatter3A_871] : memref<2x8x8x129xf32, #tpu.memory_space<vmem>> -> memref<1x8x8x129xf32, #tpu.memory_space<vmem>>
        %scatter3A_873 = tpu.memref_squeeze %scatter3A_872 : memref<1x8x8x129xf32, #tpu.memory_space<vmem>> -> memref<8x8x129xf32, #tpu.memory_space<vmem>>
        tpu.vector_store_idx %scatter3A_873[%select_n3A_96, %rem3A_148, %broadcast_in_dim3A_828], %get3A_867 : memref<8x8x129xf32, #tpu.memory_space<vmem>>[vector<16xi32>, vector<16xi32>, vector<16xi32>], vector<16xf32>,
        %mul3A_874 = arith.constant 8 : i32
        %mul3A_875 = arith.muli %mul3A_874, %scan3A_436 : i32
        %add3A_876 = arith.constant 6 : i32
        %add3A_877 = arith.addi %mul3A_875, %add3A_876 : i32
        %get3A_878 = arith.constant 1 : i32
        %get3A_879 = arith.index_cast %get3A_878 : i32 to index
        %get3A_880 = arith.index_cast %add3A_877 : i32 to index
        %get3A_881 = arith.constant 48 : index
        %get3A_882 = tpu.vector_load %arg6[%get3A_879, %get3A_880, %get3A_881] {strides = array<i32>} : memref<2x128x64xf32, #tpu.memory_space<vmem>>, vector<16xf32>,
        %scatter3A_883 = arith.constant 1 : i32
        %scatter3A_884 = arith.constant 0 : i32
        %scatter3A_885 = arith.constant 0 : i32
        %scatter3A_886 = arith.constant 0 : i32
        %scatter3A_887 = tpu.memref_slice %arg7[%scatter3A_883, %scatter3A_884, %scatter3A_885, %scatter3A_886] : memref<2x8x8x129xf32, #tpu.memory_space<vmem>> -> memref<1x8x8x129xf32, #tpu.memory_space<vmem>>
        %scatter3A_888 = tpu.memref_squeeze %scatter3A_887 : memref<1x8x8x129xf32, #tpu.memory_space<vmem>> -> memref<8x8x129xf32, #tpu.memory_space<vmem>>
        tpu.vector_store_idx %scatter3A_888[%select_n3A_130, %rem3A_154, %broadcast_in_dim3A_828], %get3A_882 : memref<8x8x129xf32, #tpu.memory_space<vmem>>[vector<16xi32>, vector<16xi32>, vector<16xi32>], vector<16xf32>,
        %mul3A_889 = arith.constant 8 : i32
        %mul3A_890 = arith.muli %mul3A_889, %scan3A_436 : i32
        %add3A_891 = arith.constant 7 : i32
        %add3A_892 = arith.addi %mul3A_890, %add3A_891 : i32
        %broadcast_in_dim3A_893 = vector.broadcast %add3A_892 : i32 to vector<16xi32>
        %mul3A_894 = arith.constant 8 : i32
        %mul3A_895 = arith.muli %mul3A_894, %scan3A_436 : i32
        %add3A_896 = arith.constant 7 : i32
        %add3A_897 = arith.addi %mul3A_895, %add3A_896 : i32
        %get3A_898 = arith.constant 1 : i32
        %get3A_899 = arith.index_cast %get3A_898 : i32 to index
        %get3A_900 = arith.index_cast %add3A_897 : i32 to index
        %get3A_901 = arith.constant 0 : index
        %get3A_902 = tpu.vector_load %arg6[%get3A_899, %get3A_900, %get3A_901] {strides = array<i32>} : memref<2x128x64xf32, #tpu.memory_space<vmem>>, vector<16xf32>,
        %scatter3A_903 = arith.constant 1 : i32
        %scatter3A_904 = arith.constant 0 : i32
        %scatter3A_905 = arith.constant 0 : i32
        %scatter3A_906 = arith.constant 0 : i32
        %scatter3A_907 = tpu.memref_slice %arg7[%scatter3A_903, %scatter3A_904, %scatter3A_905, %scatter3A_906] : memref<2x8x8x129xf32, #tpu.memory_space<vmem>> -> memref<1x8x8x129xf32, #tpu.memory_space<vmem>>
        %scatter3A_908 = tpu.memref_squeeze %scatter3A_907 : memref<1x8x8x129xf32, #tpu.memory_space<vmem>> -> memref<8x8x129xf32, #tpu.memory_space<vmem>>
        tpu.vector_store_idx %scatter3A_908[%select_n3A, %rem3A_136, %broadcast_in_dim3A_893], %get3A_902 : memref<8x8x129xf32, #tpu.memory_space<vmem>>[vector<16xi32>, vector<16xi32>, vector<16xi32>], vector<16xf32>,
        %mul3A_909 = arith.constant 8 : i32
        %mul3A_910 = arith.muli %mul3A_909, %scan3A_436 : i32
        %add3A_911 = arith.constant 7 : i32
        %add3A_912 = arith.addi %mul3A_910, %add3A_911 : i32
        %get3A_913 = arith.constant 1 : i32
        %get3A_914 = arith.index_cast %get3A_913 : i32 to index
        %get3A_915 = arith.index_cast %add3A_912 : i32 to index
        %get3A_916 = arith.constant 16 : index
        %get3A_917 = tpu.vector_load %arg6[%get3A_914, %get3A_915, %get3A_916] {strides = array<i32>} : memref<2x128x64xf32, #tpu.memory_space<vmem>>, vector<16xf32>,
        %scatter3A_918 = arith.constant 1 : i32
        %scatter3A_919 = arith.constant 0 : i32
        %scatter3A_920 = arith.constant 0 : i32
        %scatter3A_921 = arith.constant 0 : i32
        %scatter3A_922 = tpu.memref_slice %arg7[%scatter3A_918, %scatter3A_919, %scatter3A_920, %scatter3A_921] : memref<2x8x8x129xf32, #tpu.memory_space<vmem>> -> memref<1x8x8x129xf32, #tpu.memory_space<vmem>>
        %scatter3A_923 = tpu.memref_squeeze %scatter3A_922 : memref<1x8x8x129xf32, #tpu.memory_space<vmem>> -> memref<8x8x129xf32, #tpu.memory_space<vmem>>
        tpu.vector_store_idx %scatter3A_923[%select_n3A_62, %rem3A_142, %broadcast_in_dim3A_893], %get3A_917 : memref<8x8x129xf32, #tpu.memory_space<vmem>>[vector<16xi32>, vector<16xi32>, vector<16xi32>], vector<16xf32>,
        %mul3A_924 = arith.constant 8 : i32
        %mul3A_925 = arith.muli %mul3A_924, %scan3A_436 : i32
        %add3A_926 = arith.constant 7 : i32
        %add3A_927 = arith.addi %mul3A_925, %add3A_926 : i32
        %get3A_928 = arith.constant 1 : i32
        %get3A_929 = arith.index_cast %get3A_928 : i32 to index
        %get3A_930 = arith.index_cast %add3A_927 : i32 to index
        %get3A_931 = arith.constant 32 : index
        %get3A_932 = tpu.vector_load %arg6[%get3A_929, %get3A_930, %get3A_931] {strides = array<i32>} : memref<2x128x64xf32, #tpu.memory_space<vmem>>, vector<16xf32>,
        %scatter3A_933 = arith.constant 1 : i32
        %scatter3A_934 = arith.constant 0 : i32
        %scatter3A_935 = arith.constant 0 : i32
        %scatter3A_936 = arith.constant 0 : i32
        %scatter3A_937 = tpu.memref_slice %arg7[%scatter3A_933, %scatter3A_934, %scatter3A_935, %scatter3A_936] : memref<2x8x8x129xf32, #tpu.memory_space<vmem>> -> memref<1x8x8x129xf32, #tpu.memory_space<vmem>>
        %scatter3A_938 = tpu.memref_squeeze %scatter3A_937 : memref<1x8x8x129xf32, #tpu.memory_space<vmem>> -> memref<8x8x129xf32, #tpu.memory_space<vmem>>
        tpu.vector_store_idx %scatter3A_938[%select_n3A_96, %rem3A_148, %broadcast_in_dim3A_893], %get3A_932 : memref<8x8x129xf32, #tpu.memory_space<vmem>>[vector<16xi32>, vector<16xi32>, vector<16xi32>], vector<16xf32>,
        %mul3A_939 = arith.constant 8 : i32
        %mul3A_940 = arith.muli %mul3A_939, %scan3A_436 : i32
        %add3A_941 = arith.constant 7 : i32
        %add3A_942 = arith.addi %mul3A_940, %add3A_941 : i32
        %get3A_943 = arith.constant 1 : i32
        %get3A_944 = arith.index_cast %get3A_943 : i32 to index
        %get3A_945 = arith.index_cast %add3A_942 : i32 to index
        %get3A_946 = arith.constant 48 : index
        %get3A_947 = tpu.vector_load %arg6[%get3A_944, %get3A_945, %get3A_946] {strides = array<i32>} : memref<2x128x64xf32, #tpu.memory_space<vmem>>, vector<16xf32>,
        %scatter3A_948 = arith.constant 1 : i32
        %scatter3A_949 = arith.constant 0 : i32
        %scatter3A_950 = arith.constant 0 : i32
        %scatter3A_951 = arith.constant 0 : i32
        %scatter3A_952 = tpu.memref_slice %arg7[%scatter3A_948, %scatter3A_949, %scatter3A_950, %scatter3A_951] : memref<2x8x8x129xf32, #tpu.memory_space<vmem>> -> memref<1x8x8x129xf32, #tpu.memory_space<vmem>>
        %scatter3A_953 = tpu.memref_squeeze %scatter3A_952 : memref<1x8x8x129xf32, #tpu.memory_space<vmem>> -> memref<8x8x129xf32, #tpu.memory_space<vmem>>
        tpu.vector_store_idx %scatter3A_953[%select_n3A_130, %rem3A_154, %broadcast_in_dim3A_893], %get3A_947 : memref<8x8x129xf32, #tpu.memory_space<vmem>>[vector<16xi32>, vector<16xi32>, vector<16xi32>], vector<16xf32>,
      }
      %scan3A_396 = arith.constant 16 : i32
      %div3A_397 = arith.constant 128 : i32
      %div3A_398 = arith.divsi %add3A_359, %div3A_397 : i32
      %rem3A_399 = arith.constant 128 : i32
      %rem3A_400 = arith.remsi %add3A_359, %rem3A_399 : i32
      %dma_start3A_401 = arith.constant 1 : i32
      %dma_start3A_402 = arith.constant 1 : i32
      %dma_start3A_403 = arith.constant 0 : i32
      %dma_start3A_404 = arith.constant 0 : i32
      %dma_start3A_405 = arith.constant 0 : i32
      %dma_start3A_406 = tpu.memref_slice %arg7[%dma_start3A_401, %dma_start3A_403, %dma_start3A_404, %dma_start3A_405] : memref<2x8x8x129xf32, #tpu.memory_space<vmem>> -> memref<1x8x8x128xf32, #tpu.memory_space<vmem>>
      %dma_start3A_407 = tpu.memref_squeeze %dma_start3A_406 : memref<1x8x8x128xf32, #tpu.memory_space<vmem>> -> memref<8x8x128xf32, #tpu.memory_space<vmem>>
      %dma_start3A_408 = arith.constant 0 : i32
      %dma_start3A_409 = arith.constant 0 : i32
      %dma_start3A_410 = arith.constant 0 : i32
      %dma_start3A_411 = tpu.memref_slice %arg4[%div3A_398, %dma_start3A_408, %rem3A_400, %dma_start3A_409, %dma_start3A_410] : memref<200x8x128x8x128xf32, #tpu.memory_space<hbm>> -> memref<1x8x1x8x128xf32, #tpu.memory_space<hbm>>
      %dma_start3A_412 = tpu.memref_squeeze %dma_start3A_411 : memref<1x8x1x8x128xf32, #tpu.memory_space<hbm>> -> memref<8x8x128xf32, #tpu.memory_space<hbm>>
      %dma_start3A_413 = tpu.memref_slice %arg10[%dma_start3A_402] : memref<2x!tpu.dma_semaphore, #tpu.memory_space<semaphore_mem>> -> memref<1x!tpu.dma_semaphore, #tpu.memory_space<semaphore_mem>>
      %dma_start3A_414 = tpu.memref_squeeze %dma_start3A_413 : memref<1x!tpu.dma_semaphore, #tpu.memory_space<semaphore_mem>> -> memref<!tpu.dma_semaphore, #tpu.memory_space<semaphore_mem>>
      %dma_start3A_415 = arith.constant 0 : i32
      %dma_start3A_416 = arith.constant 0 : i32
      %dma_start3A_417 = arith.constant 0 : i32
      %dma_start3A_418 = tpu.memref_slice %arg4[%div3A_398, %dma_start3A_415, %rem3A_400, %dma_start3A_416, %dma_start3A_417] : memref<200x8x128x8x128xf32, #tpu.memory_space<hbm>> -> memref<1x8x1x8x128xf32, #tpu.memory_space<hbm>>
      %dma_start3A_419 = tpu.memref_squeeze %dma_start3A_418 : memref<1x8x1x8x128xf32, #tpu.memory_space<hbm>> -> memref<8x8x128xf32, #tpu.memory_space<hbm>>
      %dma_start3A_420 = arith.constant 0 : i32
      %dma_start3A_421 = arith.constant 0 : i32
      %dma_start3A_422 = arith.constant 0 : i32
      %dma_start3A_423 = tpu.memref_slice %arg7[%dma_start3A_401, %dma_start3A_420, %dma_start3A_421, %dma_start3A_422] : memref<2x8x8x129xf32, #tpu.memory_space<vmem>> -> memref<1x8x8x128xf32, #tpu.memory_space<vmem>>
      %dma_start3A_424 = tpu.memref_squeeze %dma_start3A_423 : memref<1x8x8x128xf32, #tpu.memory_space<vmem>> -> memref<8x8x128xf32, #tpu.memory_space<vmem>>
      tpu.enqueue_dma source(%dma_start3A_424 : memref<8x8x128xf32, #tpu.memory_space<vmem>>) target(%dma_start3A_419 : memref<8x8x128xf32, #tpu.memory_space<hbm>>) target_semaphore(%dma_start3A_414 : memref<!tpu.dma_semaphore, #tpu.memory_space<semaphore_mem>>)
      %mul3A_425 = arith.constant 2 : i32
      %mul3A_426 = arith.muli %scan3A_277, %mul3A_425 : i32
      %add3A_427 = arith.constant 1 : i32
      %add3A_428 = arith.addi %mul3A_426, %add3A_427 : i32
      %add3A_429 = arith.constant 2 : i32
      %add3A_430 = arith.addi %add3A_428, %add3A_429 : i32
      %lt3A_431 = arith.constant 800 : i32
      %lt3A_432 = arith.cmpi slt, %add3A_430, %lt3A_431 : i32
      %convert_element_type3A_433 = arith.extui %lt3A_432 : i1 to i32
      %cond3A_434 = arith.constant 0 : i32
      %cond3A_435 = arith.cmpi ne, %convert_element_type3A_433, %cond3A_434 : i32
      scf.if %cond3A_435 {
        %add3A_436 = arith.constant 2 : i32
        %add3A_437 = arith.addi %add3A_359, %add3A_436 : i32
        %div3A_438 = arith.constant 128 : i32
        %div3A_439 = arith.divsi %add3A_437, %div3A_438 : i32
        %rem3A_440 = arith.constant 128 : i32
        %rem3A_441 = arith.remsi %add3A_437, %rem3A_440 : i32
        %div3A_442 = arith.constant 8 : i32
        %div3A_443 = arith.divsi %div3A_439, %div3A_442 : i32
        %rem3A_444 = arith.constant 8 : i32
        %rem3A_445 = arith.remsi %div3A_439, %rem3A_444 : i32
        %dma_wait3A_446 = arith.constant 1 : i32
        %dma_wait3A_447 = arith.constant 1 : i32
        %dma_wait3A_448 = arith.constant 0 : i32
        %dma_wait3A_449 = tpu.memref_slice %arg5[%dma_wait3A_446, %dma_wait3A_448] : memref<2x128xi32, #tpu.memory_space<vmem>> -> memref<1x128xi32, #tpu.memory_space<vmem>>
        %dma_wait3A_450 = tpu.memref_squeeze %dma_wait3A_449 : memref<1x128xi32, #tpu.memory_space<vmem>> -> memref<128xi32, #tpu.memory_space<vmem>>
        %dma_wait3A_451 = arith.constant 0 : i32
        %dma_wait3A_452 = tpu.memref_slice %arg2[%div3A_443, %rem3A_441, %rem3A_445, %dma_wait3A_451] : memref<25x128x8x128xi32, #tpu.memory_space<hbm>> -> memref<1x1x1x128xi32, #tpu.memory_space<hbm>>
        %dma_wait3A_453 = tpu.memref_squeeze %dma_wait3A_452 : memref<1x1x1x128xi32, #tpu.memory_space<hbm>> -> memref<128xi32, #tpu.memory_space<hbm>>
        %dma_wait3A_454 = tpu.memref_slice %arg8[%dma_wait3A_447] : memref<2x!tpu.dma_semaphore, #tpu.memory_space<semaphore_mem>> -> memref<1x!tpu.dma_semaphore, #tpu.memory_space<semaphore_mem>>
        %dma_wait3A_455 = tpu.memref_squeeze %dma_wait3A_454 : memref<1x!tpu.dma_semaphore, #tpu.memory_space<semaphore_mem>> -> memref<!tpu.dma_semaphore, #tpu.memory_space<semaphore_mem>>
        %dma_wait3A_456 = arith.constant 0 : i32
        %dma_wait3A_457 = tpu.memref_slice %arg5[%dma_wait3A_446, %dma_wait3A_456] : memref<2x128xi32, #tpu.memory_space<vmem>> -> memref<1x128xi32, #tpu.memory_space<vmem>>
        %dma_wait3A_458 = tpu.memref_squeeze %dma_wait3A_457 : memref<1x128xi32, #tpu.memory_space<vmem>> -> memref<128xi32, #tpu.memory_space<vmem>>
        %dma_wait3A_459 = arith.constant 0 : i32
        %dma_wait3A_460 = tpu.memref_slice %arg2[%div3A_443, %rem3A_441, %rem3A_445, %dma_wait3A_459] : memref<25x128x8x128xi32, #tpu.memory_space<hbm>> -> memref<1x1x1x128xi32, #tpu.memory_space<hbm>>
        %dma_wait3A_461 = tpu.memref_squeeze %dma_wait3A_460 : memref<1x1x1x128xi32, #tpu.memory_space<hbm>> -> memref<128xi32, #tpu.memory_space<hbm>>
        tpu.wait_dma2 semaphore(%dma_wait3A_455 : memref<!tpu.dma_semaphore, #tpu.memory_space<semaphore_mem>>) src(%dma_wait3A_461 : memref<128xi32, #tpu.memory_space<hbm>>) dst(%dma_wait3A_458 : memref<128xi32, #tpu.memory_space<vmem>>)
        %dma_start3A_462 = arith.constant 1 : i32
        %dma_start3A_463 = arith.constant 1 : i32
        %dma_start3A_464 = arith.constant 1 : i32
        %dma_start3A_465 = arith.constant 0 : i32
        %dma_start3A_466 = arith.constant 0 : i32
        %dma_start3A_467 = tpu.memref_slice %arg6[%dma_start3A_463, %dma_start3A_465, %dma_start3A_466] : memref<2x128x64xf32, #tpu.memory_space<vmem>> -> memref<1x128x64xf32, #tpu.memory_space<vmem>>
        %dma_start3A_468 = tpu.memref_squeeze %dma_start3A_467 : memref<1x128x64xf32, #tpu.memory_space<vmem>> -> memref<128x64xf32, #tpu.memory_space<vmem>>
        %dma_start3A_469 = arith.constant 0 : i32
        %dma_start3A_470 = tpu.memref_slice %arg5[%dma_start3A_462, %dma_start3A_469] : memref<2x128xi32, #tpu.memory_space<vmem>> -> memref<1x128xi32, #tpu.memory_space<vmem>>
        %dma_start3A_471 = tpu.memref_squeeze %dma_start3A_470 : memref<1x128xi32, #tpu.memory_space<vmem>> -> memref<128xi32, #tpu.memory_space<vmem>>
        %dma_start3A_472 = arith.constant 0 : i32
        %dma_start3A_473 = arith.constant 0 : i32
        %dma_start3A_474 = tpu.memref_slice %arg3[%dma_start3A_472, %dma_start3A_473] : memref<1000000x64xf32, #tpu.memory_space<hbm>> -> memref<1000000x64xf32, #tpu.memory_space<hbm>>
        %dma_start3A_475 = tpu.memref_slice %arg9[%dma_start3A_464] : memref<2x!tpu.dma_semaphore, #tpu.memory_space<semaphore_mem>> -> memref<1x!tpu.dma_semaphore, #tpu.memory_space<semaphore_mem>>
        %dma_start3A_476 = tpu.memref_squeeze %dma_start3A_475 : memref<1x!tpu.dma_semaphore, #tpu.memory_space<semaphore_mem>> -> memref<!tpu.dma_semaphore, #tpu.memory_space<semaphore_mem>>
        tpu.enqueue_indirect_dma source(%dma_start3A_474 : memref<1000000x64xf32, #tpu.memory_space<hbm>>) target(%dma_start3A_468 : memref<128x64xf32, #tpu.memory_space<vmem>>) offsets(%dma_start3A_471 : memref<128xi32, #tpu.memory_space<vmem>>) semaphore(%dma_start3A_476 : memref<!tpu.dma_semaphore, #tpu.memory_space<semaphore_mem>>)
      } else {
      }
    }
    %scan3A_209 = arith.constant 400 : i32
    %add3A_210 = arith.constant 800 : i32
    %add3A_211 = arith.addi %mul3A_2, %add3A_210 : i32
    %sub3A_212 = arith.constant 2 : i32
    %sub3A_213 = arith.subi %add3A_211, %sub3A_212 : i32
    %add3A_214 = arith.constant 0 : i32
    %add3A_215 = arith.addi %sub3A_213, %add3A_214 : i32
    %div3A_216 = arith.constant 128 : i32
    %div3A_217 = arith.divsi %add3A_215, %div3A_216 : i32
    %rem3A_218 = arith.constant 128 : i32
    %rem3A_219 = arith.remsi %add3A_215, %rem3A_218 : i32
    %dma_wait3A = arith.constant 0 : i32
    %dma_wait3A_220 = arith.constant 0 : i32
    %dma_wait3A_221 = arith.constant 0 : i32
    %dma_wait3A_222 = arith.constant 0 : i32
    %dma_wait3A_223 = arith.constant 0 : i32
    %dma_wait3A_224 = tpu.memref_slice %arg7[%dma_wait3A, %dma_wait3A_221, %dma_wait3A_222, %dma_wait3A_223] : memref<2x8x8x129xf32, #tpu.memory_space<vmem>> -> memref<1x8x8x128xf32, #tpu.memory_space<vmem>>
    %dma_wait3A_225 = tpu.memref_squeeze %dma_wait3A_224 : memref<1x8x8x128xf32, #tpu.memory_space<vmem>> -> memref<8x8x128xf32, #tpu.memory_space<vmem>>
    %dma_wait3A_226 = arith.constant 0 : i32
    %dma_wait3A_227 = arith.constant 0 : i32
    %dma_wait3A_228 = arith.constant 0 : i32
    %dma_wait3A_229 = tpu.memref_slice %arg4[%div3A_217, %dma_wait3A_226, %rem3A_219, %dma_wait3A_227, %dma_wait3A_228] : memref<200x8x128x8x128xf32, #tpu.memory_space<hbm>> -> memref<1x8x1x8x128xf32, #tpu.memory_space<hbm>>
    %dma_wait3A_230 = tpu.memref_squeeze %dma_wait3A_229 : memref<1x8x1x8x128xf32, #tpu.memory_space<hbm>> -> memref<8x8x128xf32, #tpu.memory_space<hbm>>
    %dma_wait3A_231 = tpu.memref_slice %arg10[%dma_wait3A_220] : memref<2x!tpu.dma_semaphore, #tpu.memory_space<semaphore_mem>> -> memref<1x!tpu.dma_semaphore, #tpu.memory_space<semaphore_mem>>
    %dma_wait3A_232 = tpu.memref_squeeze %dma_wait3A_231 : memref<1x!tpu.dma_semaphore, #tpu.memory_space<semaphore_mem>> -> memref<!tpu.dma_semaphore, #tpu.memory_space<semaphore_mem>>
    %dma_wait3A_233 = arith.constant 0 : i32
    %dma_wait3A_234 = arith.constant 0 : i32
    %dma_wait3A_235 = arith.constant 0 : i32
    %dma_wait3A_236 = tpu.memref_slice %arg4[%div3A_217, %dma_wait3A_233, %rem3A_219, %dma_wait3A_234, %dma_wait3A_235] : memref<200x8x128x8x128xf32, #tpu.memory_space<hbm>> -> memref<1x8x1x8x128xf32, #tpu.memory_space<hbm>>
    %dma_wait3A_237 = tpu.memref_squeeze %dma_wait3A_236 : memref<1x8x1x8x128xf32, #tpu.memory_space<hbm>> -> memref<8x8x128xf32, #tpu.memory_space<hbm>>
    %dma_wait3A_238 = arith.constant 0 : i32
    %dma_wait3A_239 = arith.constant 0 : i32
    %dma_wait3A_240 = arith.constant 0 : i32
    %dma_wait3A_241 = tpu.memref_slice %arg7[%dma_wait3A, %dma_wait3A_238, %dma_wait3A_239, %dma_wait3A_240] : memref<2x8x8x129xf32, #tpu.memory_space<vmem>> -> memref<1x8x8x128xf32, #tpu.memory_space<vmem>>
    %dma_wait3A_242 = tpu.memref_squeeze %dma_wait3A_241 : memref<1x8x8x128xf32, #tpu.memory_space<vmem>> -> memref<8x8x128xf32, #tpu.memory_space<vmem>>
    tpu.wait_dma2 semaphore(%dma_wait3A_232 : memref<!tpu.dma_semaphore, #tpu.memory_space<semaphore_mem>>) src(%dma_wait3A_242 : memref<8x8x128xf32, #tpu.memory_space<vmem>>) dst(%dma_wait3A_237 : memref<8x8x128xf32, #tpu.memory_space<hbm>>)
    %add3A_243 = arith.constant 800 : i32
    %add3A_244 = arith.addi %mul3A_2, %add3A_243 : i32
    %sub3A_245 = arith.constant 2 : i32
    %sub3A_246 = arith.subi %add3A_244, %sub3A_245 : i32
    %add3A_247 = arith.constant 1 : i32
    %add3A_248 = arith.addi %sub3A_246, %add3A_247 : i32
    %div3A_249 = arith.constant 128 : i32
    %div3A_250 = arith.divsi %add3A_248, %div3A_249 : i32
    %rem3A_251 = arith.constant 128 : i32
    %rem3A_252 = arith.remsi %add3A_248, %rem3A_251 : i32
    %dma_wait3A_253 = arith.constant 1 : i32
    %dma_wait3A_254 = arith.constant 1 : i32
    %dma_wait3A_255 = arith.constant 0 : i32
    %dma_wait3A_256 = arith.constant 0 : i32
    %dma_wait3A_257 = arith.constant 0 : i32
    %dma_wait3A_258 = tpu.memref_slice %arg7[%dma_wait3A_253, %dma_wait3A_255, %dma_wait3A_256, %dma_wait3A_257] : memref<2x8x8x129xf32, #tpu.memory_space<vmem>> -> memref<1x8x8x128xf32, #tpu.memory_space<vmem>>
    %dma_wait3A_259 = tpu.memref_squeeze %dma_wait3A_258 : memref<1x8x8x128xf32, #tpu.memory_space<vmem>> -> memref<8x8x128xf32, #tpu.memory_space<vmem>>
    %dma_wait3A_260 = arith.constant 0 : i32
    %dma_wait3A_261 = arith.constant 0 : i32
    %dma_wait3A_262 = arith.constant 0 : i32
    %dma_wait3A_263 = tpu.memref_slice %arg4[%div3A_250, %dma_wait3A_260, %rem3A_252, %dma_wait3A_261, %dma_wait3A_262] : memref<200x8x128x8x128xf32, #tpu.memory_space<hbm>> -> memref<1x8x1x8x128xf32, #tpu.memory_space<hbm>>
    %dma_wait3A_264 = tpu.memref_squeeze %dma_wait3A_263 : memref<1x8x1x8x128xf32, #tpu.memory_space<hbm>> -> memref<8x8x128xf32, #tpu.memory_space<hbm>>
    %dma_wait3A_265 = tpu.memref_slice %arg10[%dma_wait3A_254] : memref<2x!tpu.dma_semaphore, #tpu.memory_space<semaphore_mem>> -> memref<1x!tpu.dma_semaphore, #tpu.memory_space<semaphore_mem>>
    %dma_wait3A_266 = tpu.memref_squeeze %dma_wait3A_265 : memref<1x!tpu.dma_semaphore, #tpu.memory_space<semaphore_mem>> -> memref<!tpu.dma_semaphore, #tpu.memory_space<semaphore_mem>>
    %dma_wait3A_267 = arith.constant 0 : i32
    %dma_wait3A_268 = arith.constant 0 : i32
    %dma_wait3A_269 = arith.constant 0 : i32
    %dma_wait3A_270 = tpu.memref_slice %arg4[%div3A_250, %dma_wait3A_267, %rem3A_252, %dma_wait3A_268, %dma_wait3A_269] : memref<200x8x128x8x128xf32, #tpu.memory_space<hbm>> -> memref<1x8x1x8x128xf32, #tpu.memory_space<hbm>>
    %dma_wait3A_271 = tpu.memref_squeeze %dma_wait3A_270 : memref<1x8x1x8x128xf32, #tpu.memory_space<hbm>> -> memref<8x8x128xf32, #tpu.memory_space<hbm>>
    %dma_wait3A_272 = arith.constant 0 : i32
    %dma_wait3A_273 = arith.constant 0 : i32
    %dma_wait3A_274 = arith.constant 0 : i32
    %dma_wait3A_275 = tpu.memref_slice %arg7[%dma_wait3A_253, %dma_wait3A_272, %dma_wait3A_273, %dma_wait3A_274] : memref<2x8x8x129xf32, #tpu.memory_space<vmem>> -> memref<1x8x8x128xf32, #tpu.memory_space<vmem>>
    %dma_wait3A_276 = tpu.memref_squeeze %dma_wait3A_275 : memref<1x8x8x128xf32, #tpu.memory_space<vmem>> -> memref<8x8x128xf32, #tpu.memory_space<vmem>>
    tpu.wait_dma2 semaphore(%dma_wait3A_266 : memref<!tpu.dma_semaphore, #tpu.memory_space<semaphore_mem>>) src(%dma_wait3A_276 : memref<8x8x128xf32, #tpu.memory_space<vmem>>) dst(%dma_wait3A_271 : memref<8x8x128xf32, #tpu.memory_space<hbm>>)
    return
  }
}

</mosaic_0001>

<sc_bundles>
// kernel: kernel.3.cloned.1.call-start
scs
__scs_entry_jumppad:
0x0: {  	(pc) =	sbr.rel $0x88, $3  }
0x1: {  	(tag) =	ssettag $0x0;
	lr =	simm.s32 $0x1  }
0x2: {  	[smem:$0x3F9F] =	sst lr;
	_ =	strace $0xD0000000  }
0x3: {  	_ = 	snop  }
0x4: {  	_ = 	snop  }
0x5: {  	_ = 	snop  }
0x6: {  	_ = 	snop  }
0x7: {  	_ = 	snop  }
__scs_overlays_trampoline_lowered:
0x8: {  	[smem:$0x3FAE] =	sst s0  }
0x9: {  	[smem:$0x3FAF] =	sst s1  }
0xa: {  	[smem:$0x3FB0] =	sst s2  }
0xb: {  	[smem:$0x3FB1] =	sst s3  }
0xc: {  	[smem:$0x3FB2] =	sst s4  }
0xd: {  	[smem:$0x3FB3] =	sst s5  }
0xe: {  	[smem:$0x3FB4] =	sst s6  }
0xf: {  	[smem:$0x3FB5] =	sst s7  }
0x10: {  	[smem:$0x3FB6] =	sst s8  }
0x11: {  	[smem:$0x3FB7] =	sst s9;
	s0 =	simm.s32 @!p0 $0x0  }
0x12: {  	s1 =	sld [smem:$0x3F9D];
	s0 =	simm.s32 @p0 $0x1  }
0x13: {  	[smem:$0x3FB8] =	sst s0;
	s0 =	simm.s32 @!p1 $0x0  }
0x14: {  	s2 =	sld [smem:$0x3F9C];
	s0 =	simm.s32 @p1 $0x1  }
0x15: {  	[smem:$0x3FB9] =	sst s0;
	s0 =	simm.s32 @!p2 $0x0  }
0x16: {  	s3 =	sld [smem:$0x3FDB];
	s0 =	simm.s32 @p2 $0x1  }
0x17: {  	s4 =	simm.s32 $0x1BF5;
	[smem:$0x3FBB] =	sst s0  }
0x18: {  	s0 =	sld [smem:$0x3F9E];
	_ =	swait.ge [sflag:s4], $0x0  }
0x19: {  	s7 =	sld [smem:$0x3F9F]  }
0x1a: {  	s8 =	sadd.s32 $0xFFFFE003, lr  }
0x1b: {  	s9 =	sadd.s32 $0xFFFFFEF7, lr;
	s5 =	simm.s32 $0xFFFFFFFF;
	p2 =	slt.u32 s8, $0xFFFFF086  }
0x1c: {  	p1 =	slt.u32 s9, $0xF7A;
	s5 =	simm.s32 @!p2 $0x0  }
0x1d: {  	s5 =	simm.s32 @p1 $0x1;
	p0 =	seq.s32 s7, s2  }
0x1e: {  	s7 =	smul.u32 @!p0 $0xF7A, s2;
	p2 =	seq.s32 @!p0 s5, $0x0  }
0x1f: {  	s9 =	smul.u32 $0xF7A, s1;
	s8 =	simm.s32 @!p0 $0x1BF5;
	p2 =	por !p2, p0  }
0x20: {  	[sflag:s8] =	ssyncset.s32 @!p0 $0xFFFFF086;
	s6 =	sadd.s32 @!p0 s3, s7;
	s7 =	simm.s32 @!p0 $0x108  }
0x21: {  	s3 =	sadd.s32 s3, s9;
	s6 =	sadd.s32 @!p0 $0x88, s6;
	s7 =	simm.s32 @p2 $0x1082  }
0x22: {  	[simem:s7], [sflag:s8] =	dma.local @!p0 [hbm:s6], $0xF7A  }
0x23: {  	s9 =	sor.u32 $0xD0000000, s2;
	s6 =	simm.s32 $0x108;
	_ =	swait.ge @!p0 [sflag:s8], $0x0  }
0x24: {  	s3 =	sadd.s32 $0x88, s3;
	s6 =	simm.s32 @!p1 $0x1082;
	[sflag:s4] =	ssyncset.s32 $0xFFFFF086  }
0x25: {  	[simem:s6], [sflag:s4] =	dma.local [hbm:s3], $0xF7A  }
0x26: {  	[smem:$0x3F9F] =	sst s1;
	(tag) =	ssettag s2;
	_ =	strace s9  }
0x27: {  	s1 =	sld [smem:$0x3FAF]  }
0x28: {  	s2 =	sld [smem:$0x3FB0]  }
0x29: {  	s4 =	sld [smem:$0x3FB2]  }
0x2a: {  	p0 =	seq.s32 s5, $0x0;
	s5 =	sld [smem:$0x3FB3]  }
0x2b: {  	s6 =	sld [smem:$0x3FB4]  }
0x2c: {  	s7 =	sld [smem:$0x3FB5]  }
0x2d: {  	s3 =	simm.s32 $0x108;
	s8 =	sld [smem:$0x3FB6]  }
0x2e: {  	s3 =	simm.s32 @!p0 $0x1082;
	s9 =	sld [smem:$0x3FB7]  }
0x2f: {  	lr =	sadd.s32 s0, s3;
	s0 =	sld [smem:$0x3FAE]  }
0x30: {  	s3 =	sld [smem:$0x3FB1]  }
0x31: {  	[smem:$0x3FBA] =	sst s10  }
0x32: {  	s10 =	sld [smem:$0x3FB8];
	_ =	sdelay $0x3  }
0x33: {  	p0 =	seq.s32 s10, $0x1;
	s10 =	sld [smem:$0x3FBA];
	_ =	sdelay $0x3  }
0x34: {  	[smem:$0x3FBA] =	sst s10  }
0x35: {  	s10 =	sld [smem:$0x3FB9];
	_ =	sdelay $0x3  }
0x36: {  	p1 =	seq.s32 s10, $0x1;
	s10 =	sld [smem:$0x3FBA];
	_ =	sdelay $0x3  }
0x37: {  	[smem:$0x3FBA] =	sst s10  }
0x38: {  	s10 =	sld [smem:$0x3FBB]  }
0x39: {  	_ = 	snop;
	(pc) =	sbr.ind lr, $3  }
0x3a: {  	_ = 	snop  }
0x3b: {  	_ = 	snop  }
0x3c: {  	p2 =	seq.s32 s10, $0x1;
	s10 =	sld [smem:$0x3FBA]  }
0x3d: {  	_ =	shalt  }
0x3e: {  	_ =	shalt  }
0x3f: {  	_ =	shalt  }
0x40: {  	_ =	shalt  }
0x41: {  	_ =	shalt  }
0x42: {  	_ =	shalt  }
0x43: {  	_ =	shalt  }
0x44: {  	_ =	shalt  }
0x45: {  	_ =	shalt  }
0x46: {  	_ =	shalt  }
0x47: {  	_ =	shalt  }
0x48: {  	_ =	shalt  }
0x49: {  	_ =	shalt  }
0x4a: {  	_ =	shalt  }
0x4b: {  	_ =	shalt  }
0x4c: {  	_ =	shalt  }
0x4d: {  	_ =	shalt  }
0x4e: {  	_ =	shalt  }
0x4f: {  	_ =	shalt  }
0x50: {  	_ =	shalt  }
0x51: {  	_ =	shalt  }
0x52: {  	_ =	shalt  }
0x53: {  	_ =	shalt  }
0x54: {  	_ =	shalt  }
0x55: {  	_ =	shalt  }
0x56: {  	_ =	shalt  }
0x57: {  	_ =	shalt  }
0x58: {  	_ =	shalt  }
0x59: {  	_ =	shalt  }
0x5a: {  	_ =	shalt  }
0x5b: {  	_ =	shalt  }
0x5c: {  	_ =	shalt  }
0x5d: {  	_ =	shalt  }
0x5e: {  	_ =	shalt  }
0x5f: {  	_ =	shalt  }
0x60: {  	_ =	shalt  }
0x61: {  	_ =	shalt  }
0x62: {  	_ =	shalt  }
0x63: {  	_ =	shalt  }
0x64: {  	_ =	shalt  }
0x65: {  	_ =	shalt  }
0x66: {  	_ =	shalt  }
0x67: {  	_ =	shalt  }
0x68: {  	_ =	shalt  }
0x69: {  	_ =	shalt  }
0x6a: {  	_ =	shalt  }
0x6b: {  	_ =	shalt  }
0x6c: {  	_ =	shalt  }
0x6d: {  	_ =	shalt  }
0x6e: {  	_ =	shalt  }
0x6f: {  	_ =	shalt  }
0x70: {  	_ =	shalt  }
0x71: {  	_ =	shalt  }
0x72: {  	_ =	shalt  }
0x73: {  	_ =	shalt  }
0x74: {  	_ =	shalt  }
0x75: {  	_ =	shalt  }
0x76: {  	_ =	shalt  }
0x77: {  	_ =	shalt  }
0x78: {  	_ =	shalt  }
0x79: {  	_ =	shalt  }
0x7a: {  	_ =	shalt  }
0x7b: {  	_ =	shalt  }
0x7c: {  	_ =	shalt  }
0x7d: {  	_ =	shalt  }
0x7e: {  	_ =	shalt  }
0x7f: {  	_ =	shalt  }
0x80: {  	_ =	shalt  }
0x81: {  	_ =	shalt  }
0x82: {  	_ =	shalt  }
0x83: {  	_ =	shalt  }
0x84: {  	_ =	shalt  }
0x85: {  	_ =	shalt  }
0x86: {  	_ =	shalt  }
0x87: {  	_ =	shalt  }
.Lfunc_end0:
.L_simem_size_0:
called_computation_lowered:
.L_overlay_start_0:
0x88: {  	s2 =	sld [smem:$0x3FD9]  }
0x89: {  	s3 =	sld [smem:$0x3FFE];
	_ =	sdelay $0x1  }
0x8a: {  	s1 =	srdreg.scid  }
0x8b: {  	s0 =	sand.u32 $0x1, s1  }
0x8c: {  	s17 =	sshll.u32 s0, $0xA;
	s2 =	sadd.s32 s3, s2  }
0x8d: {  	s2 =	sadd.s32 s2, s17  }
0x8e: {  	[smem:$0x3FC6] =	sst s2  }
0x8f: {  	_ = 	snop  }
0x90: {  	s2 =	sld [smem:$0x3FC9]  }
0x91: {  	s18 =	sld [smem:$0x3FD0];
	(tm) =	ssettm $0x1  }
0x92: {  	s4 =	sld [smem:$0x3FFB];
	_ =	sdelay $0x3  }
0x93: {  	_ =	strace s4  }
0x94: {  	s4 =	sld [smem:$0x3FFC];
	_ =	sdelay $0x3  }
0x95: {  	_ =	strace s4  }
0x96: {  	s4 =	sld [smem:$0x3FFD];
	_ =	sdelay $0x3  }
0x97: {  	_ =	strace s4  }
0x98: {  	_ =	strace $0x8FFFFFFF  }
0x99: {  	s19 =	sld [smem:$0x3FDB];
	_ =	sdelay $0x1  }
0x9a: {  	s5 =	simm.s32 $_scs_section_size  }
0x9b: {  	s6 =	simm.s32 $_size__tile_overlayer_lowered;
	s7 =	simm.s32 $_tile_overlayer_lowered  }
0x9c: {  	s22 =	simm.s32 $0x1BFF;
	s21 =	sshll.u32 s7, $0x1;
	s4 =	sadd.s32 s5, s19  }
0x9d: {  	s8 =	simm.s32 $0x0;
	s20 =	sshll.u32 s6, $0x1;
	s6 =	sadd.s32 s21, s4  }
0x9e: {  	[timem:s8], [sflag:s22] =	dma.local [hbm:s6], s20  }
0x9f: {  	_ =	swait.ge [sflag:s22], s20  }
0xa0: {  	s5 =	ssub.s32 $0x0, s20;
	[sflag:s22] =	ssyncset.done $0x0  }
0xa1: {  	[sflag:s22] =	ssyncadd.s32 s5;
	_ =	sdelay $0x1  }
0xa2: {  	s23 =	simm.s32 $0x1B8B  }
0xa3: {  	_ =	swait.ge [sflag:s23], $0x1  }
0xa4: {  	[sflag:s23] =	ssyncset.done $0x0  }
0xa5: {  	s25 =	simm.s32 $0x1B8E;
	s24 =	sld [smem:$0x3FFE];
	[sflag:s23] =	ssyncadd.s32 $0xFFFFFFFF  }
0xa6: {  	s26 =	simm.s32 $execute0_lowered;
	[smem:$0x3FD2] =	sst s25  }
0xa7: {  	s6 =	sshll.u32 s26, $0x1;
	_ =	strace $0x80000046;
	[dreg:$0x1] =	wrdreg $0xFFFFFFFF  }
0xa8: {  	s28 =	simm.s32 $_size_execute0_lowered;
	s4 =	sadd.s32 s4, s6;
	[dreg:$0x0] =	wrdreg $0x0  }
0xa9: {  	s6 =	sshll.u32 s28, $0x1;
	[dreg:$0x2] =	wrdreg s4  }
0xaa: {  	[dreg:$0x3] =	wrdreg s6  }
0xab: {  	[dreg:$0x4] =	wrdreg $0xC0  }
0xac: {  	_ =	task [dreg:s8], $0x5FFFF  }
0xad: {  	[dreg:$0x1] =	wrdreg $0xFFFFFFFF  }
0xae: {  	[dreg:$0x0] =	wrdreg $0x60  }
0xaf: {  	[dreg:$0x2] =	wrdreg s2  }
0xb0: {  	[dreg:$0x3] =	wrdreg s24  }
0xb1: {  	[dreg:$0x4] =	wrdreg s18  }
0xb2: {  	[dreg:$0x5] =	wrdreg $0x9  }
0xb3: {  	_ =	task.clear_ibuf [dreg:s8], $0x6FFFF;
	_ =	strace $0x90000046  }
0xb4: {  	s29 =	simm.s32 $0x9;
	_ =	strace $0x80000048  }
0xb5: {  	_ =	swait.ge [sflag:s29], $0x1  }
0xb6: {  	[sflag:s29] =	ssyncadd.s32 $0xFFFFFFFF  }
0xb7: {  	_ =	strace $0x90000048  }
0xb8: {  	_ =	sfence  }
0xb9: {  	s30 =	sld [smem:$0x0];
	_ =	sdelay $0x2  }
0xba: {  	s31 =	sshll.u32 s1, $0xD;
	s1 =	sshrl.u32 s1, $0x2  }
0xbb: {  	s3 =	sand.u32 $0x4000, s31;
	s1 =	sadd.s32 s1, s30  }
0xbc: {  	s0 =	sor.u32 s3, s0;
	s1 =	sshll.u32 s1, $0x11  }
0xbd: {  	s0 =	sor.u32 s1, s0  }
0xbe: {  	s0 =	sadd.s32 $0x8F2B, s0  }
0xbf: {  	[sflag:s0] =	ssyncadd.remote.s32 $0x1  }
0xc0: {  	_ =	sfence.sel $0xFFFF  }
0xc1: {  	[dreg:$0x0] =	wrdreg $0xFFFFFFFF;
	(pc) =	sbr.abs _section_cstart, $3  }
0xc2: {  	[dreg:$0x1] =	wrdreg $0xFFFFFFFF  }
0xc3: {  	_ =	task.clear_ibuf [dreg:s8], $0x2FFFF;
	_ =	strace $0x9FFFFFFF  }
0xc4: {  	(tm) =	ssettm $0x7FFFFFFF  }
0xc5: {  	_ =	shalt  }
tec
execute0_lowered:
.L_overlay_start_1:
0x0: {  	(tag) =	ssettag $0x1  }
0x1: {  	s1 =	srdreg.scid;
	v0 =	vlaneseq.u32  }
0x2: {  	s0 =	stileid.u32;
	s7 =	rddreg [dreg:$0x1];
	v0 =	vmul.u32 $0x88, v0  }
0x3: {  	v1 =	vimm.s32 $0x0;
	vm0 =	vcmask $0x300;
	s10 =	simm.s32 $0x7;
	s11 =	simm.s32 $0x80;
	s12 =	simm.s32 $0x100  }
0x4: {  	s13 =	simm.s32 $0x2100;
	s14 =	simm.s32 $0x3;
	s15 =	simm.s32 $0x4100;
	v1 =	vsel vm0, $0x3, v1;
	v2 =	vadd.s32 $0x880, v0  }
0x5: {  	s16 =	simm.s32 $0x4;
	s6 =	sand.u32 $0x1, s1;
	s28 =	sshll.u32 s0, $0x1;
	v3 =	vadd.s32 $0x1100, v0;
	v4 =	vadd.s32 $0x1980, v0;
	v5 =	vor.u32 $0x1, v0  }
0x6: {  	s17 =	simm.s32 $0x6300;
	s18 =	simm.s32 $0x5;
	s3 =	sor.u32 s6, s28;
	v6 =	vadd.s32 $0x881, v0;
	v7 =	vadd.s32 $0x1101, v0;
	v8 =	vadd.s32 $0x1981, v0  }
0x7: {  	s19 =	simm.s32 $0x6;
	s20 =	simm.s32 $0x0;
	s4 =	smul.u32 $0x19000, s3;
	v9 =	vor.u32 $0x2, v0;
	v10 =	vadd.s32 $0x882, v0;
	v11 =	vadd.s32 $0x1102, v0  }
0x8: {  	s1 =	rddreg [dreg:$0x0];
	s2 =	smul.u32 $0x320, s3;
	s3 =	sshll.u32 s3, $0xF;
	v12 =	vadd.s32 $0x1982, v0;
	v13 =	vor.u32 $0x3, v0;
	v14 =	vadd.s32 $0x883, v0  }
0x9: {  	s7 =	sadd.s32 $0x400, s7;
	v15 =	vadd.s32 $0x1103, v0;
	v16 =	vadd.s32 $0x1983, v0;
	v17 =	vor.u32 $0x4, v0;
	s3 =	sand.u32 $0x18000, s3;
	s5 =	sand.u32 $0x3E0000, s4  }
0xa: {  	s29 =	ssub.s32 $0x2, s6;
	v18 =	vadd.s32 $0x884, v0;
	v19 =	vadd.s32 $0x1104, v0;
	v20 =	vadd.s32 $0x1984, v0;
	s9 =	sand.u32 $0x380, s2;
	s8 =	sor.u32 s3, s5  }
0xb: {  	s31 =	sshrl.u32 s29, $0x1;
	v21 =	vor.u32 $0x5, v0;
	v22 =	vadd.s32 $0x885, v0;
	v23 =	vadd.s32 $0x1105, v0;
	s4 =	rddreg [dreg:$0x2];
	s8 =	sor.u32 s9, s8  }
0xc: {  	v24 =	vadd.s32 $0x1985, v0;
	v25 =	vor.u32 $0x6, v0;
	v26 =	vadd.s32 $0x886, v0;
	s3 =	rddreg [dreg:$0x3];
	s5 =	simm.s32 $0x0;
	s30 =	sshrl.u32 s8, $0x3  }
0xd: {  	v27 =	vadd.s32 $0x1106, v0;
	v28 =	vadd.s32 $0x1986, v0;
	v29 =	vor.u32 $0x7, v0;
	[smem:$0x7FF] =	sst s5;
	s9 =	ssub.s32 s29, s31;
	s6 =	sadd.s32 s1, s30  }
0xe: {  	v30 =	vadd.s32 $0x887, v0;
	v31 =	vadd.s32 $0x1107, v0;
	v32 =	vadd.s32 $0x1987, v0;
	_ =	strace $0x80000047;
	s9 =	smax.u32 s9, $0x1;
	s8 =	sadd.s32 $0x80, s6  }
.LBB2_1:
0xf: {  	[tilespmem:s5], [sflag:$0x7] =	stream.linear.gather [hbm4b:s6+s5], $0x80, $0x38;
	[tilespmem:$0x8500] =	vst v63  }
0x10: {  	_ =	swait.ge [sflag:s10], $0x80  }
0x11: {  	[sflag:s10] =	ssyncset.done $0x0  }
0x12: {  	[sflag:s10] =	ssyncadd.s32 $0xFFFFFF80  }
0x13: {  	[tilespmem:s12], [sflag:$0x3] =	stream.indirect.gather [hbm4b:s7+s11], $0x40, s5, s11, $0xb8;
	[tilespmem:$0x8500] =	vst v63  }
0x14: {  	_ = 	snop  }
0x15: {  	[tilespmem:s11], [sflag:$0x7] =	stream.linear.gather [hbm4b:s8+s5], $0x80, $0x38;
	[tilespmem:$0x8500] =	vst v63  }
0x16: {  	_ =	swait.ge [sflag:s10], $0x80  }
0x17: {  	[sflag:s10] =	ssyncset.done $0x0  }
0x18: {  	s21 =	simm.s32 $0x0;
	[sflag:s10] =	ssyncadd.s32 $0xFFFFFF80  }
0x19: {  	[tilespmem:s13], [sflag:$0x4] =	stream.indirect.gather [hbm4b:s7+s11], $0x40, s11, s11, $0xb8;
	[tilespmem:$0x8500] =	vst v63  }
.LBB2_2:
0x1a: {  	_ =	swait.ge [sflag:s14], $0x2000  }
0x1b: {  	p1 =	seq.s32 s21, $0x0;
	[sflag:s14] =	ssyncset.done $0x0  }
0x1c: {  	s23 =	simm.s32 @!p1 $0x5;
	[sflag:s14] =	ssyncadd.s32 $0xFFFFE000  }
0x1d: {  	s22 =	sshll.u32 s21, $0x1;
	p0 =	seq.s32 @!p1 s21, $0x18F;
	_ =	swait.ge @!p1 [sflag:s23], $0x2000  }
0x1e: {  	s22 =	sadd.s32 s2, s22;
	p2 =	por p1, !p0;
	[sflag:s23] =	ssyncset.done @!p1 $0x0  }
0x1f: {  	[sflag:s23] =	ssyncadd.s32 @!p1 $0xFFFFE000;
	s23 =	sadd.s32 @p2 $0x2, s22  }
0x20: {  	s24 =	sshll.u32 @p2 s23, $0xA  }
0x21: {  	s25 =	sshll.u32 @p2 s23, $0x7;
	s23 =	sand.u32 @p2 $0x380, s23;
	s24 =	sand.u32 @p2 $0x1F800, s24  }
0x22: {  	s30 =	simm.s32 $0x0;
	s25 =	sand.u32 @p2 $0x7FFE0000, s25;
	s23 =	sor.u32 @p2 s23, s24  }
0x23: {  	v33 =	vmov s30;
	s23 =	sor.u32 @p2 s25, s23  }
0x24: {  	v33 =	vshrl.u32 v33, $0x3;
	s23 =	sshrl.u32 @p2 s23, $0x3  }
0x25: {  	v33 =	vshll.u32 v33, v1;
	s23 =	sadd.s32 @p2 s1, s23  }
0x26: {  	v33 =	vbroadcast v33, $0x0;
	[tilespmem:s5], [sflag:$0x1] =	stream.linear.gather @p2 [hbm4b:s23+s5], $0x80, $0x38;
	[tilespmem:$0x8500] =	vst v63  }
0x27: {  	s23 =	simm.s32 $0x200  }
0x28: {  	v35 =	vadd.s32 v0, v33;
	v34 =	vld [tilespmem:s23+$0xFFFFFF00];
	_ =	sdelay $0x4  }
0x29: {  	[tilespmem:v35+s15+$0x0] =	vst.idx.msk $0xffff, v34  }
0x2a: {  	v56 =	vadd.s32 v2, v33;
	v34 =	vld [tilespmem:s23+$0xFFFFFF10];
	_ =	sdelay $0x4  }
0x2b: {  	[tilespmem:v56+s15+$0x0] =	vst.idx.msk $0xffff, v34  }
0x2c: {  	v57 =	vadd.s32 v3, v33;
	v34 =	vld [tilespmem:s23+$0xFFFFFF20];
	_ =	sdelay $0x4  }
0x2d: {  	[tilespmem:v57+s15+$0x0] =	vst.idx.msk $0xffff, v34  }
0x2e: {  	s31 =	simm.s32 $0x1;
	v33 =	vadd.s32 v4, v33;
	v34 =	vld [tilespmem:s23+$0xFFFFFF30]  }
0x2f: {  	v58 =	vmov s31  }
0x30: {  	v35 =	vshrl.u32 v58, $0x3  }
0x31: {  	v35 =	vshll.u32 v35, v1  }
0x32: {  	v35 =	vbroadcast v35, $0x0  }
0x33: {  	[tilespmem:v33+s15+$0x0] =	vst.idx.msk $0xffff, v34  }
0x34: {  	v59 =	vadd.s32 v5, v35;
	v33 =	vld [tilespmem:s23+$0xFFFFFF40];
	_ =	sdelay $0x4  }
0x35: {  	[tilespmem:v59+s15+$0x0] =	vst.idx.msk $0xffff, v33  }
0x36: {  	v60 =	vadd.s32 v6, v35;
	v33 =	vld [tilespmem:s23+$0xFFFFFF50];
	_ =	sdelay $0x4  }
0x37: {  	[tilespmem:v60+s15+$0x0] =	vst.idx.msk $0xffff, v33  }
0x38: {  	v61 =	vadd.s32 v7, v35;
	v33 =	vld [tilespmem:s23+$0xFFFFFF60];
	_ =	sdelay $0x4  }
0x39: {  	[tilespmem:v61+s15+$0x0] =	vst.idx.msk $0xffff, v33  }
0x3a: {  	s25 =	simm.s32 $0x2;
	v62 =	vadd.s32 v8, v35;
	v33 =	vld [tilespmem:s23+$0xFFFFFF70]  }
0x3b: {  	v63 =	vmov s25  }
0x3c: {  	v35 =	vshrl.u32 v63, $0x3  }
0x3d: {  	v35 =	vshll.u32 v35, v1  }
0x3e: {  	v35 =	vbroadcast v35, $0x0  }
0x3f: {  	[tilespmem:v62+s15+$0x0] =	vst.idx.msk $0xffff, v33  }
0x40: {  	v36 =	vadd.s32 v9, v35;
	v33 =	vld [tilespmem:s23+$0xFFFFFF80];
	_ =	sdelay $0x4  }
0x41: {  	[tilespmem:v36+s15+$0x0] =	vst.idx.msk $0xffff, v33  }
0x42: {  	v37 =	vadd.s32 v10, v35;
	v33 =	vld [tilespmem:s23+$0xFFFFFF90];
	_ =	sdelay $0x4  }
0x43: {  	[tilespmem:v37+s15+$0x0] =	vst.idx.msk $0xffff, v33  }
0x44: {  	v38 =	vadd.s32 v11, v35;
	v33 =	vld [tilespmem:s23+$0xFFFFFFA0];
	_ =	sdelay $0x4  }
0x45: {  	[tilespmem:v38+s15+$0x0] =	vst.idx.msk $0xffff, v33  }
0x46: {  	s26 =	simm.s32 $0x3;
	v39 =	vadd.s32 v12, v35;
	v33 =	vld [tilespmem:s23+$0xFFFFFFB0]  }
0x47: {  	v40 =	vmov s26  }
0x48: {  	v35 =	vshrl.u32 v40, $0x3  }
0x49: {  	v35 =	vshll.u32 v35, v1  }
0x4a: {  	v35 =	vbroadcast v35, $0x0  }
0x4b: {  	[tilespmem:v39+s15+$0x0] =	vst.idx.msk $0xffff, v33  }
0x4c: {  	v41 =	vadd.s32 v13, v35;
	v33 =	vld [tilespmem:s23+$0xFFFFFFC0];
	_ =	sdelay $0x4  }
0x4d: {  	[tilespmem:v41+s15+$0x0] =	vst.idx.msk $0xffff, v33  }
0x4e: {  	v42 =	vadd.s32 v14, v35;
	v33 =	vld [tilespmem:s23+$0xFFFFFFD0];
	_ =	sdelay $0x4  }
0x4f: {  	[tilespmem:v42+s15+$0x0] =	vst.idx.msk $0xffff, v33  }
0x50: {  	v43 =	vadd.s32 v15, v35;
	v33 =	vld [tilespmem:s23+$0xFFFFFFE0];
	_ =	sdelay $0x4  }
0x51: {  	[tilespmem:v43+s15+$0x0] =	vst.idx.msk $0xffff, v33  }
0x52: {  	s28 =	simm.s32 $0x4;
	v44 =	vadd.s32 v16, v35;
	v33 =	vld [tilespmem:s23+$0xFFFFFFF0]  }
0x53: {  	v45 =	vmov s28  }
0x54: {  	v35 =	vshrl.u32 v45, $0x3  }
0x55: {  	v35 =	vshll.u32 v35, v1  }
0x56: {  	v35 =	vbroadcast v35, $0x0  }
0x57: {  	[tilespmem:v44+s15+$0x0] =	vst.idx.msk $0xffff, v33  }
0x58: {  	v46 =	vadd.s32 v17, v35;
	v33 =	vld [tilespmem:s23+$0x0];
	_ =	sdelay $0x4  }
0x59: {  	[tilespmem:v46+s15+$0x0] =	vst.idx.msk $0xffff, v33  }
0x5a: {  	v47 =	vadd.s32 v18, v35;
	v33 =	vld [tilespmem:s23+$0x10];
	_ =	sdelay $0x4  }
0x5b: {  	[tilespmem:v47+s15+$0x0] =	vst.idx.msk $0xffff, v33  }
0x5c: {  	v48 =	vadd.s32 v19, v35;
	v33 =	vld [tilespmem:s23+$0x20];
	_ =	sdelay $0x4  }
0x5d: {  	[tilespmem:v48+s15+$0x0] =	vst.idx.msk $0xffff, v33  }
0x5e: {  	s29 =	simm.s32 $0x5;
	v49 =	vadd.s32 v20, v35;
	v33 =	vld [tilespmem:s23+$0x30]  }
0x5f: {  	v50 =	vmov s29  }
0x60: {  	v35 =	vshrl.u32 v50, $0x3  }
0x61: {  	v35 =	vshll.u32 v35, v1  }
0x62: {  	v35 =	vbroadcast v35, $0x0  }
0x63: {  	[tilespmem:v49+s15+$0x0] =	vst.idx.msk $0xffff, v33  }
0x64: {  	v51 =	vadd.s32 v21, v35;
	v33 =	vld [tilespmem:s23+$0x40];
	_ =	sdelay $0x4  }
0x65: {  	[tilespmem:v51+s15+$0x0] =	vst.idx.msk $0xffff, v33  }
0x66: {  	v52 =	vadd.s32 v22, v35;
	v33 =	vld [tilespmem:s23+$0x50];
	_ =	sdelay $0x4  }
0x67: {  	[tilespmem:v52+s15+$0x0] =	vst.idx.msk $0xffff, v33  }
0x68: {  	v53 =	vadd.s32 v23, v35;
	v33 =	vld [tilespmem:s23+$0x60];
	_ =	sdelay $0x4  }
0x69: {  	[tilespmem:v53+s15+$0x0] =	vst.idx.msk $0xffff, v33  }
0x6a: {  	s30 =	simm.s32 $0x6;
	v54 =	vadd.s32 v24, v35;
	v33 =	vld [tilespmem:s23+$0x70]  }
0x6b: {  	v55 =	vmov s30  }
0x6c: {  	v35 =	vshrl.u32 v55, $0x3  }
0x6d: {  	v35 =	vshll.u32 v35, v1  }
0x6e: {  	v35 =	vbroadcast v35, $0x0  }
0x6f: {  	[tilespmem:v54+s15+$0x0] =	vst.idx.msk $0xffff, v33  }
0x70: {  	v56 =	vadd.s32 v25, v35;
	v33 =	vld [tilespmem:s23+$0x80];
	_ =	sdelay $0x4  }
0x71: {  	[tilespmem:v56+s15+$0x0] =	vst.idx.msk $0xffff, v33  }
0x72: {  	v57 =	vadd.s32 v26, v35;
	v33 =	vld [tilespmem:s23+$0x90];
	_ =	sdelay $0x4  }
0x73: {  	[tilespmem:v57+s15+$0x0] =	vst.idx.msk $0xffff, v33  }
0x74: {  	v58 =	vadd.s32 v27, v35;
	v33 =	vld [tilespmem:s23+$0xA0];
	_ =	sdelay $0x4  }
0x75: {  	[tilespmem:v58+s15+$0x0] =	vst.idx.msk $0xffff, v33  }
0x76: {  	s31 =	simm.s32 $0x7;
	v59 =	vadd.s32 v28, v35;
	v33 =	vld [tilespmem:s23+$0xB0]  }
0x77: {  	v60 =	vmov s31  }
0x78: {  	v35 =	vshrl.u32 v60, $0x3  }
0x79: {  	v35 =	vshll.u32 v35, v1  }
0x7a: {  	v35 =	vbroadcast v35, $0x0  }
0x7b: {  	[tilespmem:v59+s15+$0x0] =	vst.idx.msk $0xffff, v33  }
0x7c: {  	v61 =	vadd.s32 v29, v35;
	v33 =	vld [tilespmem:s23+$0xC0];
	_ =	sdelay $0x4  }
0x7d: {  	[tilespmem:v61+s15+$0x0] =	vst.idx.msk $0xffff, v33  }
0x7e: {  	v62 =	vadd.s32 v30, v35;
	v33 =	vld [tilespmem:s23+$0xD0];
	_ =	sdelay $0x4  }
0x7f: {  	[tilespmem:v62+s15+$0x0] =	vst.idx.msk $0xffff, v33  }
0x80: {  	v63 =	vadd.s32 v31, v35;
	v33 =	vld [tilespmem:s23+$0xE0];
	_ =	sdelay $0x4  }
0x81: {  	s26 =	simm.s32 $0x8;
	p0 =	por @!p1 $0x1, $0x1;
	[tilespmem:v63+s15+$0x0] =	vst.idx.msk $0xffff, v33  }
0x82: {  	p0 =	por @p2 $0x0, $0x0;
	s24 =	simm.s32 $0xF;
	s25 =	simm.s32 $0x17;
	v34 =	vadd.s32 v32, v35;
	v33 =	vld [tilespmem:s23+$0xF0]  }
.LBB2_3:
0x83: {  	p2 =	sne.s32 s25, $0x7F;
	v35 =	vmov s26  }
0x84: {  	v35 =	vshrl.u32 v35, $0x3  }
0x85: {  	v35 =	vshll.u32 v35, v1  }
0x86: {  	v35 =	vbroadcast v35, $0x0  }
0x87: {  	s23 =	sadd.s32 $0x200, s23;
	[tilespmem:v34+s15+$0x0] =	vst.idx.msk $0xffff, v33  }
0x88: {  	v33 =	vld [tilespmem:s23+$0xFFFFFF00];
	v34 =	vadd.s32 v0, v35;
	_ =	sdelay $0x4  }
0x89: {  	[tilespmem:v34+s15+$0x0] =	vst.idx.msk $0xffff, v33  }
0x8a: {  	v34 =	vadd.s32 v2, v35;
	v33 =	vld [tilespmem:s23+$0xFFFFFF10];
	_ =	sdelay $0x4  }
0x8b: {  	[tilespmem:v34+s15+$0x0] =	vst.idx.msk $0xffff, v33  }
0x8c: {  	v34 =	vadd.s32 v3, v35;
	v33 =	vld [tilespmem:s23+$0xFFFFFF20];
	_ =	sdelay $0x4  }
0x8d: {  	[tilespmem:v34+s15+$0x0] =	vst.idx.msk $0xffff, v33  }
0x8e: {  	s26 =	sadd.s32 $0xFFFFFFFA, s24;
	v34 =	vadd.s32 v4, v35;
	v33 =	vld [tilespmem:s23+$0xFFFFFF30]  }
0x8f: {  	v35 =	vmov s26  }
0x90: {  	v35 =	vshrl.u32 v35, $0x3  }
0x91: {  	v35 =	vshll.u32 v35, v1  }
0x92: {  	v35 =	vbroadcast v35, $0x0  }
0x93: {  	[tilespmem:v34+s15+$0x0] =	vst.idx.msk $0xffff, v33  }
0x94: {  	v34 =	vadd.s32 v5, v35;
	v33 =	vld [tilespmem:s23+$0xFFFFFF40];
	_ =	sdelay $0x4  }
0x95: {  	[tilespmem:v34+s15+$0x0] =	vst.idx.msk $0xffff, v33  }
0x96: {  	v34 =	vadd.s32 v6, v35;
	v33 =	vld [tilespmem:s23+$0xFFFFFF50];
	_ =	sdelay $0x4  }
0x97: {  	[tilespmem:v34+s15+$0x0] =	vst.idx.msk $0xffff, v33  }
0x98: {  	v34 =	vadd.s32 v7, v35;
	v33 =	vld [tilespmem:s23+$0xFFFFFF60];
	_ =	sdelay $0x4  }
0x99: {  	[tilespmem:v34+s15+$0x0] =	vst.idx.msk $0xffff, v33  }
0x9a: {  	s26 =	sadd.s32 $0xFFFFFFFB, s24;
	v34 =	vadd.s32 v8, v35;
	v33 =	vld [tilespmem:s23+$0xFFFFFF70]  }
0x9b: {  	v35 =	vmov s26  }
0x9c: {  	v35 =	vshrl.u32 v35, $0x3  }
0x9d: {  	v35 =	vshll.u32 v35, v1  }
0x9e: {  	v35 =	vbroadcast v35, $0x0  }
0x9f: {  	[tilespmem:v34+s15+$0x0] =	vst.idx.msk $0xffff, v33  }
0xa0: {  	v34 =	vadd.s32 v9, v35;
	v33 =	vld [tilespmem:s23+$0xFFFFFF80];
	_ =	sdelay $0x4  }
0xa1: {  	[tilespmem:v34+s15+$0x0] =	vst.idx.msk $0xffff, v33  }
0xa2: {  	v34 =	vadd.s32 v10, v35;
	v33 =	vld [tilespmem:s23+$0xFFFFFF90];
	_ =	sdelay $0x4  }
0xa3: {  	[tilespmem:v34+s15+$0x0] =	vst.idx.msk $0xffff, v33  }
0xa4: {  	v34 =	vadd.s32 v11, v35;
	v33 =	vld [tilespmem:s23+$0xFFFFFFA0];
	_ =	sdelay $0x4  }
0xa5: {  	[tilespmem:v34+s15+$0x0] =	vst.idx.msk $0xffff, v33  }
0xa6: {  	s26 =	sadd.s32 $0xFFFFFFFC, s24;
	v34 =	vadd.s32 v12, v35;
	v33 =	vld [tilespmem:s23+$0xFFFFFFB0]  }
0xa7: {  	v35 =	vmov s26  }
0xa8: {  	v35 =	vshrl.u32 v35, $0x3  }
0xa9: {  	v35 =	vshll.u32 v35, v1  }
0xaa: {  	v35 =	vbroadcast v35, $0x0  }
0xab: {  	[tilespmem:v34+s15+$0x0] =	vst.idx.msk $0xffff, v33  }
0xac: {  	v34 =	vadd.s32 v13, v35;
	v33 =	vld [tilespmem:s23+$0xFFFFFFC0];
	_ =	sdelay $0x4  }
0xad: {  	[tilespmem:v34+s15+$0x0] =	vst.idx.msk $0xffff, v33  }
0xae: {  	v34 =	vadd.s32 v14, v35;
	v33 =	vld [tilespmem:s23+$0xFFFFFFD0];
	_ =	sdelay $0x4  }
0xaf: {  	[tilespmem:v34+s15+$0x0] =	vst.idx.msk $0xffff, v33  }
0xb0: {  	v34 =	vadd.s32 v15, v35;
	v33 =	vld [tilespmem:s23+$0xFFFFFFE0];
	_ =	sdelay $0x4  }
0xb1: {  	[tilespmem:v34+s15+$0x0] =	vst.idx.msk $0xffff, v33  }
0xb2: {  	s26 =	sadd.s32 $0xFFFFFFFD, s24;
	v34 =	vadd.s32 v16, v35;
	v33 =	vld [tilespmem:s23+$0xFFFFFFF0]  }
0xb3: {  	v35 =	vmov s26  }
0xb4: {  	v35 =	vshrl.u32 v35, $0x3  }
0xb5: {  	v35 =	vshll.u32 v35, v1  }
0xb6: {  	v35 =	vbroadcast v35, $0x0  }
0xb7: {  	[tilespmem:v34+s15+$0x0] =	vst.idx.msk $0xffff, v33  }
0xb8: {  	v34 =	vadd.s32 v17, v35;
	v33 =	vld [tilespmem:s23+$0x0];
	_ =	sdelay $0x4  }
0xb9: {  	[tilespmem:v34+s15+$0x0] =	vst.idx.msk $0xffff, v33  }
0xba: {  	v34 =	vadd.s32 v18, v35;
	v33 =	vld [tilespmem:s23+$0x10];
	_ =	sdelay $0x4  }
0xbb: {  	[tilespmem:v34+s15+$0x0] =	vst.idx.msk $0xffff, v33  }
0xbc: {  	v34 =	vadd.s32 v19, v35;
	v33 =	vld [tilespmem:s23+$0x20];
	_ =	sdelay $0x4  }
0xbd: {  	[tilespmem:v34+s15+$0x0] =	vst.idx.msk $0xffff, v33  }
0xbe: {  	s26 =	sadd.s32 $0xFFFFFFFE, s24;
	v34 =	vadd.s32 v20, v35;
	v33 =	vld [tilespmem:s23+$0x30]  }
0xbf: {  	v35 =	vmov s26  }
0xc0: {  	v35 =	vshrl.u32 v35, $0x3  }
0xc1: {  	v35 =	vshll.u32 v35, v1  }
0xc2: {  	v35 =	vbroadcast v35, $0x0  }
0xc3: {  	[tilespmem:v34+s15+$0x0] =	vst.idx.msk $0xffff, v33  }
0xc4: {  	v34 =	vadd.s32 v21, v35;
	v33 =	vld [tilespmem:s23+$0x40];
	_ =	sdelay $0x4  }
0xc5: {  	[tilespmem:v34+s15+$0x0] =	vst.idx.msk $0xffff, v33  }
0xc6: {  	v34 =	vadd.s32 v22, v35;
	v33 =	vld [tilespmem:s23+$0x50];
	_ =	sdelay $0x4  }
0xc7: {  	[tilespmem:v34+s15+$0x0] =	vst.idx.msk $0xffff, v33  }
0xc8: {  	v34 =	vadd.s32 v23, v35;
	v33 =	vld [tilespmem:s23+$0x60];
	_ =	sdelay $0x4  }
0xc9: {  	[tilespmem:v34+s15+$0x0] =	vst.idx.msk $0xffff, v33  }
0xca: {  	s26 =	sadd.s32 $0xFFFFFFFF, s24;
	v34 =	vadd.s32 v24, v35;
	v33 =	vld [tilespmem:s23+$0x70]  }
0xcb: {  	v35 =	vmov s26  }
0xcc: {  	v35 =	vshrl.u32 v35, $0x3  }
0xcd: {  	v35 =	vshll.u32 v35, v1  }
0xce: {  	v35 =	vbroadcast v35, $0x0  }
0xcf: {  	[tilespmem:v34+s15+$0x0] =	vst.idx.msk $0xffff, v33  }
0xd0: {  	v34 =	vadd.s32 v25, v35;
	v33 =	vld [tilespmem:s23+$0x80];
	_ =	sdelay $0x4  }
0xd1: {  	[tilespmem:v34+s15+$0x0] =	vst.idx.msk $0xffff, v33  }
0xd2: {  	v34 =	vadd.s32 v26, v35;
	v33 =	vld [tilespmem:s23+$0x90];
	_ =	sdelay $0x4  }
0xd3: {  	[tilespmem:v34+s15+$0x0] =	vst.idx.msk $0xffff, v33  }
0xd4: {  	v34 =	vadd.s32 v27, v35;
	v33 =	vld [tilespmem:s23+$0xA0];
	_ =	sdelay $0x4  }
0xd5: {  	[tilespmem:v34+s15+$0x0] =	vst.idx.msk $0xffff, v33  }
0xd6: {  	v34 =	vadd.s32 v28, v35;
	v33 =	vld [tilespmem:s23+$0xB0]  }
0xd7: {  	v35 =	vmov s24;
	s24 =	smov.u32 s25  }
0xd8: {  	v35 =	vshrl.u32 v35, $0x3  }
0xd9: {  	v35 =	vshll.u32 v35, v1  }
0xda: {  	v35 =	vbroadcast v35, $0x0  }
0xdb: {  	[tilespmem:v34+s15+$0x0] =	vst.idx.msk $0xffff, v33  }
0xdc: {  	v34 =	vadd.s32 v29, v35;
	v33 =	vld [tilespmem:s23+$0xC0];
	_ =	sdelay $0x4  }
0xdd: {  	[tilespmem:v34+s15+$0x0] =	vst.idx.msk $0xffff, v33  }
0xde: {  	v34 =	vadd.s32 v30, v35;
	v33 =	vld [tilespmem:s23+$0xD0];
	_ =	sdelay $0x4  }
0xdf: {  	[tilespmem:v34+s15+$0x0] =	vst.idx.msk $0xffff, v33  }
0xe0: {  	v34 =	vadd.s32 v31, v35;
	v33 =	vld [tilespmem:s23+$0xE0];
	_ =	sdelay $0x1  }
.Ltmp0:
0xe1: {  	(pc) =	sbr.rel @p2 .LBB2_3-.Ltmp0, $3  }
0xe2: {  	_ =	sdelay $0x1  }
0xe3: {  	[tilespmem:v34+s15+$0x0] =	vst.idx.msk $0xffff, v33  }
0xe4: {  	s25 =	sadd.s32 $0x8, s25;
	s26 =	sadd.s32 $0xFFFFFFF9, s24;
	v34 =	vadd.s32 v32, v35;
	v33 =	vld [tilespmem:s23+$0xF0]  }
0xe5: {  	v35 =	vmov s26  }
0xe6: {  	v35 =	vshrl.u32 v35, $0x3  }
0xe7: {  	v35 =	vshll.u32 v35, v1  }
0xe8: {  	v35 =	vbroadcast v35, $0x0  }
0xe9: {  	s23 =	sadd.s32 $0x200, s23;
	[tilespmem:v34+s15+$0x0] =	vst.idx.msk $0xffff, v33  }
0xea: {  	v33 =	vld [tilespmem:s23+$0xFFFFFF00];
	v53 =	vadd.s32 v0, v35;
	_ =	sdelay $0x4  }
0xeb: {  	[tilespmem:v53+s15+$0x0] =	vst.idx.msk $0xffff, v33  }
0xec: {  	v54 =	vadd.s32 v2, v35;
	v33 =	vld [tilespmem:s23+$0xFFFFFF10];
	_ =	sdelay $0x4  }
0xed: {  	[tilespmem:v54+s15+$0x0] =	vst.idx.msk $0xffff, v33  }
0xee: {  	v55 =	vadd.s32 v3, v35;
	v33 =	vld [tilespmem:s23+$0xFFFFFF20];
	_ =	sdelay $0x4  }
0xef: {  	[tilespmem:v55+s15+$0x0] =	vst.idx.msk $0xffff, v33  }
0xf0: {  	s25 =	sadd.s32 $0xFFFFFFFA, s24;
	v56 =	vadd.s32 v4, v35;
	v33 =	vld [tilespmem:s23+$0xFFFFFF30]  }
0xf1: {  	v57 =	vmov s25  }
0xf2: {  	v35 =	vshrl.u32 v57, $0x3  }
0xf3: {  	v35 =	vshll.u32 v35, v1  }
0xf4: {  	v35 =	vbroadcast v35, $0x0  }
0xf5: {  	[tilespmem:v56+s15+$0x0] =	vst.idx.msk $0xffff, v33  }
0xf6: {  	v58 =	vadd.s32 v5, v35;
	v33 =	vld [tilespmem:s23+$0xFFFFFF40];
	_ =	sdelay $0x4  }
0xf7: {  	[tilespmem:v58+s15+$0x0] =	vst.idx.msk $0xffff, v33  }
0xf8: {  	v59 =	vadd.s32 v6, v35;
	v33 =	vld [tilespmem:s23+$0xFFFFFF50];
	_ =	sdelay $0x4  }
0xf9: {  	[tilespmem:v59+s15+$0x0] =	vst.idx.msk $0xffff, v33  }
0xfa: {  	v60 =	vadd.s32 v7, v35;
	v33 =	vld [tilespmem:s23+$0xFFFFFF60];
	_ =	sdelay $0x4  }
0xfb: {  	[tilespmem:v60+s15+$0x0] =	vst.idx.msk $0xffff, v33  }
0xfc: {  	s31 =	sadd.s32 $0xFFFFFFFB, s24;
	v61 =	vadd.s32 v8, v35;
	v33 =	vld [tilespmem:s23+$0xFFFFFF70]  }
0xfd: {  	v62 =	vmov s31  }
0xfe: {  	v35 =	vshrl.u32 v62, $0x3  }
0xff: {  	v35 =	vshll.u32 v35, v1  }
0x100: {  	v35 =	vbroadcast v35, $0x0  }
0x101: {  	[tilespmem:v61+s15+$0x0] =	vst.idx.msk $0xffff, v33  }
0x102: {  	v63 =	vadd.s32 v9, v35;
	v33 =	vld [tilespmem:s23+$0xFFFFFF80];
	_ =	sdelay $0x4  }
0x103: {  	[tilespmem:v63+s15+$0x0] =	vst.idx.msk $0xffff, v33  }
0x104: {  	v36 =	vadd.s32 v10, v35;
	v33 =	vld [tilespmem:s23+$0xFFFFFF90];
	_ =	sdelay $0x4  }
0x105: {  	[tilespmem:v36+s15+$0x0] =	vst.idx.msk $0xffff, v33  }
0x106: {  	v37 =	vadd.s32 v11, v35;
	v33 =	vld [tilespmem:s23+$0xFFFFFFA0];
	_ =	sdelay $0x4  }
0x107: {  	[tilespmem:v37+s15+$0x0] =	vst.idx.msk $0xffff, v33  }
0x108: {  	s26 =	sadd.s32 $0xFFFFFFFC, s24;
	v38 =	vadd.s32 v12, v35;
	v33 =	vld [tilespmem:s23+$0xFFFFFFB0]  }
0x109: {  	v39 =	vmov s26  }
0x10a: {  	v35 =	vshrl.u32 v39, $0x3  }
0x10b: {  	v35 =	vshll.u32 v35, v1  }
0x10c: {  	v35 =	vbroadcast v35, $0x0  }
0x10d: {  	[tilespmem:v38+s15+$0x0] =	vst.idx.msk $0xffff, v33  }
0x10e: {  	v40 =	vadd.s32 v13, v35;
	v33 =	vld [tilespmem:s23+$0xFFFFFFC0];
	_ =	sdelay $0x4  }
0x10f: {  	[tilespmem:v40+s15+$0x0] =	vst.idx.msk $0xffff, v33  }
0x110: {  	v41 =	vadd.s32 v14, v35;
	v33 =	vld [tilespmem:s23+$0xFFFFFFD0];
	_ =	sdelay $0x4  }
0x111: {  	[tilespmem:v41+s15+$0x0] =	vst.idx.msk $0xffff, v33  }
0x112: {  	v42 =	vadd.s32 v15, v35;
	v33 =	vld [tilespmem:s23+$0xFFFFFFE0];
	_ =	sdelay $0x4  }
0x113: {  	[tilespmem:v42+s15+$0x0] =	vst.idx.msk $0xffff, v33  }
0x114: {  	s31 =	sadd.s32 $0xFFFFFFFD, s24;
	v43 =	vadd.s32 v16, v35;
	v33 =	vld [tilespmem:s23+$0xFFFFFFF0]  }
0x115: {  	v44 =	vmov s31  }
0x116: {  	v35 =	vshrl.u32 v44, $0x3  }
0x117: {  	v35 =	vshll.u32 v35, v1  }
0x118: {  	v35 =	vbroadcast v35, $0x0  }
0x119: {  	[tilespmem:v43+s15+$0x0] =	vst.idx.msk $0xffff, v33  }
0x11a: {  	v45 =	vadd.s32 v17, v35;
	v33 =	vld [tilespmem:s23+$0x0];
	_ =	sdelay $0x4  }
0x11b: {  	[tilespmem:v45+s15+$0x0] =	vst.idx.msk $0xffff, v33  }
0x11c: {  	v46 =	vadd.s32 v18, v35;
	v33 =	vld [tilespmem:s23+$0x10];
	_ =	sdelay $0x4  }
0x11d: {  	[tilespmem:v46+s15+$0x0] =	vst.idx.msk $0xffff, v33  }
0x11e: {  	v47 =	vadd.s32 v19, v35;
	v33 =	vld [tilespmem:s23+$0x20];
	_ =	sdelay $0x4  }
0x11f: {  	[tilespmem:v47+s15+$0x0] =	vst.idx.msk $0xffff, v33  }
0x120: {  	s26 =	sadd.s32 $0xFFFFFFFE, s24;
	v48 =	vadd.s32 v20, v35;
	v33 =	vld [tilespmem:s23+$0x30]  }
0x121: {  	v49 =	vmov s26  }
0x122: {  	v35 =	vshrl.u32 v49, $0x3  }
0x123: {  	v35 =	vshll.u32 v35, v1  }
0x124: {  	v35 =	vbroadcast v35, $0x0  }
0x125: {  	[tilespmem:v48+s15+$0x0] =	vst.idx.msk $0xffff, v33  }
0x126: {  	v50 =	vadd.s32 v21, v35;
	v33 =	vld [tilespmem:s23+$0x40];
	_ =	sdelay $0x4  }
0x127: {  	[tilespmem:v50+s15+$0x0] =	vst.idx.msk $0xffff, v33  }
0x128: {  	v51 =	vadd.s32 v22, v35;
	v33 =	vld [tilespmem:s23+$0x50];
	_ =	sdelay $0x4  }
0x129: {  	[tilespmem:v51+s15+$0x0] =	vst.idx.msk $0xffff, v33  }
0x12a: {  	v52 =	vadd.s32 v23, v35;
	v33 =	vld [tilespmem:s23+$0x60];
	_ =	sdelay $0x4  }
0x12b: {  	[tilespmem:v52+s15+$0x0] =	vst.idx.msk $0xffff, v33  }
0x12c: {  	s31 =	sadd.s32 $0xFFFFFFFF, s24;
	v53 =	vadd.s32 v24, v35;
	v33 =	vld [tilespmem:s23+$0x70]  }
0x12d: {  	v54 =	vmov s31  }
0x12e: {  	v35 =	vshrl.u32 v54, $0x3  }
0x12f: {  	v35 =	vshll.u32 v35, v1  }
0x130: {  	v35 =	vbroadcast v35, $0x0  }
0x131: {  	[tilespmem:v53+s15+$0x0] =	vst.idx.msk $0xffff, v33  }
0x132: {  	v55 =	vadd.s32 v25, v35;
	v33 =	vld [tilespmem:s23+$0x80];
	_ =	sdelay $0x4  }
0x133: {  	[tilespmem:v55+s15+$0x0] =	vst.idx.msk $0xffff, v33  }
0x134: {  	v56 =	vadd.s32 v26, v35;
	v33 =	vld [tilespmem:s23+$0x90];
	_ =	sdelay $0x4  }
0x135: {  	[tilespmem:v56+s15+$0x0] =	vst.idx.msk $0xffff, v33  }
0x136: {  	v57 =	vadd.s32 v27, v35;
	v33 =	vld [tilespmem:s23+$0xA0];
	_ =	sdelay $0x4  }
0x137: {  	[tilespmem:v57+s15+$0x0] =	vst.idx.msk $0xffff, v33  }
0x138: {  	v58 =	vadd.s32 v28, v35;
	v33 =	vld [tilespmem:s23+$0xB0]  }
0x139: {  	v59 =	vmov s24  }
0x13a: {  	v35 =	vshrl.u32 v59, $0x3  }
0x13b: {  	v35 =	vshll.u32 v35, v1  }
0x13c: {  	v35 =	vbroadcast v35, $0x0  }
0x13d: {  	[tilespmem:v58+s15+$0x0] =	vst.idx.msk $0xffff, v33  }
0x13e: {  	v60 =	vadd.s32 v29, v35;
	v33 =	vld [tilespmem:s23+$0xC0];
	_ =	sdelay $0x4  }
0x13f: {  	[tilespmem:v60+s15+$0x0] =	vst.idx.msk $0xffff, v33  }
0x140: {  	v61 =	vadd.s32 v30, v35;
	v33 =	vld [tilespmem:s23+$0xD0];
	_ =	sdelay $0x4  }
0x141: {  	[tilespmem:v61+s15+$0x0] =	vst.idx.msk $0xffff, v33  }
0x142: {  	v62 =	vadd.s32 v31, v35;
	v33 =	vld [tilespmem:s23+$0xE0];
	_ =	sdelay $0x4  }
0x143: {  	[tilespmem:v62+s15+$0x0] =	vst.idx.msk $0xffff, v33  }
0x144: {  	v63 =	vadd.s32 v32, v35;
	v33 =	vld [tilespmem:s23+$0xF0];
	_ =	sdelay $0x1  }
0x145: {  	s24 =	sshll.u32 s22, $0x7  }
0x146: {  	s25 =	sshll.u32 s22, $0xA;
	s23 =	sand.u32 $0x3F00, s24  }
0x147: {  	s24 =	sand.u32 $0xFFE0000, s25;
	s26 =	sadd.s32 s4, s23  }
0x148: {  	s31 =	simm.s32 $0x4100;
	s26 =	sadd.s32 s24, s26;
	[tilespmem:v63+s15+$0x0] =	vst.idx.msk $0xffff, v33  }
0x149: {  	[hbm4b:s26+s5] =	stream.linear.scatter [tilespmem:s31], [sflag:$0x5], $0x80, $0x38;
	[tilespmem:$0x8500] =	vst v63  }
0x14a: {  	s28 =	sadd.s32 $0x10, s26;
	s31 =	simm.s32 $0x4188  }
0x14b: {  	[hbm4b:s28+s5] =	stream.linear.scatter [tilespmem:s31], [sflag:$0x5], $0x80, $0x38;
	[tilespmem:$0x8500] =	vst v63  }
0x14c: {  	s31 =	simm.s32 $0x4210;
	s28 =	sadd.s32 $0x20, s26  }
0x14d: {  	[hbm4b:s28+s5] =	stream.linear.scatter [tilespmem:s31], [sflag:$0x5], $0x80, $0x38;
	[tilespmem:$0x8500] =	vst v63  }
0x14e: {  	s31 =	simm.s32 $0x4298;
	s28 =	sadd.s32 $0x30, s26  }
0x14f: {  	[hbm4b:s28+s5] =	stream.linear.scatter [tilespmem:s31], [sflag:$0x5], $0x80, $0x38;
	[tilespmem:$0x8500] =	vst v63  }
0x150: {  	s31 =	simm.s32 $0x4320;
	s28 =	sadd.s32 $0x40, s26  }
0x151: {  	[hbm4b:s28+s5] =	stream.linear.scatter [tilespmem:s31], [sflag:$0x5], $0x80, $0x38;
	[tilespmem:$0x8500] =	vst v63  }
0x152: {  	s29 =	simm.s32 $0x44B8;
	s31 =	simm.s32 $0x43A8;
	s28 =	sadd.s32 $0x50, s26  }
0x153: {  	[hbm4b:s28+s5] =	stream.linear.scatter [tilespmem:s31], [sflag:$0x5], $0x80, $0x38;
	[tilespmem:$0x8500] =	vst v63  }
0x154: {  	s25 =	simm.s32 $0x440;
	s31 =	simm.s32 $0x4430;
	s28 =	sadd.s32 $0x60, s26  }
0x155: {  	[hbm4b:s28+s5] =	stream.linear.scatter [tilespmem:s31], [sflag:$0x5], $0x80, $0x38;
	[tilespmem:$0x8500] =	vst v63  }
0x156: {  	s30 =	sadd.s32 $0x70, s26;
	s26 =	sadd.s32 $0x4000, s26;
	s28 =	simm.s32 $0x2200  }
.LBB2_5:
0x157: {  	[hbm4b:s30+s5] =	stream.linear.scatter [tilespmem:s29], [sflag:$0x5], $0x80, $0x38;
	[tilespmem:$0x8500] =	vst v63  }
0x158: {  	s29 =	smov.u32 s25;
	s25 =	smov.u32 s28  }
0x159: {  	s31 =	sadd.s32 $0x1100, s28;
	s25 =	sshra.s32 s25, $0x2;
	s30 =	sadd.s32 $0x4100, s29  }
0x15a: {  	[hbm4b:s26+s5] =	stream.linear.scatter [tilespmem:s30], [sflag:$0x5], $0x80, $0x38;
	[tilespmem:$0x8500] =	vst v63  }
0x15b: {  	p2 =	sne.s32 s28, $0x7700;
	s28 =	sadd.s32 $0x4188, s29;
	s30 =	sadd.s32 $0x10, s26  }
0x15c: {  	[hbm4b:s30+s5] =	stream.linear.scatter [tilespmem:s28], [sflag:$0x5], $0x80, $0x38;
	[tilespmem:$0x8500] =	vst v63  }
0x15d: {  	s28 =	sadd.s32 $0x4210, s29;
	s30 =	sadd.s32 $0x20, s26  }
0x15e: {  	[hbm4b:s30+s5] =	stream.linear.scatter [tilespmem:s28], [sflag:$0x5], $0x80, $0x38;
	[tilespmem:$0x8500] =	vst v63  }
0x15f: {  	s28 =	sadd.s32 $0x4298, s29;
	s30 =	sadd.s32 $0x30, s26  }
0x160: {  	[hbm4b:s30+s5] =	stream.linear.scatter [tilespmem:s28], [sflag:$0x5], $0x80, $0x38;
	[tilespmem:$0x8500] =	vst v63  }
0x161: {  	s28 =	sadd.s32 $0x4320, s29;
	s30 =	sadd.s32 $0x40, s26  }
0x162: {  	[hbm4b:s30+s5] =	stream.linear.scatter [tilespmem:s28], [sflag:$0x5], $0x80, $0x38;
	[tilespmem:$0x8500] =	vst v63  }
.Ltmp1:
0x163: {  	s28 =	sadd.s32 $0x43A8, s29;
	s30 =	sadd.s32 $0x50, s26;
	(pc) =	sbr.rel @p2 .LBB2_5-.Ltmp1, $4  }
0x164: {  	[hbm4b:s30+s5] =	stream.linear.scatter [tilespmem:s28], [sflag:$0x5], $0x80, $0x38;
	[tilespmem:$0x8500] =	vst v63  }
0x165: {  	s28 =	sadd.s32 $0x4430, s29;
	s30 =	sadd.s32 $0x60, s26;
	s29 =	sadd.s32 $0x44B8, s29  }
0x166: {  	[hbm4b:s30+s5] =	stream.linear.scatter [tilespmem:s28], [sflag:$0x5], $0x80, $0x38;
	[tilespmem:$0x8500] =	vst v63  }
0x167: {  	s30 =	sadd.s32 $0x70, s26;
	s26 =	sadd.s32 $0x4000, s26;
	s28 =	smov.u32 s31  }
0x168: {  	[hbm4b:s30+s5] =	stream.linear.scatter [tilespmem:s29], [sflag:$0x5], $0x80, $0x38;
	[tilespmem:$0x8500] =	vst v63  }
0x169: {  	s28 =	sadd.s32 $0x4100, s25  }
0x16a: {  	[hbm4b:s26+s5] =	stream.linear.scatter [tilespmem:s28], [sflag:$0x5], $0x80, $0x38;
	[tilespmem:$0x8500] =	vst v63  }
0x16b: {  	s30 =	sadd.s32 $0x10, s26;
	s28 =	sadd.s32 $0x4188, s25  }
0x16c: {  	[hbm4b:s30+s5] =	stream.linear.scatter [tilespmem:s28], [sflag:$0x5], $0x80, $0x38;
	[tilespmem:$0x8500] =	vst v63  }
0x16d: {  	s31 =	sadd.s32 $0x20, s26;
	s28 =	sadd.s32 $0x4210, s25  }
0x16e: {  	[hbm4b:s31+s5] =	stream.linear.scatter [tilespmem:s28], [sflag:$0x5], $0x80, $0x38;
	[tilespmem:$0x8500] =	vst v63  }
0x16f: {  	s30 =	sadd.s32 $0x30, s26;
	s28 =	sadd.s32 $0x4298, s25  }
0x170: {  	[hbm4b:s30+s5] =	stream.linear.scatter [tilespmem:s28], [sflag:$0x5], $0x80, $0x38;
	[tilespmem:$0x8500] =	vst v63  }
0x171: {  	s31 =	sadd.s32 $0x40, s26;
	s28 =	sadd.s32 $0x4320, s25  }
0x172: {  	[hbm4b:s31+s5] =	stream.linear.scatter [tilespmem:s28], [sflag:$0x5], $0x80, $0x38;
	[tilespmem:$0x8500] =	vst v63  }
0x173: {  	s30 =	sadd.s32 $0x50, s26;
	s28 =	sadd.s32 $0x43A8, s25  }
0x174: {  	[hbm4b:s30+s5] =	stream.linear.scatter [tilespmem:s28], [sflag:$0x5], $0x80, $0x38;
	[tilespmem:$0x8500] =	vst v63  }
0x175: {  	s31 =	sadd.s32 $0x60, s26;
	s28 =	sadd.s32 $0x4430, s25  }
0x176: {  	[hbm4b:s31+s5] =	stream.linear.scatter [tilespmem:s28], [sflag:$0x5], $0x80, $0x38;
	[tilespmem:$0x8500] =	vst v63  }
0x177: {  	s29 =	sadd.s32 $0x44B8, s25;
	s30 =	sadd.s32 $0x70, s26;
	s25 =	simm.s32 @!p0 $0x1  }
0x178: {  	[hbm4b:s30+s5] =	stream.linear.scatter [tilespmem:s29], [sflag:$0x5], $0x80, $0x38;
	[tilespmem:$0x8500] =	vst v63  }
0x179: {  	s22 =	sadd.s32 @!p0 $0x3, s22;
	s26 =	simm.s32 @!p0 $0x0;
	_ =	swait.ge @!p0 [sflag:s25], $0x80  }
0x17a: {  	s28 =	simm.s32 @!p0 $0x100;
	s31 =	simm.s32 $0x0;
	[sflag:s25] =	ssyncset.done @!p0 $0x0  }
0x17b: {  	s29 =	sshll.u32 @!p0 s22, $0xA;
	[sflag:s25] =	ssyncadd.s32 @!p0 $0xFFFFFF80;
	s25 =	simm.s32 @!p0 $0x80  }
0x17c: {  	[tilespmem:s28], [sflag:$0x3] =	stream.indirect.gather @!p0 [hbm4b:s7+s25], $0x40, s26, s25, $0xb8;
	[tilespmem:$0x8500] =	vst v63  }
0x17d: {  	s30 =	sshll.u32 @!p0 s22, $0x7;
	s22 =	sand.u32 @!p0 $0x380, s22;
	_ =	swait.ge [sflag:s16], $0x2000  }
0x17e: {  	s29 =	sand.u32 @!p0 $0x1FC00, s29;
	s30 =	sand.u32 @!p0 $0x7FFE0000, s30;
	[sflag:s16] =	ssyncset.done $0x0  }
0x17f: {  	s22 =	sor.u32 @!p0 s22, s29;
	s28 =	simm.s32 @!p1 $0x6;
	[sflag:s16] =	ssyncadd.s32 $0xFFFFE000  }
0x180: {  	v33 =	vmov s31;
	s22 =	sor.u32 @!p0 s30, s22;
	_ =	swait.ge @!p1 [sflag:s28], $0x2000  }
0x181: {  	v33 =	vshrl.u32 v33, $0x3;
	s22 =	sshrl.u32 @!p0 s22, $0x3;
	[sflag:s28] =	ssyncset.done @!p1 $0x0  }
0x182: {  	v33 =	vshll.u32 v33, v1;
	s22 =	sadd.s32 @!p0 s1, s22;
	[sflag:s28] =	ssyncadd.s32 @!p1 $0xFFFFE000  }
0x183: {  	v33 =	vbroadcast v33, $0x0;
	[tilespmem:s25], [sflag:$0x2] =	stream.linear.gather @!p0 [hbm4b:s22+s26], $0x80, $0x38;
	[tilespmem:$0x8500] =	vst v63  }
0x184: {  	s22 =	simm.s32 $0x22F0  }
0x185: {  	v35 =	vadd.s32 v0, v33;
	v34 =	vld [tilespmem:s22+$0xFFFFFE10];
	_ =	sdelay $0x4  }
0x186: {  	[tilespmem:v35+s17+$0x0] =	vst.idx.msk $0xffff, v34  }
0x187: {  	v56 =	vadd.s32 v2, v33;
	v34 =	vld [tilespmem:s22+$0xFFFFFE20];
	_ =	sdelay $0x4  }
0x188: {  	[tilespmem:v56+s17+$0x0] =	vst.idx.msk $0xffff, v34  }
0x189: {  	v57 =	vadd.s32 v3, v33;
	v34 =	vld [tilespmem:s22+$0xFFFFFE30];
	_ =	sdelay $0x4  }
0x18a: {  	[tilespmem:v57+s17+$0x0] =	vst.idx.msk $0xffff, v34  }
0x18b: {  	s29 =	simm.s32 $0x1;
	v33 =	vadd.s32 v4, v33;
	v34 =	vld [tilespmem:s22+$0xFFFFFE40]  }
0x18c: {  	v58 =	vmov s29  }
0x18d: {  	v35 =	vshrl.u32 v58, $0x3  }
0x18e: {  	v35 =	vshll.u32 v35, v1  }
0x18f: {  	v35 =	vbroadcast v35, $0x0  }
0x190: {  	[tilespmem:v33+s17+$0x0] =	vst.idx.msk $0xffff, v34  }
0x191: {  	v59 =	vadd.s32 v5, v35;
	v33 =	vld [tilespmem:s22+$0xFFFFFE50];
	_ =	sdelay $0x4  }
0x192: {  	[tilespmem:v59+s17+$0x0] =	vst.idx.msk $0xffff, v33  }
0x193: {  	v60 =	vadd.s32 v6, v35;
	v33 =	vld [tilespmem:s22+$0xFFFFFE60];
	_ =	sdelay $0x4  }
0x194: {  	[tilespmem:v60+s17+$0x0] =	vst.idx.msk $0xffff, v33  }
0x195: {  	v61 =	vadd.s32 v7, v35;
	v33 =	vld [tilespmem:s22+$0xFFFFFE70];
	_ =	sdelay $0x4  }
0x196: {  	[tilespmem:v61+s17+$0x0] =	vst.idx.msk $0xffff, v33  }
0x197: {  	s30 =	simm.s32 $0x2;
	v62 =	vadd.s32 v8, v35;
	v33 =	vld [tilespmem:s22+$0xFFFFFE80]  }
0x198: {  	v63 =	vmov s30  }
0x199: {  	v35 =	vshrl.u32 v63, $0x3  }
0x19a: {  	v35 =	vshll.u32 v35, v1  }
0x19b: {  	v35 =	vbroadcast v35, $0x0  }
0x19c: {  	[tilespmem:v62+s17+$0x0] =	vst.idx.msk $0xffff, v33  }
0x19d: {  	v36 =	vadd.s32 v9, v35;
	v33 =	vld [tilespmem:s22+$0xFFFFFE90];
	_ =	sdelay $0x4  }
0x19e: {  	[tilespmem:v36+s17+$0x0] =	vst.idx.msk $0xffff, v33  }
0x19f: {  	v37 =	vadd.s32 v10, v35;
	v33 =	vld [tilespmem:s22+$0xFFFFFEA0];
	_ =	sdelay $0x4  }
0x1a0: {  	[tilespmem:v37+s17+$0x0] =	vst.idx.msk $0xffff, v33  }
0x1a1: {  	v38 =	vadd.s32 v11, v35;
	v33 =	vld [tilespmem:s22+$0xFFFFFEB0];
	_ =	sdelay $0x4  }
0x1a2: {  	[tilespmem:v38+s17+$0x0] =	vst.idx.msk $0xffff, v33  }
0x1a3: {  	s31 =	simm.s32 $0x3;
	v39 =	vadd.s32 v12, v35;
	v33 =	vld [tilespmem:s22+$0xFFFFFEC0]  }
0x1a4: {  	v40 =	vmov s31  }
0x1a5: {  	v35 =	vshrl.u32 v40, $0x3  }
0x1a6: {  	v35 =	vshll.u32 v35, v1  }
0x1a7: {  	v35 =	vbroadcast v35, $0x0  }
0x1a8: {  	[tilespmem:v39+s17+$0x0] =	vst.idx.msk $0xffff, v33  }
0x1a9: {  	v41 =	vadd.s32 v13, v35;
	v33 =	vld [tilespmem:s22+$0xFFFFFED0];
	_ =	sdelay $0x4  }
0x1aa: {  	[tilespmem:v41+s17+$0x0] =	vst.idx.msk $0xffff, v33  }
0x1ab: {  	v42 =	vadd.s32 v14, v35;
	v33 =	vld [tilespmem:s22+$0xFFFFFEE0];
	_ =	sdelay $0x4  }
0x1ac: {  	[tilespmem:v42+s17+$0x0] =	vst.idx.msk $0xffff, v33  }
0x1ad: {  	v43 =	vadd.s32 v15, v35;
	v33 =	vld [tilespmem:s22+$0xFFFFFEF0];
	_ =	sdelay $0x4  }
0x1ae: {  	[tilespmem:v43+s17+$0x0] =	vst.idx.msk $0xffff, v33  }
0x1af: {  	s26 =	simm.s32 $0x4;
	v44 =	vadd.s32 v16, v35;
	v33 =	vld [tilespmem:s22+$0xFFFFFF00]  }
0x1b0: {  	v45 =	vmov s26  }
0x1b1: {  	v35 =	vshrl.u32 v45, $0x3  }
0x1b2: {  	v35 =	vshll.u32 v35, v1  }
0x1b3: {  	v35 =	vbroadcast v35, $0x0  }
0x1b4: {  	[tilespmem:v44+s17+$0x0] =	vst.idx.msk $0xffff, v33  }
0x1b5: {  	v46 =	vadd.s32 v17, v35;
	v33 =	vld [tilespmem:s22+$0xFFFFFF10];
	_ =	sdelay $0x4  }
0x1b6: {  	[tilespmem:v46+s17+$0x0] =	vst.idx.msk $0xffff, v33  }
0x1b7: {  	v47 =	vadd.s32 v18, v35;
	v33 =	vld [tilespmem:s22+$0xFFFFFF20];
	_ =	sdelay $0x4  }
0x1b8: {  	[tilespmem:v47+s17+$0x0] =	vst.idx.msk $0xffff, v33  }
0x1b9: {  	v48 =	vadd.s32 v19, v35;
	v33 =	vld [tilespmem:s22+$0xFFFFFF30];
	_ =	sdelay $0x4  }
0x1ba: {  	[tilespmem:v48+s17+$0x0] =	vst.idx.msk $0xffff, v33  }
0x1bb: {  	s29 =	simm.s32 $0x5;
	v49 =	vadd.s32 v20, v35;
	v33 =	vld [tilespmem:s22+$0xFFFFFF40]  }
0x1bc: {  	v50 =	vmov s29  }
0x1bd: {  	v35 =	vshrl.u32 v50, $0x3  }
0x1be: {  	v35 =	vshll.u32 v35, v1  }
0x1bf: {  	v35 =	vbroadcast v35, $0x0  }
0x1c0: {  	[tilespmem:v49+s17+$0x0] =	vst.idx.msk $0xffff, v33  }
0x1c1: {  	v51 =	vadd.s32 v21, v35;
	v33 =	vld [tilespmem:s22+$0xFFFFFF50];
	_ =	sdelay $0x4  }
0x1c2: {  	[tilespmem:v51+s17+$0x0] =	vst.idx.msk $0xffff, v33  }
0x1c3: {  	v52 =	vadd.s32 v22, v35;
	v33 =	vld [tilespmem:s22+$0xFFFFFF60];
	_ =	sdelay $0x4  }
0x1c4: {  	[tilespmem:v52+s17+$0x0] =	vst.idx.msk $0xffff, v33  }
0x1c5: {  	v53 =	vadd.s32 v23, v35;
	v33 =	vld [tilespmem:s22+$0xFFFFFF70];
	_ =	sdelay $0x4  }
0x1c6: {  	[tilespmem:v53+s17+$0x0] =	vst.idx.msk $0xffff, v33  }
0x1c7: {  	s30 =	simm.s32 $0x6;
	v54 =	vadd.s32 v24, v35;
	v33 =	vld [tilespmem:s22+$0xFFFFFF80]  }
0x1c8: {  	v55 =	vmov s30  }
0x1c9: {  	v35 =	vshrl.u32 v55, $0x3  }
0x1ca: {  	v35 =	vshll.u32 v35, v1  }
0x1cb: {  	v35 =	vbroadcast v35, $0x0  }
0x1cc: {  	[tilespmem:v54+s17+$0x0] =	vst.idx.msk $0xffff, v33  }
0x1cd: {  	v56 =	vadd.s32 v25, v35;
	v33 =	vld [tilespmem:s22+$0xFFFFFF90];
	_ =	sdelay $0x4  }
0x1ce: {  	[tilespmem:v56+s17+$0x0] =	vst.idx.msk $0xffff, v33  }
0x1cf: {  	v57 =	vadd.s32 v26, v35;
	v33 =	vld [tilespmem:s22+$0xFFFFFFA0];
	_ =	sdelay $0x4  }
0x1d0: {  	[tilespmem:v57+s17+$0x0] =	vst.idx.msk $0xffff, v33  }
0x1d1: {  	v58 =	vadd.s32 v27, v35;
	v33 =	vld [tilespmem:s22+$0xFFFFFFB0];
	_ =	sdelay $0x4  }
0x1d2: {  	[tilespmem:v58+s17+$0x0] =	vst.idx.msk $0xffff, v33  }
0x1d3: {  	s31 =	simm.s32 $0x7;
	v59 =	vadd.s32 v28, v35;
	v33 =	vld [tilespmem:s22+$0xFFFFFFC0]  }
0x1d4: {  	v60 =	vmov s31  }
0x1d5: {  	v35 =	vshrl.u32 v60, $0x3  }
0x1d6: {  	v35 =	vshll.u32 v35, v1  }
0x1d7: {  	v35 =	vbroadcast v35, $0x0  }
0x1d8: {  	[tilespmem:v59+s17+$0x0] =	vst.idx.msk $0xffff, v33  }
0x1d9: {  	v61 =	vadd.s32 v29, v35;
	v33 =	vld [tilespmem:s22+$0xFFFFFFD0];
	_ =	sdelay $0x4  }
0x1da: {  	[tilespmem:v61+s17+$0x0] =	vst.idx.msk $0xffff, v33  }
0x1db: {  	v62 =	vadd.s32 v30, v35;
	v33 =	vld [tilespmem:s22+$0xFFFFFFE0];
	_ =	sdelay $0x4  }
0x1dc: {  	[tilespmem:v62+s17+$0x0] =	vst.idx.msk $0xffff, v33  }
0x1dd: {  	v63 =	vadd.s32 v31, v35;
	v33 =	vld [tilespmem:s22+$0xFFFFFFF0];
	_ =	sdelay $0x4  }
0x1de: {  	[tilespmem:v63+s17+$0x0] =	vst.idx.msk $0xffff, v33  }
0x1df: {  	s28 =	simm.s32 $0x8;
	s25 =	simm.s32 $0xF;
	s26 =	simm.s32 $0x17;
	v34 =	vadd.s32 v32, v35;
	v33 =	vld [tilespmem:s22+$0x0]  }
.LBB2_7:
0x1e0: {  	p1 =	sne.s32 s26, $0x7F;
	v35 =	vmov s28  }
0x1e1: {  	v35 =	vshrl.u32 v35, $0x3  }
0x1e2: {  	v35 =	vshll.u32 v35, v1  }
0x1e3: {  	v35 =	vbroadcast v35, $0x0  }
0x1e4: {  	s22 =	sadd.s32 $0x200, s22;
	[tilespmem:v34+s17+$0x0] =	vst.idx.msk $0xffff, v33  }
0x1e5: {  	v33 =	vld [tilespmem:s22+$0xFFFFFE10];
	v34 =	vadd.s32 v0, v35;
	_ =	sdelay $0x4  }
0x1e6: {  	[tilespmem:v34+s17+$0x0] =	vst.idx.msk $0xffff, v33  }
0x1e7: {  	v34 =	vadd.s32 v2, v35;
	v33 =	vld [tilespmem:s22+$0xFFFFFE20];
	_ =	sdelay $0x4  }
0x1e8: {  	[tilespmem:v34+s17+$0x0] =	vst.idx.msk $0xffff, v33  }
0x1e9: {  	v34 =	vadd.s32 v3, v35;
	v33 =	vld [tilespmem:s22+$0xFFFFFE30];
	_ =	sdelay $0x4  }
0x1ea: {  	[tilespmem:v34+s17+$0x0] =	vst.idx.msk $0xffff, v33  }
0x1eb: {  	s28 =	sadd.s32 $0xFFFFFFFA, s25;
	v34 =	vadd.s32 v4, v35;
	v33 =	vld [tilespmem:s22+$0xFFFFFE40]  }
0x1ec: {  	v35 =	vmov s28  }
0x1ed: {  	v35 =	vshrl.u32 v35, $0x3  }
0x1ee: {  	v35 =	vshll.u32 v35, v1  }
0x1ef: {  	v35 =	vbroadcast v35, $0x0  }
0x1f0: {  	[tilespmem:v34+s17+$0x0] =	vst.idx.msk $0xffff, v33  }
0x1f1: {  	v34 =	vadd.s32 v5, v35;
	v33 =	vld [tilespmem:s22+$0xFFFFFE50];
	_ =	sdelay $0x4  }
0x1f2: {  	[tilespmem:v34+s17+$0x0] =	vst.idx.msk $0xffff, v33  }
0x1f3: {  	v34 =	vadd.s32 v6, v35;
	v33 =	vld [tilespmem:s22+$0xFFFFFE60];
	_ =	sdelay $0x4  }
0x1f4: {  	[tilespmem:v34+s17+$0x0] =	vst.idx.msk $0xffff, v33  }
0x1f5: {  	v34 =	vadd.s32 v7, v35;
	v33 =	vld [tilespmem:s22+$0xFFFFFE70];
	_ =	sdelay $0x4  }
0x1f6: {  	[tilespmem:v34+s17+$0x0] =	vst.idx.msk $0xffff, v33  }
0x1f7: {  	s28 =	sadd.s32 $0xFFFFFFFB, s25;
	v34 =	vadd.s32 v8, v35;
	v33 =	vld [tilespmem:s22+$0xFFFFFE80]  }
0x1f8: {  	v35 =	vmov s28  }
0x1f9: {  	v35 =	vshrl.u32 v35, $0x3  }
0x1fa: {  	v35 =	vshll.u32 v35, v1  }
0x1fb: {  	v35 =	vbroadcast v35, $0x0  }
0x1fc: {  	[tilespmem:v34+s17+$0x0] =	vst.idx.msk $0xffff, v33  }
0x1fd: {  	v34 =	vadd.s32 v9, v35;
	v33 =	vld [tilespmem:s22+$0xFFFFFE90];
	_ =	sdelay $0x4  }
0x1fe: {  	[tilespmem:v34+s17+$0x0] =	vst.idx.msk $0xffff, v33  }
0x1ff: {  	v34 =	vadd.s32 v10, v35;
	v33 =	vld [tilespmem:s22+$0xFFFFFEA0];
	_ =	sdelay $0x4  }
0x200: {  	[tilespmem:v34+s17+$0x0] =	vst.idx.msk $0xffff, v33  }
0x201: {  	v34 =	vadd.s32 v11, v35;
	v33 =	vld [tilespmem:s22+$0xFFFFFEB0];
	_ =	sdelay $0x4  }
0x202: {  	[tilespmem:v34+s17+$0x0] =	vst.idx.msk $0xffff, v33  }
0x203: {  	s28 =	sadd.s32 $0xFFFFFFFC, s25;
	v34 =	vadd.s32 v12, v35;
	v33 =	vld [tilespmem:s22+$0xFFFFFEC0]  }
0x204: {  	v35 =	vmov s28  }
0x205: {  	v35 =	vshrl.u32 v35, $0x3  }
0x206: {  	v35 =	vshll.u32 v35, v1  }
0x207: {  	v35 =	vbroadcast v35, $0x0  }
0x208: {  	[tilespmem:v34+s17+$0x0] =	vst.idx.msk $0xffff, v33  }
0x209: {  	v34 =	vadd.s32 v13, v35;
	v33 =	vld [tilespmem:s22+$0xFFFFFED0];
	_ =	sdelay $0x4  }
0x20a: {  	[tilespmem:v34+s17+$0x0] =	vst.idx.msk $0xffff, v33  }
0x20b: {  	v34 =	vadd.s32 v14, v35;
	v33 =	vld [tilespmem:s22+$0xFFFFFEE0];
	_ =	sdelay $0x4  }
0x20c: {  	[tilespmem:v34+s17+$0x0] =	vst.idx.msk $0xffff, v33  }
0x20d: {  	v34 =	vadd.s32 v15, v35;
	v33 =	vld [tilespmem:s22+$0xFFFFFEF0];
	_ =	sdelay $0x4  }
0x20e: {  	[tilespmem:v34+s17+$0x0] =	vst.idx.msk $0xffff, v33  }
0x20f: {  	s28 =	sadd.s32 $0xFFFFFFFD, s25;
	v34 =	vadd.s32 v16, v35;
	v33 =	vld [tilespmem:s22+$0xFFFFFF00]  }
0x210: {  	v35 =	vmov s28  }
0x211: {  	v35 =	vshrl.u32 v35, $0x3  }
0x212: {  	v35 =	vshll.u32 v35, v1  }
0x213: {  	v35 =	vbroadcast v35, $0x0  }
0x214: {  	[tilespmem:v34+s17+$0x0] =	vst.idx.msk $0xffff, v33  }
0x215: {  	v34 =	vadd.s32 v17, v35;
	v33 =	vld [tilespmem:s22+$0xFFFFFF10];
	_ =	sdelay $0x4  }
0x216: {  	[tilespmem:v34+s17+$0x0] =	vst.idx.msk $0xffff, v33  }
0x217: {  	v34 =	vadd.s32 v18, v35;
	v33 =	vld [tilespmem:s22+$0xFFFFFF20];
	_ =	sdelay $0x4  }
0x218: {  	[tilespmem:v34+s17+$0x0] =	vst.idx.msk $0xffff, v33  }
0x219: {  	v34 =	vadd.s32 v19, v35;
	v33 =	vld [tilespmem:s22+$0xFFFFFF30];
	_ =	sdelay $0x4  }
0x21a: {  	[tilespmem:v34+s17+$0x0] =	vst.idx.msk $0xffff, v33  }
0x21b: {  	s28 =	sadd.s32 $0xFFFFFFFE, s25;
	v34 =	vadd.s32 v20, v35;
	v33 =	vld [tilespmem:s22+$0xFFFFFF40]  }
0x21c: {  	v35 =	vmov s28  }
0x21d: {  	v35 =	vshrl.u32 v35, $0x3  }
0x21e: {  	v35 =	vshll.u32 v35, v1  }
0x21f: {  	v35 =	vbroadcast v35, $0x0  }
0x220: {  	[tilespmem:v34+s17+$0x0] =	vst.idx.msk $0xffff, v33  }
0x221: {  	v34 =	vadd.s32 v21, v35;
	v33 =	vld [tilespmem:s22+$0xFFFFFF50];
	_ =	sdelay $0x4  }
0x222: {  	[tilespmem:v34+s17+$0x0] =	vst.idx.msk $0xffff, v33  }
0x223: {  	v34 =	vadd.s32 v22, v35;
	v33 =	vld [tilespmem:s22+$0xFFFFFF60];
	_ =	sdelay $0x4  }
0x224: {  	[tilespmem:v34+s17+$0x0] =	vst.idx.msk $0xffff, v33  }
0x225: {  	v34 =	vadd.s32 v23, v35;
	v33 =	vld [tilespmem:s22+$0xFFFFFF70];
	_ =	sdelay $0x4  }
0x226: {  	[tilespmem:v34+s17+$0x0] =	vst.idx.msk $0xffff, v33  }
0x227: {  	s28 =	sadd.s32 $0xFFFFFFFF, s25;
	v34 =	vadd.s32 v24, v35;
	v33 =	vld [tilespmem:s22+$0xFFFFFF80]  }
0x228: {  	v35 =	vmov s28  }
0x229: {  	v35 =	vshrl.u32 v35, $0x3  }
0x22a: {  	v35 =	vshll.u32 v35, v1  }
0x22b: {  	v35 =	vbroadcast v35, $0x0  }
0x22c: {  	[tilespmem:v34+s17+$0x0] =	vst.idx.msk $0xffff, v33  }
0x22d: {  	v34 =	vadd.s32 v25, v35;
	v33 =	vld [tilespmem:s22+$0xFFFFFF90];
	_ =	sdelay $0x4  }
0x22e: {  	[tilespmem:v34+s17+$0x0] =	vst.idx.msk $0xffff, v33  }
0x22f: {  	v34 =	vadd.s32 v26, v35;
	v33 =	vld [tilespmem:s22+$0xFFFFFFA0];
	_ =	sdelay $0x4  }
0x230: {  	[tilespmem:v34+s17+$0x0] =	vst.idx.msk $0xffff, v33  }
0x231: {  	v34 =	vadd.s32 v27, v35;
	v33 =	vld [tilespmem:s22+$0xFFFFFFB0];
	_ =	sdelay $0x4  }
0x232: {  	[tilespmem:v34+s17+$0x0] =	vst.idx.msk $0xffff, v33  }
0x233: {  	v34 =	vadd.s32 v28, v35;
	v33 =	vld [tilespmem:s22+$0xFFFFFFC0]  }
0x234: {  	v35 =	vmov s25;
	s25 =	smov.u32 s26  }
0x235: {  	v35 =	vshrl.u32 v35, $0x3  }
0x236: {  	v35 =	vshll.u32 v35, v1  }
0x237: {  	v35 =	vbroadcast v35, $0x0  }
0x238: {  	[tilespmem:v34+s17+$0x0] =	vst.idx.msk $0xffff, v33  }
0x239: {  	v34 =	vadd.s32 v29, v35;
	v33 =	vld [tilespmem:s22+$0xFFFFFFD0];
	_ =	sdelay $0x4  }
0x23a: {  	[tilespmem:v34+s17+$0x0] =	vst.idx.msk $0xffff, v33  }
0x23b: {  	v34 =	vadd.s32 v30, v35;
	v33 =	vld [tilespmem:s22+$0xFFFFFFE0];
	_ =	sdelay $0x4  }
0x23c: {  	[tilespmem:v34+s17+$0x0] =	vst.idx.msk $0xffff, v33  }
0x23d: {  	v34 =	vadd.s32 v31, v35;
	v33 =	vld [tilespmem:s22+$0xFFFFFFF0];
	_ =	sdelay $0x1  }
.Ltmp2:
0x23e: {  	(pc) =	sbr.rel @p1 .LBB2_7-.Ltmp2, $3  }
0x23f: {  	_ =	sdelay $0x1  }
0x240: {  	[tilespmem:v34+s17+$0x0] =	vst.idx.msk $0xffff, v33  }
0x241: {  	s26 =	sadd.s32 $0x8, s26;
	s28 =	sadd.s32 $0xFFFFFFF9, s25;
	v34 =	vadd.s32 v32, v35;
	v33 =	vld [tilespmem:s22+$0x0]  }
0x242: {  	v35 =	vmov s28  }
0x243: {  	v35 =	vshrl.u32 v35, $0x3  }
0x244: {  	v35 =	vshll.u32 v35, v1  }
0x245: {  	v35 =	vbroadcast v35, $0x0  }
0x246: {  	s22 =	sadd.s32 $0x200, s22;
	[tilespmem:v34+s17+$0x0] =	vst.idx.msk $0xffff, v33  }
0x247: {  	v33 =	vld [tilespmem:s22+$0xFFFFFE10];
	v53 =	vadd.s32 v0, v35;
	_ =	sdelay $0x4  }
0x248: {  	[tilespmem:v53+s17+$0x0] =	vst.idx.msk $0xffff, v33  }
0x249: {  	v54 =	vadd.s32 v2, v35;
	v33 =	vld [tilespmem:s22+$0xFFFFFE20];
	_ =	sdelay $0x4  }
0x24a: {  	[tilespmem:v54+s17+$0x0] =	vst.idx.msk $0xffff, v33  }
0x24b: {  	v55 =	vadd.s32 v3, v35;
	v33 =	vld [tilespmem:s22+$0xFFFFFE30];
	_ =	sdelay $0x4  }
0x24c: {  	[tilespmem:v55+s17+$0x0] =	vst.idx.msk $0xffff, v33  }
0x24d: {  	s26 =	sadd.s32 $0xFFFFFFFA, s25;
	v56 =	vadd.s32 v4, v35;
	v33 =	vld [tilespmem:s22+$0xFFFFFE40]  }
0x24e: {  	v57 =	vmov s26  }
0x24f: {  	v35 =	vshrl.u32 v57, $0x3  }
0x250: {  	v35 =	vshll.u32 v35, v1  }
0x251: {  	v35 =	vbroadcast v35, $0x0  }
0x252: {  	[tilespmem:v56+s17+$0x0] =	vst.idx.msk $0xffff, v33  }
0x253: {  	v58 =	vadd.s32 v5, v35;
	v33 =	vld [tilespmem:s22+$0xFFFFFE50];
	_ =	sdelay $0x4  }
0x254: {  	[tilespmem:v58+s17+$0x0] =	vst.idx.msk $0xffff, v33  }
0x255: {  	v59 =	vadd.s32 v6, v35;
	v33 =	vld [tilespmem:s22+$0xFFFFFE60];
	_ =	sdelay $0x4  }
0x256: {  	[tilespmem:v59+s17+$0x0] =	vst.idx.msk $0xffff, v33  }
0x257: {  	v60 =	vadd.s32 v7, v35;
	v33 =	vld [tilespmem:s22+$0xFFFFFE70];
	_ =	sdelay $0x4  }
0x258: {  	[tilespmem:v60+s17+$0x0] =	vst.idx.msk $0xffff, v33  }
0x259: {  	s30 =	sadd.s32 $0xFFFFFFFB, s25;
	v61 =	vadd.s32 v8, v35;
	v33 =	vld [tilespmem:s22+$0xFFFFFE80]  }
0x25a: {  	v62 =	vmov s30  }
0x25b: {  	v35 =	vshrl.u32 v62, $0x3  }
0x25c: {  	v35 =	vshll.u32 v35, v1  }
0x25d: {  	v35 =	vbroadcast v35, $0x0  }
0x25e: {  	[tilespmem:v61+s17+$0x0] =	vst.idx.msk $0xffff, v33  }
0x25f: {  	v63 =	vadd.s32 v9, v35;
	v33 =	vld [tilespmem:s22+$0xFFFFFE90];
	_ =	sdelay $0x4  }
0x260: {  	[tilespmem:v63+s17+$0x0] =	vst.idx.msk $0xffff, v33  }
0x261: {  	v36 =	vadd.s32 v10, v35;
	v33 =	vld [tilespmem:s22+$0xFFFFFEA0];
	_ =	sdelay $0x4  }
0x262: {  	[tilespmem:v36+s17+$0x0] =	vst.idx.msk $0xffff, v33  }
0x263: {  	v37 =	vadd.s32 v11, v35;
	v33 =	vld [tilespmem:s22+$0xFFFFFEB0];
	_ =	sdelay $0x4  }
0x264: {  	[tilespmem:v37+s17+$0x0] =	vst.idx.msk $0xffff, v33  }
0x265: {  	s31 =	sadd.s32 $0xFFFFFFFC, s25;
	v38 =	vadd.s32 v12, v35;
	v33 =	vld [tilespmem:s22+$0xFFFFFEC0]  }
0x266: {  	v39 =	vmov s31  }
0x267: {  	v35 =	vshrl.u32 v39, $0x3  }
0x268: {  	v35 =	vshll.u32 v35, v1  }
0x269: {  	v35 =	vbroadcast v35, $0x0  }
0x26a: {  	[tilespmem:v38+s17+$0x0] =	vst.idx.msk $0xffff, v33  }
0x26b: {  	v40 =	vadd.s32 v13, v35;
	v33 =	vld [tilespmem:s22+$0xFFFFFED0];
	_ =	sdelay $0x4  }
0x26c: {  	[tilespmem:v40+s17+$0x0] =	vst.idx.msk $0xffff, v33  }
0x26d: {  	v41 =	vadd.s32 v14, v35;
	v33 =	vld [tilespmem:s22+$0xFFFFFEE0];
	_ =	sdelay $0x4  }
0x26e: {  	[tilespmem:v41+s17+$0x0] =	vst.idx.msk $0xffff, v33  }
0x26f: {  	v42 =	vadd.s32 v15, v35;
	v33 =	vld [tilespmem:s22+$0xFFFFFEF0];
	_ =	sdelay $0x4  }
0x270: {  	[tilespmem:v42+s17+$0x0] =	vst.idx.msk $0xffff, v33  }
0x271: {  	s28 =	sadd.s32 $0xFFFFFFFD, s25;
	v43 =	vadd.s32 v16, v35;
	v33 =	vld [tilespmem:s22+$0xFFFFFF00]  }
0x272: {  	v44 =	vmov s28  }
0x273: {  	v35 =	vshrl.u32 v44, $0x3  }
0x274: {  	v35 =	vshll.u32 v35, v1  }
0x275: {  	v35 =	vbroadcast v35, $0x0  }
0x276: {  	[tilespmem:v43+s17+$0x0] =	vst.idx.msk $0xffff, v33  }
0x277: {  	v45 =	vadd.s32 v17, v35;
	v33 =	vld [tilespmem:s22+$0xFFFFFF10];
	_ =	sdelay $0x4  }
0x278: {  	[tilespmem:v45+s17+$0x0] =	vst.idx.msk $0xffff, v33  }
0x279: {  	v46 =	vadd.s32 v18, v35;
	v33 =	vld [tilespmem:s22+$0xFFFFFF20];
	_ =	sdelay $0x4  }
0x27a: {  	[tilespmem:v46+s17+$0x0] =	vst.idx.msk $0xffff, v33  }
0x27b: {  	v47 =	vadd.s32 v19, v35;
	v33 =	vld [tilespmem:s22+$0xFFFFFF30];
	_ =	sdelay $0x4  }
0x27c: {  	[tilespmem:v47+s17+$0x0] =	vst.idx.msk $0xffff, v33  }
0x27d: {  	s29 =	sadd.s32 $0xFFFFFFFE, s25;
	v48 =	vadd.s32 v20, v35;
	v33 =	vld [tilespmem:s22+$0xFFFFFF40]  }
0x27e: {  	v49 =	vmov s29  }
0x27f: {  	v35 =	vshrl.u32 v49, $0x3  }
0x280: {  	v35 =	vshll.u32 v35, v1  }
0x281: {  	v35 =	vbroadcast v35, $0x0  }
0x282: {  	[tilespmem:v48+s17+$0x0] =	vst.idx.msk $0xffff, v33  }
0x283: {  	v50 =	vadd.s32 v21, v35;
	v33 =	vld [tilespmem:s22+$0xFFFFFF50];
	_ =	sdelay $0x4  }
0x284: {  	[tilespmem:v50+s17+$0x0] =	vst.idx.msk $0xffff, v33  }
0x285: {  	v51 =	vadd.s32 v22, v35;
	v33 =	vld [tilespmem:s22+$0xFFFFFF60];
	_ =	sdelay $0x4  }
0x286: {  	[tilespmem:v51+s17+$0x0] =	vst.idx.msk $0xffff, v33  }
0x287: {  	v52 =	vadd.s32 v23, v35;
	v33 =	vld [tilespmem:s22+$0xFFFFFF70];
	_ =	sdelay $0x4  }
0x288: {  	[tilespmem:v52+s17+$0x0] =	vst.idx.msk $0xffff, v33  }
0x289: {  	s30 =	sadd.s32 $0xFFFFFFFF, s25;
	v53 =	vadd.s32 v24, v35;
	v33 =	vld [tilespmem:s22+$0xFFFFFF80]  }
0x28a: {  	v54 =	vmov s30  }
0x28b: {  	v35 =	vshrl.u32 v54, $0x3  }
0x28c: {  	v35 =	vshll.u32 v35, v1  }
0x28d: {  	v35 =	vbroadcast v35, $0x0  }
0x28e: {  	[tilespmem:v53+s17+$0x0] =	vst.idx.msk $0xffff, v33  }
0x28f: {  	v55 =	vadd.s32 v25, v35;
	v33 =	vld [tilespmem:s22+$0xFFFFFF90];
	_ =	sdelay $0x4  }
0x290: {  	[tilespmem:v55+s17+$0x0] =	vst.idx.msk $0xffff, v33  }
0x291: {  	v56 =	vadd.s32 v26, v35;
	v33 =	vld [tilespmem:s22+$0xFFFFFFA0];
	_ =	sdelay $0x4  }
0x292: {  	[tilespmem:v56+s17+$0x0] =	vst.idx.msk $0xffff, v33  }
0x293: {  	v57 =	vadd.s32 v27, v35;
	v33 =	vld [tilespmem:s22+$0xFFFFFFB0];
	_ =	sdelay $0x4  }
0x294: {  	[tilespmem:v57+s17+$0x0] =	vst.idx.msk $0xffff, v33  }
0x295: {  	v58 =	vadd.s32 v28, v35;
	v33 =	vld [tilespmem:s22+$0xFFFFFFC0]  }
0x296: {  	v59 =	vmov s25  }
0x297: {  	v35 =	vshrl.u32 v59, $0x3  }
0x298: {  	v35 =	vshll.u32 v35, v1  }
0x299: {  	v35 =	vbroadcast v35, $0x0  }
0x29a: {  	[tilespmem:v58+s17+$0x0] =	vst.idx.msk $0xffff, v33  }
0x29b: {  	v60 =	vadd.s32 v29, v35;
	v33 =	vld [tilespmem:s22+$0xFFFFFFD0];
	_ =	sdelay $0x4  }
0x29c: {  	[tilespmem:v60+s17+$0x0] =	vst.idx.msk $0xffff, v33  }
0x29d: {  	v61 =	vadd.s32 v30, v35;
	v33 =	vld [tilespmem:s22+$0xFFFFFFE0];
	_ =	sdelay $0x4  }
0x29e: {  	[tilespmem:v61+s17+$0x0] =	vst.idx.msk $0xffff, v33  }
0x29f: {  	v62 =	vadd.s32 v31, v35;
	v33 =	vld [tilespmem:s22+$0xFFFFFFF0];
	_ =	sdelay $0x4  }
0x2a0: {  	[tilespmem:v62+s17+$0x0] =	vst.idx.msk $0xffff, v33  }
0x2a1: {  	v63 =	vadd.s32 v32, v35;
	v33 =	vld [tilespmem:s22+$0x0];
	_ =	sdelay $0x2  }
0x2a2: {  	s31 =	sadd.s32 s4, s24  }
0x2a3: {  	s22 =	sadd.s32 s23, s31  }
0x2a4: {  	s24 =	simm.s32 $0x6300;
	s23 =	sadd.s32 $0x80, s22;
	[tilespmem:v63+s17+$0x0] =	vst.idx.msk $0xffff, v33  }
0x2a5: {  	[hbm4b:s23+s5] =	stream.linear.scatter [tilespmem:s24], [sflag:$0x6], $0x80, $0x38;
	[tilespmem:$0x8500] =	vst v63  }
0x2a6: {  	s25 =	simm.s32 $0x6388;
	s26 =	sadd.s32 $0x10, s23  }
0x2a7: {  	[hbm4b:s26+s5] =	stream.linear.scatter [tilespmem:s25], [sflag:$0x6], $0x80, $0x38;
	[tilespmem:$0x8500] =	vst v63  }
0x2a8: {  	s28 =	simm.s32 $0x6410;
	s30 =	simm.s32 $0x6498;
	s29 =	sadd.s32 $0x20, s23  }
0x2a9: {  	[hbm4b:s29+s5] =	stream.linear.scatter [tilespmem:s28], [sflag:$0x6], $0x80, $0x38;
	[tilespmem:$0x8500] =	vst v63  }
0x2aa: {  	s22 =	simm.s32 $0x440;
	s31 =	sadd.s32 $0x30, s23;
	s24 =	simm.s32 $0x2200  }
0x2ab: {  	[hbm4b:s31+s5] =	stream.linear.scatter [tilespmem:s30], [sflag:$0x6], $0x80, $0x38;
	[tilespmem:$0x8500] =	vst v63  }
0x2ac: {  	s25 =	simm.s32 $0x6520;
	s26 =	sadd.s32 $0x40, s23;
	s28 =	simm.s32 $0x65A8  }
0x2ad: {  	[hbm4b:s26+s5] =	stream.linear.scatter [tilespmem:s25], [sflag:$0x6], $0x80, $0x38;
	[tilespmem:$0x8500] =	vst v63  }
0x2ae: {  	s29 =	sadd.s32 $0x50, s23;
	s30 =	simm.s32 $0x6630;
	s31 =	sadd.s32 $0x60, s23  }
0x2af: {  	[hbm4b:s29+s5] =	stream.linear.scatter [tilespmem:s28], [sflag:$0x6], $0x80, $0x38;
	[tilespmem:$0x8500] =	vst v63  }
0x2b0: {  	s25 =	simm.s32 $0x66B8;
	s26 =	sadd.s32 $0x70, s23;
	s23 =	sadd.s32 $0x4000, s23  }
0x2b1: {  	[hbm4b:s31+s5] =	stream.linear.scatter [tilespmem:s30], [sflag:$0x6], $0x80, $0x38;
	[tilespmem:$0x8500] =	vst v63  }
.LBB2_9:
0x2b2: {  	[hbm4b:s26+s5] =	stream.linear.scatter [tilespmem:s25], [sflag:$0x6], $0x80, $0x38;
	[tilespmem:$0x8500] =	vst v63  }
0x2b3: {  	s25 =	smov.u32 s22;
	s22 =	smov.u32 s24  }
0x2b4: {  	s28 =	sadd.s32 $0x1100, s24;
	s22 =	sshra.s32 s22, $0x2;
	s26 =	sadd.s32 $0x6300, s25  }
0x2b5: {  	[hbm4b:s23+s5] =	stream.linear.scatter [tilespmem:s26], [sflag:$0x6], $0x80, $0x38;
	[tilespmem:$0x8500] =	vst v63  }
0x2b6: {  	p1 =	sne.s32 s24, $0x7700;
	s24 =	sadd.s32 $0x6388, s25;
	s26 =	sadd.s32 $0x10, s23  }
0x2b7: {  	[hbm4b:s26+s5] =	stream.linear.scatter [tilespmem:s24], [sflag:$0x6], $0x80, $0x38;
	[tilespmem:$0x8500] =	vst v63  }
0x2b8: {  	s24 =	sadd.s32 $0x6410, s25;
	s26 =	sadd.s32 $0x20, s23  }
0x2b9: {  	[hbm4b:s26+s5] =	stream.linear.scatter [tilespmem:s24], [sflag:$0x6], $0x80, $0x38;
	[tilespmem:$0x8500] =	vst v63  }
0x2ba: {  	s24 =	sadd.s32 $0x6498, s25;
	s26 =	sadd.s32 $0x30, s23  }
0x2bb: {  	[hbm4b:s26+s5] =	stream.linear.scatter [tilespmem:s24], [sflag:$0x6], $0x80, $0x38;
	[tilespmem:$0x8500] =	vst v63  }
0x2bc: {  	s24 =	sadd.s32 $0x6520, s25;
	s26 =	sadd.s32 $0x40, s23  }
0x2bd: {  	[hbm4b:s26+s5] =	stream.linear.scatter [tilespmem:s24], [sflag:$0x6], $0x80, $0x38;
	[tilespmem:$0x8500] =	vst v63  }
.Ltmp3:
0x2be: {  	s24 =	sadd.s32 $0x65A8, s25;
	s26 =	sadd.s32 $0x50, s23;
	(pc) =	sbr.rel @p1 .LBB2_9-.Ltmp3, $4  }
0x2bf: {  	[hbm4b:s26+s5] =	stream.linear.scatter [tilespmem:s24], [sflag:$0x6], $0x80, $0x38;
	[tilespmem:$0x8500] =	vst v63  }
0x2c0: {  	s24 =	sadd.s32 $0x6630, s25;
	s26 =	sadd.s32 $0x60, s23;
	s25 =	sadd.s32 $0x66B8, s25  }
0x2c1: {  	[hbm4b:s26+s5] =	stream.linear.scatter [tilespmem:s24], [sflag:$0x6], $0x80, $0x38;
	[tilespmem:$0x8500] =	vst v63  }
0x2c2: {  	s26 =	sadd.s32 $0x70, s23;
	s23 =	sadd.s32 $0x4000, s23;
	s24 =	smov.u32 s28  }
0x2c3: {  	[hbm4b:s26+s5] =	stream.linear.scatter [tilespmem:s25], [sflag:$0x6], $0x80, $0x38;
	[tilespmem:$0x8500] =	vst v63  }
0x2c4: {  	s24 =	sadd.s32 $0x6300, s22  }
0x2c5: {  	[hbm4b:s23+s5] =	stream.linear.scatter [tilespmem:s24], [sflag:$0x6], $0x80, $0x38;
	[tilespmem:$0x8500] =	vst v63  }
0x2c6: {  	s30 =	sadd.s32 $0x6388, s22;
	s31 =	sadd.s32 $0x10, s23  }
0x2c7: {  	[hbm4b:s31+s5] =	stream.linear.scatter [tilespmem:s30], [sflag:$0x6], $0x80, $0x38;
	[tilespmem:$0x8500] =	vst v63  }
0x2c8: {  	s25 =	sadd.s32 $0x6410, s22;
	s26 =	sadd.s32 $0x20, s23  }
0x2c9: {  	[hbm4b:s26+s5] =	stream.linear.scatter [tilespmem:s25], [sflag:$0x6], $0x80, $0x38;
	[tilespmem:$0x8500] =	vst v63  }
0x2ca: {  	s28 =	sadd.s32 $0x6498, s22;
	s29 =	sadd.s32 $0x30, s23  }
0x2cb: {  	[hbm4b:s29+s5] =	stream.linear.scatter [tilespmem:s28], [sflag:$0x6], $0x80, $0x38;
	[tilespmem:$0x8500] =	vst v63  }
0x2cc: {  	s30 =	sadd.s32 $0x6520, s22;
	s31 =	sadd.s32 $0x40, s23  }
0x2cd: {  	[hbm4b:s31+s5] =	stream.linear.scatter [tilespmem:s30], [sflag:$0x6], $0x80, $0x38;
	[tilespmem:$0x8500] =	vst v63  }
0x2ce: {  	s25 =	sadd.s32 $0x65A8, s22;
	s26 =	sadd.s32 $0x50, s23  }
0x2cf: {  	[hbm4b:s26+s5] =	stream.linear.scatter [tilespmem:s25], [sflag:$0x6], $0x80, $0x38;
	[tilespmem:$0x8500] =	vst v63  }
0x2d0: {  	s28 =	sadd.s32 $0x6630, s22;
	s29 =	sadd.s32 $0x60, s23  }
0x2d1: {  	[hbm4b:s29+s5] =	stream.linear.scatter [tilespmem:s28], [sflag:$0x6], $0x80, $0x38;
	[tilespmem:$0x8500] =	vst v63  }
0x2d2: {  	s30 =	sadd.s32 $0x66B8, s22;
	s31 =	sadd.s32 $0x70, s23;
	s22 =	simm.s32 @!p0 $0x2  }
0x2d3: {  	[hbm4b:s31+s5] =	stream.linear.scatter [tilespmem:s30], [sflag:$0x6], $0x80, $0x38;
	[tilespmem:$0x8500] =	vst v63  }
0x2d4: {  	_ =	swait.ge @!p0 [sflag:s22], $0x80  }
0x2d5: {  	s21 =	sadd.s32 $0x1, s21;
	[sflag:s22] =	ssyncset.done @!p0 $0x0  }
0x2d6: {  	s23 =	simm.s32 @!p0 $0x2100;
	[sflag:s22] =	ssyncadd.s32 @!p0 $0xFFFFFF80;
	s22 =	simm.s32 @!p0 $0x80  }
0x2d7: {  	[tilespmem:s23], [sflag:$0x4] =	stream.indirect.gather @!p0 [hbm4b:s7+s22], $0x40, s22, s22, $0xb8;
	[tilespmem:$0x8500] =	vst v63  }
0x2d8: {  	p0 =	sne.s32 s21, $0x190  }
.Ltmp4:
0x2d9: {  	_ = 	snop;
	(pc) =	sbr.rel @p0 .LBB2_2-.Ltmp4, $1  }
0x2da: {  	_ =	sdelay $0x3  }
0x2db: {  	s20 =	sadd.s32 $0x1, s20  }
0x2dc: {  	_ =	swait.ge [sflag:s18], $0x2000;
	p0 =	sne.s32 s20, s9  }
.Ltmp5:
0x2dd: {  	[sflag:s18] =	ssyncset.done $0x0;
	(pc) =	sbr.rel @p0 .LBB2_1-.Ltmp5, $4  }
0x2de: {  	[sflag:s18] =	ssyncadd.s32 $0xFFFFE000  }
0x2df: {  	_ =	swait.ge [sflag:s19], $0x2000  }
0x2e0: {  	[sflag:s19] =	ssyncset.done $0x0  }
0x2e1: {  	[sflag:s19] =	ssyncadd.s32 $0xFFFFE000  }
0x2e2: {  	_ =	sfence.sel $0x180000  }
0x2e3: {  	[bflag:$0x0] =	sbarrier.arrive $0xFFFF  }
0x2e4: {  	p0 =	sne.s32 s0, $0x0;
	_ =	strace $0x90000047  }
0x2e5: {  	s0 =	sadd.s32 @!p0 $0x100000, s3;
	[bflag:$0x2] =	sbarrier.arrive $0xFFFF  }
0x2e6: {  	[sflag:s0] =	ssyncadd.tile.s32 @!p0 $0x1;
	_ =	shalt  }
.Lfunc_end2:
_tile_overlayer_lowered:
.L_overlay_start_2:
0x2e7: {  	(tag) =	ssettag $0x2  }
0x2e8: {  	s0 =	rddreg [dreg:$0x0];
	s2 =	stileid.u32  }
0x2e9: {  	s1 =	rddreg [dreg:$0x1];
	p0 =	sne.s32 s2, $0x0  }
0x2ea: {  	s3 =	rddreg [dreg:$0x2];
	[bflag:$0x3] =	sbarrier.arrive $0xFFFF;
	s2 =	simm.s32 @!p0 $0x1C07  }
0x2eb: {  	[timem:s3], [sflag:s2] =	dma.local @!p0 [hbm:s0], s1  }
0x2ec: {  	s0 =	simm.s32 @!p0 $0x7  }
0x2ed: {  	_ =	swait.ge @!p0 [sflag:s0], s1  }
0x2ee: {  	s1 =	ssub.s32 @!p0 $0x0, s1;
	[sflag:s0] =	ssyncset.done @!p0 $0x0  }
0x2ef: {  	[sflag:s0] =	ssyncadd.s32 @!p0 s1  }
0x2f0: {  	[bflag:$0x3] =	sbarrier.arrive $0xFFFF  }
0x2f1: {  	_ =	shalt  }

</sc_bundles>
